<compile_context>
chip_gen: v7x
topology: tpu7x:2x2x1
jax: 0.10.2.dev20260603
libtpu: 0.0.44.dev20260713+nightly
codegen_flags: <defaults>
</compile_context>

<pallas_src>
import functools

import jax
import jax.numpy as jnp
from jax import lax
from jax.experimental import pallas as pl
from jax.experimental.pallas import tpu as pltpu
from jax.experimental.pallas import tpu_sc as plsc

N = 10000
D = 128

NC = 2
NS = 16
NW = NC * NS
K = 128

NBUF = 4
ISR = 3
IDR = 4
RBUF = 3

CPT0 = 80
CPT1 = 80

NP = 10112
ROWS_PT = NP // NS


def _mesh():
  return plsc.VectorSubcoreMesh(core_axis_name="c", subcore_axis_name="s")


def _make_deg_kernel(cpt):

  @functools.partial(
      pl.kernel,
      mesh=_mesh(),
      out_type=jax.ShapeDtypeStruct((NC, NP, D), jnp.float32),
      scratch_types=[
          pltpu.VMEM_SHARED((NP, D), jnp.float32),
          pltpu.VMEM((cpt, K), jnp.int32),
          pltpu.VMEM((K, D), jnp.float32),
          pltpu.SemaphoreType.DMA((NBUF,)),
      ],
  )
  def deg_kernel(dst_hbm, ones_hbm, zeros_hbm, out_hbm, deg_sh, dst_all, ones_v,
                 dsem):
    c = lax.axis_index("c")
    s = lax.axis_index("s")
    w = s * NC + c
    pltpu.sync_copy(zeros_hbm, deg_sh.at[pl.ds(s * ROWS_PT, ROWS_PT)])
    pltpu.sync_copy(ones_hbm, ones_v)
    pltpu.sync_copy(dst_hbm.at[w], dst_all)
    plsc.subcore_barrier()

    def dwait(j):
      pltpu.make_async_copy(ones_v, deg_sh.at[dst_all.at[j]],
                            dsem.at[lax.rem(j, NBUF)]).wait()

    def step(j, carry):
      @pl.when(j >= NBUF)
      def _():
        dwait(j - NBUF)
      pltpu.async_copy(ones_v, deg_sh.at[dst_all.at[j]],
                       dsem.at[lax.rem(j, NBUF)], add=True)
      return carry

    lax.fori_loop(0, cpt, step, 0)
    for j in range(cpt - NBUF, cpt):
      dwait(j)
    plsc.subcore_barrier()
    pltpu.sync_copy(
        deg_sh.at[pl.ds(s * ROWS_PT, ROWS_PT)],
        out_hbm.at[c, pl.ds(s * ROWS_PT, ROWS_PT)],
    )

  return deg_kernel


def _make_agg_kernel(cpt0, cpt1):

  @functools.partial(
      pl.kernel,
      mesh=_mesh(),
      out_type=jax.ShapeDtypeStruct((NC, NP, D), jnp.float32),
      scratch_types=[
          pltpu.VMEM_SHARED((NP, D), jnp.float32),
          pltpu.VMEM((ISR, 1, K), jnp.int32),
          pltpu.VMEM((IDR, 1, K), jnp.int32),
          pltpu.VMEM((RBUF, K, D), jnp.float32),
          pltpu.SemaphoreType.DMA((ISR,)),
          pltpu.SemaphoreType.DMA((IDR,)),
          pltpu.SemaphoreType.DMA((RBUF,)),
      ],
  )
  def agg_kernel(src_hbm, dst_hbm, tab_hbm, zeros_hbm, out_hbm,
                 agg_sh, src_ring, dst_ring, rows_v, ssem, dsem, gsem):
    c = lax.axis_index("c")
    s = lax.axis_index("s")
    cnt = jnp.where(c == 0, cpt0, cpt1)
    base = jnp.where(c == 0, s * cpt0, NS * cpt0 + s * cpt1)
    pltpu.sync_copy(zeros_hbm, agg_sh.at[pl.ds(s * ROWS_PT, ROWS_PT)])

    def istart(j):
      pltpu.async_copy(src_hbm.at[base + j], src_ring.at[lax.rem(j, ISR)],
                       ssem.at[lax.rem(j, ISR)])
      pltpu.async_copy(dst_hbm.at[base + j], dst_ring.at[lax.rem(j, IDR)],
                       dsem.at[lax.rem(j, IDR)])

    def iwait(j):
      pltpu.make_async_copy(src_hbm.at[base + j],
                            src_ring.at[lax.rem(j, ISR)],
                            ssem.at[lax.rem(j, ISR)]).wait()
      pltpu.make_async_copy(dst_hbm.at[base + j],
                            dst_ring.at[lax.rem(j, IDR)],
                            dsem.at[lax.rem(j, IDR)]).wait()

    def gstart(j):
      b = lax.rem(j, RBUF)
      pltpu.async_copy(tab_hbm.at[src_ring.at[lax.rem(j, ISR), 0]],
                       rows_v.at[b], gsem.at[b])

    def gwait(j):
      b = lax.rem(j, RBUF)
      pltpu.make_async_copy(tab_hbm.at[src_ring.at[lax.rem(j, ISR), 0]],
                            rows_v.at[b], gsem.at[b]).wait()

    plsc.subcore_barrier()

    istart(0)
    istart(1)
    istart(2)
    iwait(0)
    gstart(0)
    iwait(1)
    gstart(1)

    def step(j, carry):
      @pl.when(j + 2 < cnt)
      def _():
        iwait(j + 2)
        gstart(j + 2)

      gwait(j)

      @pl.when(j + 3 < cnt)
      def _():
        istart(j + 3)

      pltpu.sync_copy(rows_v.at[lax.rem(j, RBUF)],
                      agg_sh.at[dst_ring.at[lax.rem(j, IDR), 0]], add=True)
      return carry

    lax.fori_loop(0, cnt, step, 0)
    plsc.subcore_barrier()
    pltpu.sync_copy(
        agg_sh.at[pl.ds(s * ROWS_PT, ROWS_PT)],
        out_hbm.at[c, pl.ds(s * ROWS_PT, ROWS_PT)],
    )

  return agg_kernel




def _hs1_body(x_ref, w_ref, d0_ref, d1_ref, o_ref):
  dinv = lax.rsqrt(d0_ref[...] + d1_ref[...] + 1.0)
  h = jnp.dot(x_ref[...], w_ref[...], preferred_element_type=jnp.float32)
  o_ref[...] = dinv * h


def _mid_body(p0_ref, p1_ref, hs_ref, d0_ref, d1_ref, b_ref, w_ref, o_ref):
  dinv = lax.rsqrt(d0_ref[...] + d1_ref[...] + 1.0)
  hs = hs_ref[...]
  z = dinv * (p0_ref[...] + p1_ref[...] + hs) + b_ref[...]
  x2 = jnp.maximum(z, 0.0)
  h2 = jnp.dot(x2, w_ref[...], preferred_element_type=jnp.float32)
  o_ref[...] = dinv * h2


def _out_body(p0_ref, p1_ref, hs_ref, d0_ref, d1_ref, b_ref, o_ref):
  dinv = lax.rsqrt(d0_ref[...] + d1_ref[...] + 1.0)
  z = dinv * (p0_ref[...] + p1_ref[...] + hs_ref[...]) + b_ref[...]
  m = jnp.max(z, axis=1, keepdims=True)
  zs = z - m
  o_ref[...] = zs - jnp.log(jnp.sum(jnp.exp(zs), axis=1, keepdims=True))


def kernel(x, edge_index, W1, b1, W2, b2):
  n = x.shape[0]
  assert n == N
  e = edge_index.shape[1]

  cpt0, cpt1 = CPT0, CPT1
  tot_need = -(-e // K)
  while NS * (cpt0 + cpt1) < tot_need:
    cpt0 += 8
  ch_pad = NS * (cpt0 + cpt1)
  assert ch_pad % NW == 0
  cpt_deg = ch_pad // NW
  e_pad = ch_pad * K
  pad = e_pad - e

  src = edge_index[0].astype(jnp.int32)
  dst = edge_index[1].astype(jnp.int32)
  fill = jnp.arange(pad, dtype=jnp.int32)
  src = jnp.concatenate([src, fill % N])
  dst = jnp.concatenate([dst, N + fill % (NP - N)])
  src3d = src.reshape(ch_pad, 1, K)
  dst3d = dst.reshape(ch_pad, 1, K)
  dst_deg = dst.reshape(NW, cpt_deg, K)

  onesD = jnp.ones((K, D), jnp.float32)
  zerosD = jnp.zeros((ROWS_PT, D), jnp.float32)

  deg_kernel = _make_deg_kernel(cpt_deg)
  agg_kernel = _make_agg_kernel(cpt0, cpt1)

  degp = deg_kernel(dst_deg, onesD, zerosD)
  d0 = degp[0, :N, 0:1]
  d1 = degp[1, :N, 0:1]

  b1r = b1.reshape(1, D)
  b2r = b2.reshape(1, D)

  hs1 = pl.pallas_call(
      _hs1_body,
      out_shape=jax.ShapeDtypeStruct((N, D), jnp.float32),
  )(x, W1, d0, d1)

  agg1 = agg_kernel(src3d, dst3d, hs1, zerosD)

  hs2 = pl.pallas_call(
      _mid_body,
      out_shape=jax.ShapeDtypeStruct((N, D), jnp.float32),
  )(agg1[0, :N], agg1[1, :N], hs1, d0, d1, b1r, W2)

  agg2 = agg_kernel(src3d, dst3d, hs2, zerosD)

  out = pl.pallas_call(
      _out_body,
      out_shape=jax.ShapeDtypeStruct((N, D), jnp.float32),
  )(agg2[0, :N], agg2[1, :N], hs2, d0, d1, b2r)

  return out

# --- scband reference (transcript-rebuilt; emitter-appended) ---
"""Pipeline reference for scband-gcn-13683765805693 (READ-ONLY COPY).

The authoritative reference and input builder live on the scoring server;
editing this copy changes nothing except your own understanding.
"""

import jax
import jax.numpy as jnp
import numpy as np

N = 10000
E = 320000
D = 128
H = 128
OUT = 128


def _glorot(key, shape):
    fan_in, fan_out = shape[0], shape[1]
    limit = (6.0 / (fan_in + fan_out)) ** 0.5
    return jax.random.uniform(key, shape, jnp.float32, -limit, limit)


def setup_inputs(seed: int = 0) -> dict:
    key = jax.random.key(seed)
    k1, k2, k3, k4 = jax.random.split(key, 4)
    x = jax.random.normal(k1, (N, D), dtype=jnp.float32)
    edge_index = jax.random.randint(k2, (2, E), 0, N).astype(jnp.int64)
    W1 = _glorot(k3, (D, H))
    b1 = jnp.zeros((H,), dtype=jnp.float32)
    W2 = _glorot(k4, (H, OUT))
    b2 = jnp.zeros((OUT,), dtype=jnp.float32)
    return {"x": x, "edge_index": edge_index, "W1": W1, "b1": b1, "W2": W2, "b2": b2}


def _gcn_conv(x, src, dst, n, W, b):
    # Standard GCNConv: x' = D^{-1/2} (A + I) D^{-1/2} x W + b
    h = x @ W
    deg = jax.ops.segment_sum(jnp.ones_like(src, dtype=h.dtype), dst, num_segments=n)
    dinv = jnp.where(deg > 0, jax.lax.rsqrt(jnp.maximum(deg, 1e-12)), 0.0)
    norm = dinv[src] * dinv[dst]
    msg = h[src] * norm[:, None]
    out = jax.ops.segment_sum(msg, dst, num_segments=n)
    return out + b


def reference(x, edge_index, W1, b1, W2, b2):
    n = x.shape[0]
    loops = jnp.arange(n, dtype=edge_index.dtype)
    src = jnp.concatenate([edge_index[0], loops])
    dst = jnp.concatenate([edge_index[1], loops])
    h = _gcn_conv(x, src, dst, n, W1, b1)
    h = jax.nn.relu(h)
    h = _gcn_conv(h, src, dst, n, W2, b2)
    return jax.nn.log_softmax(h, axis=1)

if __name__ == "__main__":
    import jax
    _d = setup_inputs()
    print(jax.jit(kernel)(*tuple(_d.values())))

</pallas_src>

<mosaic_0001>
#map = affine_map<(d0, d1) -> (0, 0, 0)>
#map1 = affine_map<(d0, d1) -> (0, 0)>
module attributes {stable_mosaic.version = 14 : i64} {
  func.func @deg_kernel(%arg0: i32, %arg1: i32, %arg2: memref<32x80x128xi32, #tpu.memory_space<hbm>>, %arg3: memref<128x128xf32, #tpu.memory_space<hbm>>, %arg4: memref<632x128xf32, #tpu.memory_space<hbm>>, %arg5: memref<2x10112x128xf32, #tpu.memory_space<hbm>>, %arg6: memref<10112x128xf32, #tpu.memory_space<vmem_shared>>, %arg7: memref<80x128xi32, #tpu.memory_space<vmem>>, %arg8: memref<128x128xf32, #tpu.memory_space<vmem>>, %arg9: memref<4x!tpu.dma_semaphore, #tpu.memory_space<semaphore_mem>>) attributes {dimension_semantics = [#tpu.dimension_semantics<core_parallel>, #tpu.dimension_semantics<subcore_parallel>], iteration_bounds = array<i64: 2, 16>, scalar_prefetch = 0 : i64, scratch_operands = 4 : i64, tpu.core_type = #tpu.core_type<sc_vector_subcore>, window_params = [{transform_indices = #map}, {transform_indices = #map1}, {transform_indices = #map1}, {transform_indices = #map}]} {
    %mul3A = arith.constant 2 : i32
    %mul3A_0 = arith.muli %arg1, %mul3A : i32
    %add3A = arith.addi %mul3A_0, %arg0 : i32
    %mul3A_1 = arith.constant 632 : i32
    %mul3A_2 = arith.muli %arg1, %mul3A_1 : i32
    "tpu.region"() ({
      %run_scoped3A = tpu.sem_alloc : memref<!tpu.dma_semaphore, #tpu.memory_space<semaphore_mem>>
      %dma_start3A = arith.constant 0 : i32
      %dma_start3A_59 = tpu.memref_slice %arg6[%mul3A_2, %dma_start3A] : memref<10112x128xf32, #tpu.memory_space<vmem_shared>> -> memref<632x128xf32, #tpu.memory_space<vmem_shared>>
      tpu.enqueue_dma source(%arg4 : memref<632x128xf32, #tpu.memory_space<hbm>>) target(%dma_start3A_59 : memref<632x128xf32, #tpu.memory_space<vmem_shared>>) target_semaphore(%run_scoped3A : memref<!tpu.dma_semaphore, #tpu.memory_space<semaphore_mem>>)
      %dma_wait3A_60 = arith.constant 0 : i32
      %dma_wait3A_61 = tpu.memref_slice %arg6[%mul3A_2, %dma_wait3A_60] : memref<10112x128xf32, #tpu.memory_space<vmem_shared>> -> memref<632x128xf32, #tpu.memory_space<vmem_shared>>
      tpu.wait_dma2 semaphore(%run_scoped3A : memref<!tpu.dma_semaphore, #tpu.memory_space<semaphore_mem>>) src(%arg4 : memref<632x128xf32, #tpu.memory_space<hbm>>) dst(%dma_wait3A_61 : memref<632x128xf32, #tpu.memory_space<vmem_shared>>)
      tpu.yield
    }) : () -> ()
    "tpu.region"() ({
      %run_scoped3A = tpu.sem_alloc : memref<!tpu.dma_semaphore, #tpu.memory_space<semaphore_mem>>
      tpu.enqueue_dma source(%arg3 : memref<128x128xf32, #tpu.memory_space<hbm>>) target(%arg8 : memref<128x128xf32, #tpu.memory_space<vmem>>) target_semaphore(%run_scoped3A : memref<!tpu.dma_semaphore, #tpu.memory_space<semaphore_mem>>)
      tpu.wait_dma2 semaphore(%run_scoped3A : memref<!tpu.dma_semaphore, #tpu.memory_space<semaphore_mem>>) src(%arg3 : memref<128x128xf32, #tpu.memory_space<hbm>>) dst(%arg8 : memref<128x128xf32, #tpu.memory_space<vmem>>)
      tpu.yield
    }) : () -> ()
    "tpu.region"() ({
      %run_scoped3A = tpu.sem_alloc : memref<!tpu.dma_semaphore, #tpu.memory_space<semaphore_mem>>
      %dma_start3A = arith.constant 0 : i32
      %dma_start3A_59 = arith.constant 0 : i32
      %dma_start3A_60 = tpu.memref_slice %arg2[%add3A, %dma_start3A, %dma_start3A_59] : memref<32x80x128xi32, #tpu.memory_space<hbm>> -> memref<1x80x128xi32, #tpu.memory_space<hbm>>
      %dma_start3A_61 = tpu.memref_squeeze %dma_start3A_60 : memref<1x80x128xi32, #tpu.memory_space<hbm>> -> memref<80x128xi32, #tpu.memory_space<hbm>>
      %dma_start3A_62 = arith.constant 0 : i32
      %dma_start3A_63 = arith.constant 0 : i32
      %dma_start3A_64 = tpu.memref_slice %arg2[%add3A, %dma_start3A_62, %dma_start3A_63] : memref<32x80x128xi32, #tpu.memory_space<hbm>> -> memref<1x80x128xi32, #tpu.memory_space<hbm>>
      %dma_start3A_65 = tpu.memref_squeeze %dma_start3A_64 : memref<1x80x128xi32, #tpu.memory_space<hbm>> -> memref<80x128xi32, #tpu.memory_space<hbm>>
      tpu.enqueue_dma source(%dma_start3A_65 : memref<80x128xi32, #tpu.memory_space<hbm>>) target(%arg7 : memref<80x128xi32, #tpu.memory_space<vmem>>) target_semaphore(%run_scoped3A : memref<!tpu.dma_semaphore, #tpu.memory_space<semaphore_mem>>)
      %dma_wait3A_66 = arith.constant 0 : i32
      %dma_wait3A_67 = arith.constant 0 : i32
      %dma_wait3A_68 = tpu.memref_slice %arg2[%add3A, %dma_wait3A_66, %dma_wait3A_67] : memref<32x80x128xi32, #tpu.memory_space<hbm>> -> memref<1x80x128xi32, #tpu.memory_space<hbm>>
      %dma_wait3A_69 = tpu.memref_squeeze %dma_wait3A_68 : memref<1x80x128xi32, #tpu.memory_space<hbm>> -> memref<80x128xi32, #tpu.memory_space<hbm>>
      %dma_wait3A_70 = arith.constant 0 : i32
      %dma_wait3A_71 = arith.constant 0 : i32
      %dma_wait3A_72 = tpu.memref_slice %arg2[%add3A, %dma_wait3A_70, %dma_wait3A_71] : memref<32x80x128xi32, #tpu.memory_space<hbm>> -> memref<1x80x128xi32, #tpu.memory_space<hbm>>
      %dma_wait3A_73 = tpu.memref_squeeze %dma_wait3A_72 : memref<1x80x128xi32, #tpu.memory_space<hbm>> -> memref<80x128xi32, #tpu.memory_space<hbm>>
      tpu.wait_dma2 semaphore(%run_scoped3A : memref<!tpu.dma_semaphore, #tpu.memory_space<semaphore_mem>>) src(%dma_wait3A_73 : memref<80x128xi32, #tpu.memory_space<hbm>>) dst(%arg7 : memref<80x128xi32, #tpu.memory_space<vmem>>)
      tpu.yield
    }) : () -> ()
    %barrier3A = arith.constant 0 : index
    tpu.barrier barrier_id(%barrier3A)
    %scan3A = arith.constant 0 : i32
    %scan3A_3 = arith.constant 0 : i32
    %scan3A_4 = arith.constant 80 : i32
    %scan3A_5 = arith.addi %scan3A_3, %scan3A_4 : i32
    %scan3A_6 = arith.constant 1 : i32
    scf.for %scan3A_59 = %scan3A_3 to %scan3A_5 step %scan3A_6  : i32 {
      %ge3A = arith.constant 4 : i32
      %ge3A_60 = arith.cmpi sge, %scan3A_59, %ge3A : i32
      %convert_element_type3A = arith.extui %ge3A_60 : i1 to i32
      %cond3A = arith.constant 0 : i32
      %cond3A_61 = arith.cmpi ne, %convert_element_type3A, %cond3A : i32
      scf.if %cond3A_61 {
        %sub3A = arith.constant 4 : i32
        %sub3A_71 = arith.subi %scan3A_59, %sub3A : i32
        %rem3A_72 = arith.constant 4 : i32
        %rem3A_73 = arith.remsi %sub3A_71, %rem3A_72 : i32
        %dma_wait3A_74 = arith.constant 0 : i32
        %dma_wait3A_75 = tpu.memref_slice %arg7[%sub3A_71, %dma_wait3A_74] : memref<80x128xi32, #tpu.memory_space<vmem>> -> memref<1x128xi32, #tpu.memory_space<vmem>>
        %dma_wait3A_76 = tpu.memref_squeeze %dma_wait3A_75 : memref<1x128xi32, #tpu.memory_space<vmem>> -> memref<128xi32, #tpu.memory_space<vmem>>
        %dma_wait3A_77 = arith.constant 0 : i32
        %dma_wait3A_78 = arith.constant 0 : i32
        %dma_wait3A_79 = tpu.memref_slice %arg6[%dma_wait3A_77, %dma_wait3A_78] : memref<10112x128xf32, #tpu.memory_space<vmem_shared>> -> memref<10112x128xf32, #tpu.memory_space<vmem_shared>>
        %dma_wait3A_80 = tpu.memref_slice %arg9[%rem3A_73] : memref<4x!tpu.dma_semaphore, #tpu.memory_space<semaphore_mem>> -> memref<1x!tpu.dma_semaphore, #tpu.memory_space<semaphore_mem>>
        %dma_wait3A_81 = tpu.memref_squeeze %dma_wait3A_80 : memref<1x!tpu.dma_semaphore, #tpu.memory_space<semaphore_mem>> -> memref<!tpu.dma_semaphore, #tpu.memory_space<semaphore_mem>>
        tpu.wait_indirect_dma semaphore(%dma_wait3A_81 : memref<!tpu.dma_semaphore, #tpu.memory_space<semaphore_mem>>) src(%arg8 : memref<128x128xf32, #tpu.memory_space<vmem>>) dst(%dma_wait3A_79 : memref<10112x128xf32, #tpu.memory_space<vmem_shared>>)
      } else {
      }
      %rem3A_62 = arith.constant 4 : i32
      %rem3A_63 = arith.remsi %scan3A_59, %rem3A_62 : i32
      %dma_start3A = arith.constant 0 : i32
      %dma_start3A_64 = tpu.memref_slice %arg7[%scan3A_59, %dma_start3A] : memref<80x128xi32, #tpu.memory_space<vmem>> -> memref<1x128xi32, #tpu.memory_space<vmem>>
      %dma_start3A_65 = tpu.memref_squeeze %dma_start3A_64 : memref<1x128xi32, #tpu.memory_space<vmem>> -> memref<128xi32, #tpu.memory_space<vmem>>
      %dma_start3A_66 = arith.constant 0 : i32
      %dma_start3A_67 = arith.constant 0 : i32
      %dma_start3A_68 = tpu.memref_slice %arg6[%dma_start3A_66, %dma_start3A_67] : memref<10112x128xf32, #tpu.memory_space<vmem_shared>> -> memref<10112x128xf32, #tpu.memory_space<vmem_shared>>
      %dma_start3A_69 = tpu.memref_slice %arg9[%rem3A_63] : memref<4x!tpu.dma_semaphore, #tpu.memory_space<semaphore_mem>> -> memref<1x!tpu.dma_semaphore, #tpu.memory_space<semaphore_mem>>
      %dma_start3A_70 = tpu.memref_squeeze %dma_start3A_69 : memref<1x!tpu.dma_semaphore, #tpu.memory_space<semaphore_mem>> -> memref<!tpu.dma_semaphore, #tpu.memory_space<semaphore_mem>>
      tpu.enqueue_indirect_dma source(%arg8 : memref<128x128xf32, #tpu.memory_space<vmem>>) target(%dma_start3A_68 : memref<10112x128xf32, #tpu.memory_space<vmem_shared>>) offsets(%dma_start3A_65 : memref<128xi32, #tpu.memory_space<vmem>>) semaphore(%dma_start3A_70 : memref<!tpu.dma_semaphore, #tpu.memory_space<semaphore_mem>>) {add = true}
    }
    %scan3A_7 = arith.constant 80 : i32
    %rem3A = arith.constant 76 : i32
    %rem3A_8 = arith.constant 4 : i32
    %rem3A_9 = arith.remsi %rem3A, %rem3A_8 : i32
    %dma_wait3A = arith.constant 76 : i32
    %dma_wait3A_10 = arith.constant 0 : i32
    %dma_wait3A_11 = tpu.memref_slice %arg7[%dma_wait3A, %dma_wait3A_10] : memref<80x128xi32, #tpu.memory_space<vmem>> -> memref<1x128xi32, #tpu.memory_space<vmem>>
    %dma_wait3A_12 = tpu.memref_squeeze %dma_wait3A_11 : memref<1x128xi32, #tpu.memory_space<vmem>> -> memref<128xi32, #tpu.memory_space<vmem>>
    %dma_wait3A_13 = arith.constant 0 : i32
    %dma_wait3A_14 = arith.constant 0 : i32
    %dma_wait3A_15 = tpu.memref_slice %arg6[%dma_wait3A_13, %dma_wait3A_14] : memref<10112x128xf32, #tpu.memory_space<vmem_shared>> -> memref<10112x128xf32, #tpu.memory_space<vmem_shared>>
    %dma_wait3A_16 = tpu.memref_slice %arg9[%rem3A_9] : memref<4x!tpu.dma_semaphore, #tpu.memory_space<semaphore_mem>> -> memref<1x!tpu.dma_semaphore, #tpu.memory_space<semaphore_mem>>
    %dma_wait3A_17 = tpu.memref_squeeze %dma_wait3A_16 : memref<1x!tpu.dma_semaphore, #tpu.memory_space<semaphore_mem>> -> memref<!tpu.dma_semaphore, #tpu.memory_space<semaphore_mem>>
    tpu.wait_indirect_dma semaphore(%dma_wait3A_17 : memref<!tpu.dma_semaphore, #tpu.memory_space<semaphore_mem>>) src(%arg8 : memref<128x128xf32, #tpu.memory_space<vmem>>) dst(%dma_wait3A_15 : memref<10112x128xf32, #tpu.memory_space<vmem_shared>>)
    %rem3A_18 = arith.constant 77 : i32
    %rem3A_19 = arith.constant 4 : i32
    %rem3A_20 = arith.remsi %rem3A_18, %rem3A_19 : i32
    %dma_wait3A_21 = arith.constant 77 : i32
    %dma_wait3A_22 = arith.constant 0 : i32
    %dma_wait3A_23 = tpu.memref_slice %arg7[%dma_wait3A_21, %dma_wait3A_22] : memref<80x128xi32, #tpu.memory_space<vmem>> -> memref<1x128xi32, #tpu.memory_space<vmem>>
    %dma_wait3A_24 = tpu.memref_squeeze %dma_wait3A_23 : memref<1x128xi32, #tpu.memory_space<vmem>> -> memref<128xi32, #tpu.memory_space<vmem>>
    %dma_wait3A_25 = arith.constant 0 : i32
    %dma_wait3A_26 = arith.constant 0 : i32
    %dma_wait3A_27 = tpu.memref_slice %arg6[%dma_wait3A_25, %dma_wait3A_26] : memref<10112x128xf32, #tpu.memory_space<vmem_shared>> -> memref<10112x128xf32, #tpu.memory_space<vmem_shared>>
    %dma_wait3A_28 = tpu.memref_slice %arg9[%rem3A_20] : memref<4x!tpu.dma_semaphore, #tpu.memory_space<semaphore_mem>> -> memref<1x!tpu.dma_semaphore, #tpu.memory_space<semaphore_mem>>
    %dma_wait3A_29 = tpu.memref_squeeze %dma_wait3A_28 : memref<1x!tpu.dma_semaphore, #tpu.memory_space<semaphore_mem>> -> memref<!tpu.dma_semaphore, #tpu.memory_space<semaphore_mem>>
    tpu.wait_indirect_dma semaphore(%dma_wait3A_29 : memref<!tpu.dma_semaphore, #tpu.memory_space<semaphore_mem>>) src(%arg8 : memref<128x128xf32, #tpu.memory_space<vmem>>) dst(%dma_wait3A_27 : memref<10112x128xf32, #tpu.memory_space<vmem_shared>>)
    %rem3A_30 = arith.constant 78 : i32
    %rem3A_31 = arith.constant 4 : i32
    %rem3A_32 = arith.remsi %rem3A_30, %rem3A_31 : i32
    %dma_wait3A_33 = arith.constant 78 : i32
    %dma_wait3A_34 = arith.constant 0 : i32
    %dma_wait3A_35 = tpu.memref_slice %arg7[%dma_wait3A_33, %dma_wait3A_34] : memref<80x128xi32, #tpu.memory_space<vmem>> -> memref<1x128xi32, #tpu.memory_space<vmem>>
    %dma_wait3A_36 = tpu.memref_squeeze %dma_wait3A_35 : memref<1x128xi32, #tpu.memory_space<vmem>> -> memref<128xi32, #tpu.memory_space<vmem>>
    %dma_wait3A_37 = arith.constant 0 : i32
    %dma_wait3A_38 = arith.constant 0 : i32
    %dma_wait3A_39 = tpu.memref_slice %arg6[%dma_wait3A_37, %dma_wait3A_38] : memref<10112x128xf32, #tpu.memory_space<vmem_shared>> -> memref<10112x128xf32, #tpu.memory_space<vmem_shared>>
    %dma_wait3A_40 = tpu.memref_slice %arg9[%rem3A_32] : memref<4x!tpu.dma_semaphore, #tpu.memory_space<semaphore_mem>> -> memref<1x!tpu.dma_semaphore, #tpu.memory_space<semaphore_mem>>
    %dma_wait3A_41 = tpu.memref_squeeze %dma_wait3A_40 : memref<1x!tpu.dma_semaphore, #tpu.memory_space<semaphore_mem>> -> memref<!tpu.dma_semaphore, #tpu.memory_space<semaphore_mem>>
    tpu.wait_indirect_dma semaphore(%dma_wait3A_41 : memref<!tpu.dma_semaphore, #tpu.memory_space<semaphore_mem>>) src(%arg8 : memref<128x128xf32, #tpu.memory_space<vmem>>) dst(%dma_wait3A_39 : memref<10112x128xf32, #tpu.memory_space<vmem_shared>>)
    %rem3A_42 = arith.constant 79 : i32
    %rem3A_43 = arith.constant 4 : i32
    %rem3A_44 = arith.remsi %rem3A_42, %rem3A_43 : i32
    %dma_wait3A_45 = arith.constant 79 : i32
    %dma_wait3A_46 = arith.constant 0 : i32
    %dma_wait3A_47 = tpu.memref_slice %arg7[%dma_wait3A_45, %dma_wait3A_46] : memref<80x128xi32, #tpu.memory_space<vmem>> -> memref<1x128xi32, #tpu.memory_space<vmem>>
    %dma_wait3A_48 = tpu.memref_squeeze %dma_wait3A_47 : memref<1x128xi32, #tpu.memory_space<vmem>> -> memref<128xi32, #tpu.memory_space<vmem>>
    %dma_wait3A_49 = arith.constant 0 : i32
    %dma_wait3A_50 = arith.constant 0 : i32
    %dma_wait3A_51 = tpu.memref_slice %arg6[%dma_wait3A_49, %dma_wait3A_50] : memref<10112x128xf32, #tpu.memory_space<vmem_shared>> -> memref<10112x128xf32, #tpu.memory_space<vmem_shared>>
    %dma_wait3A_52 = tpu.memref_slice %arg9[%rem3A_44] : memref<4x!tpu.dma_semaphore, #tpu.memory_space<semaphore_mem>> -> memref<1x!tpu.dma_semaphore, #tpu.memory_space<semaphore_mem>>
    %dma_wait3A_53 = tpu.memref_squeeze %dma_wait3A_52 : memref<1x!tpu.dma_semaphore, #tpu.memory_space<semaphore_mem>> -> memref<!tpu.dma_semaphore, #tpu.memory_space<semaphore_mem>>
    tpu.wait_indirect_dma semaphore(%dma_wait3A_53 : memref<!tpu.dma_semaphore, #tpu.memory_space<semaphore_mem>>) src(%arg8 : memref<128x128xf32, #tpu.memory_space<vmem>>) dst(%dma_wait3A_51 : memref<10112x128xf32, #tpu.memory_space<vmem_shared>>)
    %barrier3A_54 = arith.constant 0 : index
    tpu.barrier barrier_id(%barrier3A_54)
    %mul3A_55 = arith.constant 632 : i32
    %mul3A_56 = arith.muli %arg1, %mul3A_55 : i32
    %mul3A_57 = arith.constant 632 : i32
    %mul3A_58 = arith.muli %arg1, %mul3A_57 : i32
    "tpu.region"() ({
      %run_scoped3A = tpu.sem_alloc : memref<!tpu.dma_semaphore, #tpu.memory_space<semaphore_mem>>
      %dma_start3A = arith.constant 0 : i32
      %dma_start3A_59 = tpu.memref_slice %arg5[%arg0, %mul3A_58, %dma_start3A] : memref<2x10112x128xf32, #tpu.memory_space<hbm>> -> memref<1x632x128xf32, #tpu.memory_space<hbm>>
      %dma_start3A_60 = tpu.memref_squeeze %dma_start3A_59 : memref<1x632x128xf32, #tpu.memory_space<hbm>> -> memref<632x128xf32, #tpu.memory_space<hbm>>
      %dma_start3A_61 = arith.constant 0 : i32
      %dma_start3A_62 = tpu.memref_slice %arg6[%mul3A_56, %dma_start3A_61] : memref<10112x128xf32, #tpu.memory_space<vmem_shared>> -> memref<632x128xf32, #tpu.memory_space<vmem_shared>>
      tpu.enqueue_dma source(%dma_start3A_62 : memref<632x128xf32, #tpu.memory_space<vmem_shared>>) target(%dma_start3A_60 : memref<632x128xf32, #tpu.memory_space<hbm>>) target_semaphore(%run_scoped3A : memref<!tpu.dma_semaphore, #tpu.memory_space<semaphore_mem>>)
      %dma_wait3A_63 = arith.constant 0 : i32
      %dma_wait3A_64 = tpu.memref_slice %arg5[%arg0, %mul3A_58, %dma_wait3A_63] : memref<2x10112x128xf32, #tpu.memory_space<hbm>> -> memref<1x632x128xf32, #tpu.memory_space<hbm>>
      %dma_wait3A_65 = tpu.memref_squeeze %dma_wait3A_64 : memref<1x632x128xf32, #tpu.memory_space<hbm>> -> memref<632x128xf32, #tpu.memory_space<hbm>>
      %dma_wait3A_66 = arith.constant 0 : i32
      %dma_wait3A_67 = tpu.memref_slice %arg6[%mul3A_56, %dma_wait3A_66] : memref<10112x128xf32, #tpu.memory_space<vmem_shared>> -> memref<632x128xf32, #tpu.memory_space<vmem_shared>>
      tpu.wait_dma2 semaphore(%run_scoped3A : memref<!tpu.dma_semaphore, #tpu.memory_space<semaphore_mem>>) src(%dma_wait3A_67 : memref<632x128xf32, #tpu.memory_space<vmem_shared>>) dst(%dma_wait3A_65 : memref<632x128xf32, #tpu.memory_space<hbm>>)
      tpu.yield
    }) : () -> ()
    return
  }
}

#map = affine_map<(d0, d1) -> (0, 0, 0)>
#map1 = affine_map<(d0, d1) -> (0, 0)>
module attributes {stable_mosaic.version = 14 : i64} {
  func.func @agg_kernel(%arg0: i32, %arg1: i32, %arg2: memref<2560x1x128xi32, #tpu.memory_space<hbm>>, %arg3: memref<2560x1x128xi32, #tpu.memory_space<hbm>>, %arg4: memref<10000x128xf32, #tpu.memory_space<hbm>>, %arg5: memref<632x128xf32, #tpu.memory_space<hbm>>, %arg6: memref<2x10112x128xf32, #tpu.memory_space<hbm>>, %arg7: memref<10112x128xf32, #tpu.memory_space<vmem_shared>>, %arg8: memref<3x1x128xi32, #tpu.memory_space<vmem>>, %arg9: memref<4x1x128xi32, #tpu.memory_space<vmem>>, %arg10: memref<3x128x128xf32, #tpu.memory_space<vmem>>, %arg11: memref<3x!tpu.dma_semaphore, #tpu.memory_space<semaphore_mem>>, %arg12: memref<4x!tpu.dma_semaphore, #tpu.memory_space<semaphore_mem>>, %arg13: memref<3x!tpu.dma_semaphore, #tpu.memory_space<semaphore_mem>>) attributes {dimension_semantics = [#tpu.dimension_semantics<core_parallel>, #tpu.dimension_semantics<subcore_parallel>], iteration_bounds = array<i64: 2, 16>, scalar_prefetch = 0 : i64, scratch_operands = 7 : i64, tpu.core_type = #tpu.core_type<sc_vector_subcore>, window_params = [{transform_indices = #map}, {transform_indices = #map}, {transform_indices = #map1}, {transform_indices = #map1}, {transform_indices = #map}]} {
    %eq3A = arith.constant 0 : i32
    %eq3A_0 = arith.cmpi eq, %arg0, %eq3A : i32
    %jit3A = arith.constant 80 : i32
    %jit3A_1 = arith.constant 80 : i32
    %select_n3A = arith.select %eq3A_0, %jit3A, %jit3A_1 : i32
    %eq3A_2 = arith.constant 0 : i32
    %eq3A_3 = arith.cmpi eq, %arg0, %eq3A_2 : i32
    %mul3A = arith.constant 80 : i32
    %mul3A_4 = arith.muli %arg1, %mul3A : i32
    %mul3A_5 = arith.constant 80 : i32
    %mul3A_6 = arith.muli %arg1, %mul3A_5 : i32
    %add3A = arith.constant 1280 : i32
    %add3A_7 = arith.addi %add3A, %mul3A_6 : i32
    %select_n3A_8 = arith.select %eq3A_3, %mul3A_4, %add3A_7 : i32
    %mul3A_9 = arith.constant 632 : i32
    %mul3A_10 = arith.muli %arg1, %mul3A_9 : i32
    "tpu.region"() ({
      %run_scoped3A = tpu.sem_alloc : memref<!tpu.dma_semaphore, #tpu.memory_space<semaphore_mem>>
      %dma_start3A_320 = arith.constant 0 : i32
      %dma_start3A_321 = tpu.memref_slice %arg7[%mul3A_10, %dma_start3A_320] : memref<10112x128xf32, #tpu.memory_space<vmem_shared>> -> memref<632x128xf32, #tpu.memory_space<vmem_shared>>
      tpu.enqueue_dma source(%arg5 : memref<632x128xf32, #tpu.memory_space<hbm>>) target(%dma_start3A_321 : memref<632x128xf32, #tpu.memory_space<vmem_shared>>) target_semaphore(%run_scoped3A : memref<!tpu.dma_semaphore, #tpu.memory_space<semaphore_mem>>)
      %dma_wait3A_322 = arith.constant 0 : i32
      %dma_wait3A_323 = tpu.memref_slice %arg7[%mul3A_10, %dma_wait3A_322] : memref<10112x128xf32, #tpu.memory_space<vmem_shared>> -> memref<632x128xf32, #tpu.memory_space<vmem_shared>>
      tpu.wait_dma2 semaphore(%run_scoped3A : memref<!tpu.dma_semaphore, #tpu.memory_space<semaphore_mem>>) src(%arg5 : memref<632x128xf32, #tpu.memory_space<hbm>>) dst(%dma_wait3A_323 : memref<632x128xf32, #tpu.memory_space<vmem_shared>>)
      tpu.yield
    }) : () -> ()
    %barrier3A = arith.constant 0 : index
    tpu.barrier barrier_id(%barrier3A)
    %add3A_11 = arith.constant 0 : i32
    %add3A_12 = arith.addi %select_n3A_8, %add3A_11 : i32
    %rem3A = arith.constant 0 : i32
    %rem3A_13 = arith.constant 3 : i32
    %rem3A_14 = arith.remsi %rem3A, %rem3A_13 : i32
    %rem3A_15 = arith.constant 0 : i32
    %rem3A_16 = arith.constant 3 : i32
    %rem3A_17 = arith.remsi %rem3A_15, %rem3A_16 : i32
    %dma_start3A = arith.constant 0 : i32
    %dma_start3A_18 = arith.constant 0 : i32
    %dma_start3A_19 = tpu.memref_slice %arg8[%rem3A_14, %dma_start3A, %dma_start3A_18] : memref<3x1x128xi32, #tpu.memory_space<vmem>> -> memref<1x1x128xi32, #tpu.memory_space<vmem>>
    %dma_start3A_20 = tpu.memref_squeeze %dma_start3A_19 : memref<1x1x128xi32, #tpu.memory_space<vmem>> -> memref<1x128xi32, #tpu.memory_space<vmem>>
    %dma_start3A_21 = arith.constant 0 : i32
    %dma_start3A_22 = arith.constant 0 : i32
    %dma_start3A_23 = tpu.memref_slice %arg2[%add3A_12, %dma_start3A_21, %dma_start3A_22] : memref<2560x1x128xi32, #tpu.memory_space<hbm>> -> memref<1x1x128xi32, #tpu.memory_space<hbm>>
    %dma_start3A_24 = tpu.memref_squeeze %dma_start3A_23 : memref<1x1x128xi32, #tpu.memory_space<hbm>> -> memref<1x128xi32, #tpu.memory_space<hbm>>
    %dma_start3A_25 = tpu.memref_slice %arg11[%rem3A_17] : memref<3x!tpu.dma_semaphore, #tpu.memory_space<semaphore_mem>> -> memref<1x!tpu.dma_semaphore, #tpu.memory_space<semaphore_mem>>
    %dma_start3A_26 = tpu.memref_squeeze %dma_start3A_25 : memref<1x!tpu.dma_semaphore, #tpu.memory_space<semaphore_mem>> -> memref<!tpu.dma_semaphore, #tpu.memory_space<semaphore_mem>>
    %dma_start3A_27 = arith.constant 0 : i32
    %dma_start3A_28 = arith.constant 0 : i32
    %dma_start3A_29 = tpu.memref_slice %arg8[%rem3A_14, %dma_start3A_27, %dma_start3A_28] : memref<3x1x128xi32, #tpu.memory_space<vmem>> -> memref<1x1x128xi32, #tpu.memory_space<vmem>>
    %dma_start3A_30 = tpu.memref_squeeze %dma_start3A_29 : memref<1x1x128xi32, #tpu.memory_space<vmem>> -> memref<1x128xi32, #tpu.memory_space<vmem>>
    %dma_start3A_31 = arith.constant 0 : i32
    %dma_start3A_32 = arith.constant 0 : i32
    %dma_start3A_33 = tpu.memref_slice %arg2[%add3A_12, %dma_start3A_31, %dma_start3A_32] : memref<2560x1x128xi32, #tpu.memory_space<hbm>> -> memref<1x1x128xi32, #tpu.memory_space<hbm>>
    %dma_start3A_34 = tpu.memref_squeeze %dma_start3A_33 : memref<1x1x128xi32, #tpu.memory_space<hbm>> -> memref<1x128xi32, #tpu.memory_space<hbm>>
    tpu.enqueue_dma source(%dma_start3A_34 : memref<1x128xi32, #tpu.memory_space<hbm>>) target(%dma_start3A_30 : memref<1x128xi32, #tpu.memory_space<vmem>>) target_semaphore(%dma_start3A_26 : memref<!tpu.dma_semaphore, #tpu.memory_space<semaphore_mem>>)
    %add3A_35 = arith.constant 0 : i32
    %add3A_36 = arith.addi %select_n3A_8, %add3A_35 : i32
    %rem3A_37 = arith.constant 0 : i32
    %rem3A_38 = arith.constant 4 : i32
    %rem3A_39 = arith.remsi %rem3A_37, %rem3A_38 : i32
    %rem3A_40 = arith.constant 0 : i32
    %rem3A_41 = arith.constant 4 : i32
    %rem3A_42 = arith.remsi %rem3A_40, %rem3A_41 : i32
    %dma_start3A_43 = arith.constant 0 : i32
    %dma_start3A_44 = arith.constant 0 : i32
    %dma_start3A_45 = tpu.memref_slice %arg9[%rem3A_39, %dma_start3A_43, %dma_start3A_44] : memref<4x1x128xi32, #tpu.memory_space<vmem>> -> memref<1x1x128xi32, #tpu.memory_space<vmem>>
    %dma_start3A_46 = tpu.memref_squeeze %dma_start3A_45 : memref<1x1x128xi32, #tpu.memory_space<vmem>> -> memref<1x128xi32, #tpu.memory_space<vmem>>
    %dma_start3A_47 = arith.constant 0 : i32
    %dma_start3A_48 = arith.constant 0 : i32
    %dma_start3A_49 = tpu.memref_slice %arg3[%add3A_36, %dma_start3A_47, %dma_start3A_48] : memref<2560x1x128xi32, #tpu.memory_space<hbm>> -> memref<1x1x128xi32, #tpu.memory_space<hbm>>
    %dma_start3A_50 = tpu.memref_squeeze %dma_start3A_49 : memref<1x1x128xi32, #tpu.memory_space<hbm>> -> memref<1x128xi32, #tpu.memory_space<hbm>>
    %dma_start3A_51 = tpu.memref_slice %arg12[%rem3A_42] : memref<4x!tpu.dma_semaphore, #tpu.memory_space<semaphore_mem>> -> memref<1x!tpu.dma_semaphore, #tpu.memory_space<semaphore_mem>>
    %dma_start3A_52 = tpu.memref_squeeze %dma_start3A_51 : memref<1x!tpu.dma_semaphore, #tpu.memory_space<semaphore_mem>> -> memref<!tpu.dma_semaphore, #tpu.memory_space<semaphore_mem>>
    %dma_start3A_53 = arith.constant 0 : i32
    %dma_start3A_54 = arith.constant 0 : i32
    %dma_start3A_55 = tpu.memref_slice %arg9[%rem3A_39, %dma_start3A_53, %dma_start3A_54] : memref<4x1x128xi32, #tpu.memory_space<vmem>> -> memref<1x1x128xi32, #tpu.memory_space<vmem>>
    %dma_start3A_56 = tpu.memref_squeeze %dma_start3A_55 : memref<1x1x128xi32, #tpu.memory_space<vmem>> -> memref<1x128xi32, #tpu.memory_space<vmem>>
    %dma_start3A_57 = arith.constant 0 : i32
    %dma_start3A_58 = arith.constant 0 : i32
    %dma_start3A_59 = tpu.memref_slice %arg3[%add3A_36, %dma_start3A_57, %dma_start3A_58] : memref<2560x1x128xi32, #tpu.memory_space<hbm>> -> memref<1x1x128xi32, #tpu.memory_space<hbm>>
    %dma_start3A_60 = tpu.memref_squeeze %dma_start3A_59 : memref<1x1x128xi32, #tpu.memory_space<hbm>> -> memref<1x128xi32, #tpu.memory_space<hbm>>
    tpu.enqueue_dma source(%dma_start3A_60 : memref<1x128xi32, #tpu.memory_space<hbm>>) target(%dma_start3A_56 : memref<1x128xi32, #tpu.memory_space<vmem>>) target_semaphore(%dma_start3A_52 : memref<!tpu.dma_semaphore, #tpu.memory_space<semaphore_mem>>)
    %add3A_61 = arith.constant 1 : i32
    %add3A_62 = arith.addi %select_n3A_8, %add3A_61 : i32
    %rem3A_63 = arith.constant 1 : i32
    %rem3A_64 = arith.constant 3 : i32
    %rem3A_65 = arith.remsi %rem3A_63, %rem3A_64 : i32
    %rem3A_66 = arith.constant 1 : i32
    %rem3A_67 = arith.constant 3 : i32
    %rem3A_68 = arith.remsi %rem3A_66, %rem3A_67 : i32
    %dma_start3A_69 = arith.constant 0 : i32
    %dma_start3A_70 = arith.constant 0 : i32
    %dma_start3A_71 = tpu.memref_slice %arg8[%rem3A_65, %dma_start3A_69, %dma_start3A_70] : memref<3x1x128xi32, #tpu.memory_space<vmem>> -> memref<1x1x128xi32, #tpu.memory_space<vmem>>
    %dma_start3A_72 = tpu.memref_squeeze %dma_start3A_71 : memref<1x1x128xi32, #tpu.memory_space<vmem>> -> memref<1x128xi32, #tpu.memory_space<vmem>>
    %dma_start3A_73 = arith.constant 0 : i32
    %dma_start3A_74 = arith.constant 0 : i32
    %dma_start3A_75 = tpu.memref_slice %arg2[%add3A_62, %dma_start3A_73, %dma_start3A_74] : memref<2560x1x128xi32, #tpu.memory_space<hbm>> -> memref<1x1x128xi32, #tpu.memory_space<hbm>>
    %dma_start3A_76 = tpu.memref_squeeze %dma_start3A_75 : memref<1x1x128xi32, #tpu.memory_space<hbm>> -> memref<1x128xi32, #tpu.memory_space<hbm>>
    %dma_start3A_77 = tpu.memref_slice %arg11[%rem3A_68] : memref<3x!tpu.dma_semaphore, #tpu.memory_space<semaphore_mem>> -> memref<1x!tpu.dma_semaphore, #tpu.memory_space<semaphore_mem>>
    %dma_start3A_78 = tpu.memref_squeeze %dma_start3A_77 : memref<1x!tpu.dma_semaphore, #tpu.memory_space<semaphore_mem>> -> memref<!tpu.dma_semaphore, #tpu.memory_space<semaphore_mem>>
    %dma_start3A_79 = arith.constant 0 : i32
    %dma_start3A_80 = arith.constant 0 : i32
    %dma_start3A_81 = tpu.memref_slice %arg8[%rem3A_65, %dma_start3A_79, %dma_start3A_80] : memref<3x1x128xi32, #tpu.memory_space<vmem>> -> memref<1x1x128xi32, #tpu.memory_space<vmem>>
    %dma_start3A_82 = tpu.memref_squeeze %dma_start3A_81 : memref<1x1x128xi32, #tpu.memory_space<vmem>> -> memref<1x128xi32, #tpu.memory_space<vmem>>
    %dma_start3A_83 = arith.constant 0 : i32
    %dma_start3A_84 = arith.constant 0 : i32
    %dma_start3A_85 = tpu.memref_slice %arg2[%add3A_62, %dma_start3A_83, %dma_start3A_84] : memref<2560x1x128xi32, #tpu.memory_space<hbm>> -> memref<1x1x128xi32, #tpu.memory_space<hbm>>
    %dma_start3A_86 = tpu.memref_squeeze %dma_start3A_85 : memref<1x1x128xi32, #tpu.memory_space<hbm>> -> memref<1x128xi32, #tpu.memory_space<hbm>>
    tpu.enqueue_dma source(%dma_start3A_86 : memref<1x128xi32, #tpu.memory_space<hbm>>) target(%dma_start3A_82 : memref<1x128xi32, #tpu.memory_space<vmem>>) target_semaphore(%dma_start3A_78 : memref<!tpu.dma_semaphore, #tpu.memory_space<semaphore_mem>>)
    %add3A_87 = arith.constant 1 : i32
    %add3A_88 = arith.addi %select_n3A_8, %add3A_87 : i32
    %rem3A_89 = arith.constant 1 : i32
    %rem3A_90 = arith.constant 4 : i32
    %rem3A_91 = arith.remsi %rem3A_89, %rem3A_90 : i32
    %rem3A_92 = arith.constant 1 : i32
    %rem3A_93 = arith.constant 4 : i32
    %rem3A_94 = arith.remsi %rem3A_92, %rem3A_93 : i32
    %dma_start3A_95 = arith.constant 0 : i32
    %dma_start3A_96 = arith.constant 0 : i32
    %dma_start3A_97 = tpu.memref_slice %arg9[%rem3A_91, %dma_start3A_95, %dma_start3A_96] : memref<4x1x128xi32, #tpu.memory_space<vmem>> -> memref<1x1x128xi32, #tpu.memory_space<vmem>>
    %dma_start3A_98 = tpu.memref_squeeze %dma_start3A_97 : memref<1x1x128xi32, #tpu.memory_space<vmem>> -> memref<1x128xi32, #tpu.memory_space<vmem>>
    %dma_start3A_99 = arith.constant 0 : i32
    %dma_start3A_100 = arith.constant 0 : i32
    %dma_start3A_101 = tpu.memref_slice %arg3[%add3A_88, %dma_start3A_99, %dma_start3A_100] : memref<2560x1x128xi32, #tpu.memory_space<hbm>> -> memref<1x1x128xi32, #tpu.memory_space<hbm>>
    %dma_start3A_102 = tpu.memref_squeeze %dma_start3A_101 : memref<1x1x128xi32, #tpu.memory_space<hbm>> -> memref<1x128xi32, #tpu.memory_space<hbm>>
    %dma_start3A_103 = tpu.memref_slice %arg12[%rem3A_94] : memref<4x!tpu.dma_semaphore, #tpu.memory_space<semaphore_mem>> -> memref<1x!tpu.dma_semaphore, #tpu.memory_space<semaphore_mem>>
    %dma_start3A_104 = tpu.memref_squeeze %dma_start3A_103 : memref<1x!tpu.dma_semaphore, #tpu.memory_space<semaphore_mem>> -> memref<!tpu.dma_semaphore, #tpu.memory_space<semaphore_mem>>
    %dma_start3A_105 = arith.constant 0 : i32
    %dma_start3A_106 = arith.constant 0 : i32
    %dma_start3A_107 = tpu.memref_slice %arg9[%rem3A_91, %dma_start3A_105, %dma_start3A_106] : memref<4x1x128xi32, #tpu.memory_space<vmem>> -> memref<1x1x128xi32, #tpu.memory_space<vmem>>
    %dma_start3A_108 = tpu.memref_squeeze %dma_start3A_107 : memref<1x1x128xi32, #tpu.memory_space<vmem>> -> memref<1x128xi32, #tpu.memory_space<vmem>>
    %dma_start3A_109 = arith.constant 0 : i32
    %dma_start3A_110 = arith.constant 0 : i32
    %dma_start3A_111 = tpu.memref_slice %arg3[%add3A_88, %dma_start3A_109, %dma_start3A_110] : memref<2560x1x128xi32, #tpu.memory_space<hbm>> -> memref<1x1x128xi32, #tpu.memory_space<hbm>>
    %dma_start3A_112 = tpu.memref_squeeze %dma_start3A_111 : memref<1x1x128xi32, #tpu.memory_space<hbm>> -> memref<1x128xi32, #tpu.memory_space<hbm>>
    tpu.enqueue_dma source(%dma_start3A_112 : memref<1x128xi32, #tpu.memory_space<hbm>>) target(%dma_start3A_108 : memref<1x128xi32, #tpu.memory_space<vmem>>) target_semaphore(%dma_start3A_104 : memref<!tpu.dma_semaphore, #tpu.memory_space<semaphore_mem>>)
    %add3A_113 = arith.constant 2 : i32
    %add3A_114 = arith.addi %select_n3A_8, %add3A_113 : i32
    %rem3A_115 = arith.constant 2 : i32
    %rem3A_116 = arith.constant 3 : i32
    %rem3A_117 = arith.remsi %rem3A_115, %rem3A_116 : i32
    %rem3A_118 = arith.constant 2 : i32
    %rem3A_119 = arith.constant 3 : i32
    %rem3A_120 = arith.remsi %rem3A_118, %rem3A_119 : i32
    %dma_start3A_121 = arith.constant 0 : i32
    %dma_start3A_122 = arith.constant 0 : i32
    %dma_start3A_123 = tpu.memref_slice %arg8[%rem3A_117, %dma_start3A_121, %dma_start3A_122] : memref<3x1x128xi32, #tpu.memory_space<vmem>> -> memref<1x1x128xi32, #tpu.memory_space<vmem>>
    %dma_start3A_124 = tpu.memref_squeeze %dma_start3A_123 : memref<1x1x128xi32, #tpu.memory_space<vmem>> -> memref<1x128xi32, #tpu.memory_space<vmem>>
    %dma_start3A_125 = arith.constant 0 : i32
    %dma_start3A_126 = arith.constant 0 : i32
    %dma_start3A_127 = tpu.memref_slice %arg2[%add3A_114, %dma_start3A_125, %dma_start3A_126] : memref<2560x1x128xi32, #tpu.memory_space<hbm>> -> memref<1x1x128xi32, #tpu.memory_space<hbm>>
    %dma_start3A_128 = tpu.memref_squeeze %dma_start3A_127 : memref<1x1x128xi32, #tpu.memory_space<hbm>> -> memref<1x128xi32, #tpu.memory_space<hbm>>
    %dma_start3A_129 = tpu.memref_slice %arg11[%rem3A_120] : memref<3x!tpu.dma_semaphore, #tpu.memory_space<semaphore_mem>> -> memref<1x!tpu.dma_semaphore, #tpu.memory_space<semaphore_mem>>
    %dma_start3A_130 = tpu.memref_squeeze %dma_start3A_129 : memref<1x!tpu.dma_semaphore, #tpu.memory_space<semaphore_mem>> -> memref<!tpu.dma_semaphore, #tpu.memory_space<semaphore_mem>>
    %dma_start3A_131 = arith.constant 0 : i32
    %dma_start3A_132 = arith.constant 0 : i32
    %dma_start3A_133 = tpu.memref_slice %arg8[%rem3A_117, %dma_start3A_131, %dma_start3A_132] : memref<3x1x128xi32, #tpu.memory_space<vmem>> -> memref<1x1x128xi32, #tpu.memory_space<vmem>>
    %dma_start3A_134 = tpu.memref_squeeze %dma_start3A_133 : memref<1x1x128xi32, #tpu.memory_space<vmem>> -> memref<1x128xi32, #tpu.memory_space<vmem>>
    %dma_start3A_135 = arith.constant 0 : i32
    %dma_start3A_136 = arith.constant 0 : i32
    %dma_start3A_137 = tpu.memref_slice %arg2[%add3A_114, %dma_start3A_135, %dma_start3A_136] : memref<2560x1x128xi32, #tpu.memory_space<hbm>> -> memref<1x1x128xi32, #tpu.memory_space<hbm>>
    %dma_start3A_138 = tpu.memref_squeeze %dma_start3A_137 : memref<1x1x128xi32, #tpu.memory_space<hbm>> -> memref<1x128xi32, #tpu.memory_space<hbm>>
    tpu.enqueue_dma source(%dma_start3A_138 : memref<1x128xi32, #tpu.memory_space<hbm>>) target(%dma_start3A_134 : memref<1x128xi32, #tpu.memory_space<vmem>>) target_semaphore(%dma_start3A_130 : memref<!tpu.dma_semaphore, #tpu.memory_space<semaphore_mem>>)
    %add3A_139 = arith.constant 2 : i32
    %add3A_140 = arith.addi %select_n3A_8, %add3A_139 : i32
    %rem3A_141 = arith.constant 2 : i32
    %rem3A_142 = arith.constant 4 : i32
    %rem3A_143 = arith.remsi %rem3A_141, %rem3A_142 : i32
    %rem3A_144 = arith.constant 2 : i32
    %rem3A_145 = arith.constant 4 : i32
    %rem3A_146 = arith.remsi %rem3A_144, %rem3A_145 : i32
    %dma_start3A_147 = arith.constant 0 : i32
    %dma_start3A_148 = arith.constant 0 : i32
    %dma_start3A_149 = tpu.memref_slice %arg9[%rem3A_143, %dma_start3A_147, %dma_start3A_148] : memref<4x1x128xi32, #tpu.memory_space<vmem>> -> memref<1x1x128xi32, #tpu.memory_space<vmem>>
    %dma_start3A_150 = tpu.memref_squeeze %dma_start3A_149 : memref<1x1x128xi32, #tpu.memory_space<vmem>> -> memref<1x128xi32, #tpu.memory_space<vmem>>
    %dma_start3A_151 = arith.constant 0 : i32
    %dma_start3A_152 = arith.constant 0 : i32
    %dma_start3A_153 = tpu.memref_slice %arg3[%add3A_140, %dma_start3A_151, %dma_start3A_152] : memref<2560x1x128xi32, #tpu.memory_space<hbm>> -> memref<1x1x128xi32, #tpu.memory_space<hbm>>
    %dma_start3A_154 = tpu.memref_squeeze %dma_start3A_153 : memref<1x1x128xi32, #tpu.memory_space<hbm>> -> memref<1x128xi32, #tpu.memory_space<hbm>>
    %dma_start3A_155 = tpu.memref_slice %arg12[%rem3A_146] : memref<4x!tpu.dma_semaphore, #tpu.memory_space<semaphore_mem>> -> memref<1x!tpu.dma_semaphore, #tpu.memory_space<semaphore_mem>>
    %dma_start3A_156 = tpu.memref_squeeze %dma_start3A_155 : memref<1x!tpu.dma_semaphore, #tpu.memory_space<semaphore_mem>> -> memref<!tpu.dma_semaphore, #tpu.memory_space<semaphore_mem>>
    %dma_start3A_157 = arith.constant 0 : i32
    %dma_start3A_158 = arith.constant 0 : i32
    %dma_start3A_159 = tpu.memref_slice %arg9[%rem3A_143, %dma_start3A_157, %dma_start3A_158] : memref<4x1x128xi32, #tpu.memory_space<vmem>> -> memref<1x1x128xi32, #tpu.memory_space<vmem>>
    %dma_start3A_160 = tpu.memref_squeeze %dma_start3A_159 : memref<1x1x128xi32, #tpu.memory_space<vmem>> -> memref<1x128xi32, #tpu.memory_space<vmem>>
    %dma_start3A_161 = arith.constant 0 : i32
    %dma_start3A_162 = arith.constant 0 : i32
    %dma_start3A_163 = tpu.memref_slice %arg3[%add3A_140, %dma_start3A_161, %dma_start3A_162] : memref<2560x1x128xi32, #tpu.memory_space<hbm>> -> memref<1x1x128xi32, #tpu.memory_space<hbm>>
    %dma_start3A_164 = tpu.memref_squeeze %dma_start3A_163 : memref<1x1x128xi32, #tpu.memory_space<hbm>> -> memref<1x128xi32, #tpu.memory_space<hbm>>
    tpu.enqueue_dma source(%dma_start3A_164 : memref<1x128xi32, #tpu.memory_space<hbm>>) target(%dma_start3A_160 : memref<1x128xi32, #tpu.memory_space<vmem>>) target_semaphore(%dma_start3A_156 : memref<!tpu.dma_semaphore, #tpu.memory_space<semaphore_mem>>)
    %add3A_165 = arith.constant 0 : i32
    %add3A_166 = arith.addi %select_n3A_8, %add3A_165 : i32
    %rem3A_167 = arith.constant 0 : i32
    %rem3A_168 = arith.constant 3 : i32
    %rem3A_169 = arith.remsi %rem3A_167, %rem3A_168 : i32
    %rem3A_170 = arith.constant 0 : i32
    %rem3A_171 = arith.constant 3 : i32
    %rem3A_172 = arith.remsi %rem3A_170, %rem3A_171 : i32
    %dma_wait3A = arith.constant 0 : i32
    %dma_wait3A_173 = arith.constant 0 : i32
    %dma_wait3A_174 = tpu.memref_slice %arg8[%rem3A_169, %dma_wait3A, %dma_wait3A_173] : memref<3x1x128xi32, #tpu.memory_space<vmem>> -> memref<1x1x128xi32, #tpu.memory_space<vmem>>
    %dma_wait3A_175 = tpu.memref_squeeze %dma_wait3A_174 : memref<1x1x128xi32, #tpu.memory_space<vmem>> -> memref<1x128xi32, #tpu.memory_space<vmem>>
    %dma_wait3A_176 = arith.constant 0 : i32
    %dma_wait3A_177 = arith.constant 0 : i32
    %dma_wait3A_178 = tpu.memref_slice %arg2[%add3A_166, %dma_wait3A_176, %dma_wait3A_177] : memref<2560x1x128xi32, #tpu.memory_space<hbm>> -> memref<1x1x128xi32, #tpu.memory_space<hbm>>
    %dma_wait3A_179 = tpu.memref_squeeze %dma_wait3A_178 : memref<1x1x128xi32, #tpu.memory_space<hbm>> -> memref<1x128xi32, #tpu.memory_space<hbm>>
    %dma_wait3A_180 = tpu.memref_slice %arg11[%rem3A_172] : memref<3x!tpu.dma_semaphore, #tpu.memory_space<semaphore_mem>> -> memref<1x!tpu.dma_semaphore, #tpu.memory_space<semaphore_mem>>
    %dma_wait3A_181 = tpu.memref_squeeze %dma_wait3A_180 : memref<1x!tpu.dma_semaphore, #tpu.memory_space<semaphore_mem>> -> memref<!tpu.dma_semaphore, #tpu.memory_space<semaphore_mem>>
    %dma_wait3A_182 = arith.constant 0 : i32
    %dma_wait3A_183 = arith.constant 0 : i32
    %dma_wait3A_184 = tpu.memref_slice %arg8[%rem3A_169, %dma_wait3A_182, %dma_wait3A_183] : memref<3x1x128xi32, #tpu.memory_space<vmem>> -> memref<1x1x128xi32, #tpu.memory_space<vmem>>
    %dma_wait3A_185 = tpu.memref_squeeze %dma_wait3A_184 : memref<1x1x128xi32, #tpu.memory_space<vmem>> -> memref<1x128xi32, #tpu.memory_space<vmem>>
    %dma_wait3A_186 = arith.constant 0 : i32
    %dma_wait3A_187 = arith.constant 0 : i32
    %dma_wait3A_188 = tpu.memref_slice %arg2[%add3A_166, %dma_wait3A_186, %dma_wait3A_187] : memref<2560x1x128xi32, #tpu.memory_space<hbm>> -> memref<1x1x128xi32, #tpu.memory_space<hbm>>
    %dma_wait3A_189 = tpu.memref_squeeze %dma_wait3A_188 : memref<1x1x128xi32, #tpu.memory_space<hbm>> -> memref<1x128xi32, #tpu.memory_space<hbm>>
    tpu.wait_dma2 semaphore(%dma_wait3A_181 : memref<!tpu.dma_semaphore, #tpu.memory_space<semaphore_mem>>) src(%dma_wait3A_189 : memref<1x128xi32, #tpu.memory_space<hbm>>) dst(%dma_wait3A_185 : memref<1x128xi32, #tpu.memory_space<vmem>>)
    %add3A_190 = arith.constant 0 : i32
    %add3A_191 = arith.addi %select_n3A_8, %add3A_190 : i32
    %rem3A_192 = arith.constant 0 : i32
    %rem3A_193 = arith.constant 4 : i32
    %rem3A_194 = arith.remsi %rem3A_192, %rem3A_193 : i32
    %rem3A_195 = arith.constant 0 : i32
    %rem3A_196 = arith.constant 4 : i32
    %rem3A_197 = arith.remsi %rem3A_195, %rem3A_196 : i32
    %dma_wait3A_198 = arith.constant 0 : i32
    %dma_wait3A_199 = arith.constant 0 : i32
    %dma_wait3A_200 = tpu.memref_slice %arg9[%rem3A_194, %dma_wait3A_198, %dma_wait3A_199] : memref<4x1x128xi32, #tpu.memory_space<vmem>> -> memref<1x1x128xi32, #tpu.memory_space<vmem>>
    %dma_wait3A_201 = tpu.memref_squeeze %dma_wait3A_200 : memref<1x1x128xi32, #tpu.memory_space<vmem>> -> memref<1x128xi32, #tpu.memory_space<vmem>>
    %dma_wait3A_202 = arith.constant 0 : i32
    %dma_wait3A_203 = arith.constant 0 : i32
    %dma_wait3A_204 = tpu.memref_slice %arg3[%add3A_191, %dma_wait3A_202, %dma_wait3A_203] : memref<2560x1x128xi32, #tpu.memory_space<hbm>> -> memref<1x1x128xi32, #tpu.memory_space<hbm>>
    %dma_wait3A_205 = tpu.memref_squeeze %dma_wait3A_204 : memref<1x1x128xi32, #tpu.memory_space<hbm>> -> memref<1x128xi32, #tpu.memory_space<hbm>>
    %dma_wait3A_206 = tpu.memref_slice %arg12[%rem3A_197] : memref<4x!tpu.dma_semaphore, #tpu.memory_space<semaphore_mem>> -> memref<1x!tpu.dma_semaphore, #tpu.memory_space<semaphore_mem>>
    %dma_wait3A_207 = tpu.memref_squeeze %dma_wait3A_206 : memref<1x!tpu.dma_semaphore, #tpu.memory_space<semaphore_mem>> -> memref<!tpu.dma_semaphore, #tpu.memory_space<semaphore_mem>>
    %dma_wait3A_208 = arith.constant 0 : i32
    %dma_wait3A_209 = arith.constant 0 : i32
    %dma_wait3A_210 = tpu.memref_slice %arg9[%rem3A_194, %dma_wait3A_208, %dma_wait3A_209] : memref<4x1x128xi32, #tpu.memory_space<vmem>> -> memref<1x1x128xi32, #tpu.memory_space<vmem>>
    %dma_wait3A_211 = tpu.memref_squeeze %dma_wait3A_210 : memref<1x1x128xi32, #tpu.memory_space<vmem>> -> memref<1x128xi32, #tpu.memory_space<vmem>>
    %dma_wait3A_212 = arith.constant 0 : i32
    %dma_wait3A_213 = arith.constant 0 : i32
    %dma_wait3A_214 = tpu.memref_slice %arg3[%add3A_191, %dma_wait3A_212, %dma_wait3A_213] : memref<2560x1x128xi32, #tpu.memory_space<hbm>> -> memref<1x1x128xi32, #tpu.memory_space<hbm>>
    %dma_wait3A_215 = tpu.memref_squeeze %dma_wait3A_214 : memref<1x1x128xi32, #tpu.memory_space<hbm>> -> memref<1x128xi32, #tpu.memory_space<hbm>>
    tpu.wait_dma2 semaphore(%dma_wait3A_207 : memref<!tpu.dma_semaphore, #tpu.memory_space<semaphore_mem>>) src(%dma_wait3A_215 : memref<1x128xi32, #tpu.memory_space<hbm>>) dst(%dma_wait3A_211 : memref<1x128xi32, #tpu.memory_space<vmem>>)
    %rem3A_216 = arith.constant 0 : i32
    %rem3A_217 = arith.constant 3 : i32
    %rem3A_218 = arith.remsi %rem3A_216, %rem3A_217 : i32
    %rem3A_219 = arith.constant 0 : i32
    %rem3A_220 = arith.constant 3 : i32
    %rem3A_221 = arith.remsi %rem3A_219, %rem3A_220 : i32
    %dma_start3A_222 = arith.constant 0 : i32
    %dma_start3A_223 = arith.constant 0 : i32
    %dma_start3A_224 = arith.constant 0 : i32
    %dma_start3A_225 = tpu.memref_slice %arg10[%rem3A_218, %dma_start3A_223, %dma_start3A_224] : memref<3x128x128xf32, #tpu.memory_space<vmem>> -> memref<1x128x128xf32, #tpu.memory_space<vmem>>
    %dma_start3A_226 = tpu.memref_squeeze %dma_start3A_225 : memref<1x128x128xf32, #tpu.memory_space<vmem>> -> memref<128x128xf32, #tpu.memory_space<vmem>>
    %dma_start3A_227 = arith.constant 0 : i32
    %dma_start3A_228 = tpu.memref_slice %arg8[%rem3A_221, %dma_start3A_222, %dma_start3A_227] : memref<3x1x128xi32, #tpu.memory_space<vmem>> -> memref<1x1x128xi32, #tpu.memory_space<vmem>>
    %dma_start3A_229 = tpu.memref_squeeze %dma_start3A_228 : memref<1x1x128xi32, #tpu.memory_space<vmem>> -> memref<128xi32, #tpu.memory_space<vmem>>
    %dma_start3A_230 = arith.constant 0 : i32
    %dma_start3A_231 = arith.constant 0 : i32
    %dma_start3A_232 = tpu.memref_slice %arg4[%dma_start3A_230, %dma_start3A_231] : memref<10000x128xf32, #tpu.memory_space<hbm>> -> memref<10000x128xf32, #tpu.memory_space<hbm>>
    %dma_start3A_233 = tpu.memref_slice %arg13[%rem3A_218] : memref<3x!tpu.dma_semaphore, #tpu.memory_space<semaphore_mem>> -> memref<1x!tpu.dma_semaphore, #tpu.memory_space<semaphore_mem>>
    %dma_start3A_234 = tpu.memref_squeeze %dma_start3A_233 : memref<1x!tpu.dma_semaphore, #tpu.memory_space<semaphore_mem>> -> memref<!tpu.dma_semaphore, #tpu.memory_space<semaphore_mem>>
    tpu.enqueue_indirect_dma source(%dma_start3A_232 : memref<10000x128xf32, #tpu.memory_space<hbm>>) target(%dma_start3A_226 : memref<128x128xf32, #tpu.memory_space<vmem>>) offsets(%dma_start3A_229 : memref<128xi32, #tpu.memory_space<vmem>>) semaphore(%dma_start3A_234 : memref<!tpu.dma_semaphore, #tpu.memory_space<semaphore_mem>>)
    %add3A_235 = arith.constant 1 : i32
    %add3A_236 = arith.addi %select_n3A_8, %add3A_235 : i32
    %rem3A_237 = arith.constant 1 : i32
    %rem3A_238 = arith.constant 3 : i32
    %rem3A_239 = arith.remsi %rem3A_237, %rem3A_238 : i32
    %rem3A_240 = arith.constant 1 : i32
    %rem3A_241 = arith.constant 3 : i32
    %rem3A_242 = arith.remsi %rem3A_240, %rem3A_241 : i32
    %dma_wait3A_243 = arith.constant 0 : i32
    %dma_wait3A_244 = arith.constant 0 : i32
    %dma_wait3A_245 = tpu.memref_slice %arg8[%rem3A_239, %dma_wait3A_243, %dma_wait3A_244] : memref<3x1x128xi32, #tpu.memory_space<vmem>> -> memref<1x1x128xi32, #tpu.memory_space<vmem>>
    %dma_wait3A_246 = tpu.memref_squeeze %dma_wait3A_245 : memref<1x1x128xi32, #tpu.memory_space<vmem>> -> memref<1x128xi32, #tpu.memory_space<vmem>>
    %dma_wait3A_247 = arith.constant 0 : i32
    %dma_wait3A_248 = arith.constant 0 : i32
    %dma_wait3A_249 = tpu.memref_slice %arg2[%add3A_236, %dma_wait3A_247, %dma_wait3A_248] : memref<2560x1x128xi32, #tpu.memory_space<hbm>> -> memref<1x1x128xi32, #tpu.memory_space<hbm>>
    %dma_wait3A_250 = tpu.memref_squeeze %dma_wait3A_249 : memref<1x1x128xi32, #tpu.memory_space<hbm>> -> memref<1x128xi32, #tpu.memory_space<hbm>>
    %dma_wait3A_251 = tpu.memref_slice %arg11[%rem3A_242] : memref<3x!tpu.dma_semaphore, #tpu.memory_space<semaphore_mem>> -> memref<1x!tpu.dma_semaphore, #tpu.memory_space<semaphore_mem>>
    %dma_wait3A_252 = tpu.memref_squeeze %dma_wait3A_251 : memref<1x!tpu.dma_semaphore, #tpu.memory_space<semaphore_mem>> -> memref<!tpu.dma_semaphore, #tpu.memory_space<semaphore_mem>>
    %dma_wait3A_253 = arith.constant 0 : i32
    %dma_wait3A_254 = arith.constant 0 : i32
    %dma_wait3A_255 = tpu.memref_slice %arg8[%rem3A_239, %dma_wait3A_253, %dma_wait3A_254] : memref<3x1x128xi32, #tpu.memory_space<vmem>> -> memref<1x1x128xi32, #tpu.memory_space<vmem>>
    %dma_wait3A_256 = tpu.memref_squeeze %dma_wait3A_255 : memref<1x1x128xi32, #tpu.memory_space<vmem>> -> memref<1x128xi32, #tpu.memory_space<vmem>>
    %dma_wait3A_257 = arith.constant 0 : i32
    %dma_wait3A_258 = arith.constant 0 : i32
    %dma_wait3A_259 = tpu.memref_slice %arg2[%add3A_236, %dma_wait3A_257, %dma_wait3A_258] : memref<2560x1x128xi32, #tpu.memory_space<hbm>> -> memref<1x1x128xi32, #tpu.memory_space<hbm>>
    %dma_wait3A_260 = tpu.memref_squeeze %dma_wait3A_259 : memref<1x1x128xi32, #tpu.memory_space<hbm>> -> memref<1x128xi32, #tpu.memory_space<hbm>>
    tpu.wait_dma2 semaphore(%dma_wait3A_252 : memref<!tpu.dma_semaphore, #tpu.memory_space<semaphore_mem>>) src(%dma_wait3A_260 : memref<1x128xi32, #tpu.memory_space<hbm>>) dst(%dma_wait3A_256 : memref<1x128xi32, #tpu.memory_space<vmem>>)
    %add3A_261 = arith.constant 1 : i32
    %add3A_262 = arith.addi %select_n3A_8, %add3A_261 : i32
    %rem3A_263 = arith.constant 1 : i32
    %rem3A_264 = arith.constant 4 : i32
    %rem3A_265 = arith.remsi %rem3A_263, %rem3A_264 : i32
    %rem3A_266 = arith.constant 1 : i32
    %rem3A_267 = arith.constant 4 : i32
    %rem3A_268 = arith.remsi %rem3A_266, %rem3A_267 : i32
    %dma_wait3A_269 = arith.constant 0 : i32
    %dma_wait3A_270 = arith.constant 0 : i32
    %dma_wait3A_271 = tpu.memref_slice %arg9[%rem3A_265, %dma_wait3A_269, %dma_wait3A_270] : memref<4x1x128xi32, #tpu.memory_space<vmem>> -> memref<1x1x128xi32, #tpu.memory_space<vmem>>
    %dma_wait3A_272 = tpu.memref_squeeze %dma_wait3A_271 : memref<1x1x128xi32, #tpu.memory_space<vmem>> -> memref<1x128xi32, #tpu.memory_space<vmem>>
    %dma_wait3A_273 = arith.constant 0 : i32
    %dma_wait3A_274 = arith.constant 0 : i32
    %dma_wait3A_275 = tpu.memref_slice %arg3[%add3A_262, %dma_wait3A_273, %dma_wait3A_274] : memref<2560x1x128xi32, #tpu.memory_space<hbm>> -> memref<1x1x128xi32, #tpu.memory_space<hbm>>
    %dma_wait3A_276 = tpu.memref_squeeze %dma_wait3A_275 : memref<1x1x128xi32, #tpu.memory_space<hbm>> -> memref<1x128xi32, #tpu.memory_space<hbm>>
    %dma_wait3A_277 = tpu.memref_slice %arg12[%rem3A_268] : memref<4x!tpu.dma_semaphore, #tpu.memory_space<semaphore_mem>> -> memref<1x!tpu.dma_semaphore, #tpu.memory_space<semaphore_mem>>
    %dma_wait3A_278 = tpu.memref_squeeze %dma_wait3A_277 : memref<1x!tpu.dma_semaphore, #tpu.memory_space<semaphore_mem>> -> memref<!tpu.dma_semaphore, #tpu.memory_space<semaphore_mem>>
    %dma_wait3A_279 = arith.constant 0 : i32
    %dma_wait3A_280 = arith.constant 0 : i32
    %dma_wait3A_281 = tpu.memref_slice %arg9[%rem3A_265, %dma_wait3A_279, %dma_wait3A_280] : memref<4x1x128xi32, #tpu.memory_space<vmem>> -> memref<1x1x128xi32, #tpu.memory_space<vmem>>
    %dma_wait3A_282 = tpu.memref_squeeze %dma_wait3A_281 : memref<1x1x128xi32, #tpu.memory_space<vmem>> -> memref<1x128xi32, #tpu.memory_space<vmem>>
    %dma_wait3A_283 = arith.constant 0 : i32
    %dma_wait3A_284 = arith.constant 0 : i32
    %dma_wait3A_285 = tpu.memref_slice %arg3[%add3A_262, %dma_wait3A_283, %dma_wait3A_284] : memref<2560x1x128xi32, #tpu.memory_space<hbm>> -> memref<1x1x128xi32, #tpu.memory_space<hbm>>
    %dma_wait3A_286 = tpu.memref_squeeze %dma_wait3A_285 : memref<1x1x128xi32, #tpu.memory_space<hbm>> -> memref<1x128xi32, #tpu.memory_space<hbm>>
    tpu.wait_dma2 semaphore(%dma_wait3A_278 : memref<!tpu.dma_semaphore, #tpu.memory_space<semaphore_mem>>) src(%dma_wait3A_286 : memref<1x128xi32, #tpu.memory_space<hbm>>) dst(%dma_wait3A_282 : memref<1x128xi32, #tpu.memory_space<vmem>>)
    %rem3A_287 = arith.constant 1 : i32
    %rem3A_288 = arith.constant 3 : i32
    %rem3A_289 = arith.remsi %rem3A_287, %rem3A_288 : i32
    %rem3A_290 = arith.constant 1 : i32
    %rem3A_291 = arith.constant 3 : i32
    %rem3A_292 = arith.remsi %rem3A_290, %rem3A_291 : i32
    %dma_start3A_293 = arith.constant 0 : i32
    %dma_start3A_294 = arith.constant 0 : i32
    %dma_start3A_295 = arith.constant 0 : i32
    %dma_start3A_296 = tpu.memref_slice %arg10[%rem3A_289, %dma_start3A_294, %dma_start3A_295] : memref<3x128x128xf32, #tpu.memory_space<vmem>> -> memref<1x128x128xf32, #tpu.memory_space<vmem>>
    %dma_start3A_297 = tpu.memref_squeeze %dma_start3A_296 : memref<1x128x128xf32, #tpu.memory_space<vmem>> -> memref<128x128xf32, #tpu.memory_space<vmem>>
    %dma_start3A_298 = arith.constant 0 : i32
    %dma_start3A_299 = tpu.memref_slice %arg8[%rem3A_292, %dma_start3A_293, %dma_start3A_298] : memref<3x1x128xi32, #tpu.memory_space<vmem>> -> memref<1x1x128xi32, #tpu.memory_space<vmem>>
    %dma_start3A_300 = tpu.memref_squeeze %dma_start3A_299 : memref<1x1x128xi32, #tpu.memory_space<vmem>> -> memref<128xi32, #tpu.memory_space<vmem>>
    %dma_start3A_301 = arith.constant 0 : i32
    %dma_start3A_302 = arith.constant 0 : i32
    %dma_start3A_303 = tpu.memref_slice %arg4[%dma_start3A_301, %dma_start3A_302] : memref<10000x128xf32, #tpu.memory_space<hbm>> -> memref<10000x128xf32, #tpu.memory_space<hbm>>
    %dma_start3A_304 = tpu.memref_slice %arg13[%rem3A_289] : memref<3x!tpu.dma_semaphore, #tpu.memory_space<semaphore_mem>> -> memref<1x!tpu.dma_semaphore, #tpu.memory_space<semaphore_mem>>
    %dma_start3A_305 = tpu.memref_squeeze %dma_start3A_304 : memref<1x!tpu.dma_semaphore, #tpu.memory_space<semaphore_mem>> -> memref<!tpu.dma_semaphore, #tpu.memory_space<semaphore_mem>>
    tpu.enqueue_indirect_dma source(%dma_start3A_303 : memref<10000x128xf32, #tpu.memory_space<hbm>>) target(%dma_start3A_297 : memref<128x128xf32, #tpu.memory_space<vmem>>) offsets(%dma_start3A_300 : memref<128xi32, #tpu.memory_space<vmem>>) semaphore(%dma_start3A_305 : memref<!tpu.dma_semaphore, #tpu.memory_space<semaphore_mem>>)
    %while3A = arith.constant 0 : i32
    %while3A_306 = arith.constant 0 : i32
    %while3A_307 = arith.subi %select_n3A, %while3A_306 : i32
    %while3A_308 = arith.addi %while3A_306, %while3A_307 : i32
    %while3A_309 = arith.constant 1 : i32
    %while3A_310 = arith.divsi %while3A_307, %while3A_309 : i32
    %while3A_311 = arith.muli %while3A_310, %while3A_309 : i32
    %while3A_312 = arith.addi %while3A_306, %while3A_311 : i32
    %while3A_313 = arith.constant 1 : i32
    scf.for %while3A_320 = %while3A_306 to %while3A_312 step %while3A_313  : i32 {
      %add3A_321 = arith.constant 2 : i32
      %add3A_322 = arith.addi %while3A_320, %add3A_321 : i32
      %lt3A = arith.cmpi slt, %add3A_322, %select_n3A : i32
      %convert_element_type3A = arith.extui %lt3A : i1 to i32
      %cond3A = arith.constant 0 : i32
      %cond3A_323 = arith.cmpi ne, %convert_element_type3A, %cond3A : i32
      scf.if %cond3A_323 {
        %add3A_351 = arith.constant 2 : i32
        %add3A_352 = arith.addi %while3A_320, %add3A_351 : i32
        %add3A_353 = arith.addi %select_n3A_8, %add3A_352 : i32
        %rem3A_354 = arith.constant 3 : i32
        %rem3A_355 = arith.remsi %add3A_352, %rem3A_354 : i32
        %rem3A_356 = arith.constant 3 : i32
        %rem3A_357 = arith.remsi %add3A_352, %rem3A_356 : i32
        %dma_wait3A_358 = arith.constant 0 : i32
        %dma_wait3A_359 = arith.constant 0 : i32
        %dma_wait3A_360 = tpu.memref_slice %arg8[%rem3A_355, %dma_wait3A_358, %dma_wait3A_359] : memref<3x1x128xi32, #tpu.memory_space<vmem>> -> memref<1x1x128xi32, #tpu.memory_space<vmem>>
        %dma_wait3A_361 = tpu.memref_squeeze %dma_wait3A_360 : memref<1x1x128xi32, #tpu.memory_space<vmem>> -> memref<1x128xi32, #tpu.memory_space<vmem>>
        %dma_wait3A_362 = arith.constant 0 : i32
        %dma_wait3A_363 = arith.constant 0 : i32
        %dma_wait3A_364 = tpu.memref_slice %arg2[%add3A_353, %dma_wait3A_362, %dma_wait3A_363] : memref<2560x1x128xi32, #tpu.memory_space<hbm>> -> memref<1x1x128xi32, #tpu.memory_space<hbm>>
        %dma_wait3A_365 = tpu.memref_squeeze %dma_wait3A_364 : memref<1x1x128xi32, #tpu.memory_space<hbm>> -> memref<1x128xi32, #tpu.memory_space<hbm>>
        %dma_wait3A_366 = tpu.memref_slice %arg11[%rem3A_357] : memref<3x!tpu.dma_semaphore, #tpu.memory_space<semaphore_mem>> -> memref<1x!tpu.dma_semaphore, #tpu.memory_space<semaphore_mem>>
        %dma_wait3A_367 = tpu.memref_squeeze %dma_wait3A_366 : memref<1x!tpu.dma_semaphore, #tpu.memory_space<semaphore_mem>> -> memref<!tpu.dma_semaphore, #tpu.memory_space<semaphore_mem>>
        %dma_wait3A_368 = arith.constant 0 : i32
        %dma_wait3A_369 = arith.constant 0 : i32
        %dma_wait3A_370 = tpu.memref_slice %arg8[%rem3A_355, %dma_wait3A_368, %dma_wait3A_369] : memref<3x1x128xi32, #tpu.memory_space<vmem>> -> memref<1x1x128xi32, #tpu.memory_space<vmem>>
        %dma_wait3A_371 = tpu.memref_squeeze %dma_wait3A_370 : memref<1x1x128xi32, #tpu.memory_space<vmem>> -> memref<1x128xi32, #tpu.memory_space<vmem>>
        %dma_wait3A_372 = arith.constant 0 : i32
        %dma_wait3A_373 = arith.constant 0 : i32
        %dma_wait3A_374 = tpu.memref_slice %arg2[%add3A_353, %dma_wait3A_372, %dma_wait3A_373] : memref<2560x1x128xi32, #tpu.memory_space<hbm>> -> memref<1x1x128xi32, #tpu.memory_space<hbm>>
        %dma_wait3A_375 = tpu.memref_squeeze %dma_wait3A_374 : memref<1x1x128xi32, #tpu.memory_space<hbm>> -> memref<1x128xi32, #tpu.memory_space<hbm>>
        tpu.wait_dma2 semaphore(%dma_wait3A_367 : memref<!tpu.dma_semaphore, #tpu.memory_space<semaphore_mem>>) src(%dma_wait3A_375 : memref<1x128xi32, #tpu.memory_space<hbm>>) dst(%dma_wait3A_371 : memref<1x128xi32, #tpu.memory_space<vmem>>)
        %add3A_376 = arith.addi %select_n3A_8, %add3A_352 : i32
        %rem3A_377 = arith.constant 4 : i32
        %rem3A_378 = arith.remsi %add3A_352, %rem3A_377 : i32
        %rem3A_379 = arith.constant 4 : i32
        %rem3A_380 = arith.remsi %add3A_352, %rem3A_379 : i32
        %dma_wait3A_381 = arith.constant 0 : i32
        %dma_wait3A_382 = arith.constant 0 : i32
        %dma_wait3A_383 = tpu.memref_slice %arg9[%rem3A_378, %dma_wait3A_381, %dma_wait3A_382] : memref<4x1x128xi32, #tpu.memory_space<vmem>> -> memref<1x1x128xi32, #tpu.memory_space<vmem>>
        %dma_wait3A_384 = tpu.memref_squeeze %dma_wait3A_383 : memref<1x1x128xi32, #tpu.memory_space<vmem>> -> memref<1x128xi32, #tpu.memory_space<vmem>>
        %dma_wait3A_385 = arith.constant 0 : i32
        %dma_wait3A_386 = arith.constant 0 : i32
        %dma_wait3A_387 = tpu.memref_slice %arg3[%add3A_376, %dma_wait3A_385, %dma_wait3A_386] : memref<2560x1x128xi32, #tpu.memory_space<hbm>> -> memref<1x1x128xi32, #tpu.memory_space<hbm>>
        %dma_wait3A_388 = tpu.memref_squeeze %dma_wait3A_387 : memref<1x1x128xi32, #tpu.memory_space<hbm>> -> memref<1x128xi32, #tpu.memory_space<hbm>>
        %dma_wait3A_389 = tpu.memref_slice %arg12[%rem3A_380] : memref<4x!tpu.dma_semaphore, #tpu.memory_space<semaphore_mem>> -> memref<1x!tpu.dma_semaphore, #tpu.memory_space<semaphore_mem>>
        %dma_wait3A_390 = tpu.memref_squeeze %dma_wait3A_389 : memref<1x!tpu.dma_semaphore, #tpu.memory_space<semaphore_mem>> -> memref<!tpu.dma_semaphore, #tpu.memory_space<semaphore_mem>>
        %dma_wait3A_391 = arith.constant 0 : i32
        %dma_wait3A_392 = arith.constant 0 : i32
        %dma_wait3A_393 = tpu.memref_slice %arg9[%rem3A_378, %dma_wait3A_391, %dma_wait3A_392] : memref<4x1x128xi32, #tpu.memory_space<vmem>> -> memref<1x1x128xi32, #tpu.memory_space<vmem>>
        %dma_wait3A_394 = tpu.memref_squeeze %dma_wait3A_393 : memref<1x1x128xi32, #tpu.memory_space<vmem>> -> memref<1x128xi32, #tpu.memory_space<vmem>>
        %dma_wait3A_395 = arith.constant 0 : i32
        %dma_wait3A_396 = arith.constant 0 : i32
        %dma_wait3A_397 = tpu.memref_slice %arg3[%add3A_376, %dma_wait3A_395, %dma_wait3A_396] : memref<2560x1x128xi32, #tpu.memory_space<hbm>> -> memref<1x1x128xi32, #tpu.memory_space<hbm>>
        %dma_wait3A_398 = tpu.memref_squeeze %dma_wait3A_397 : memref<1x1x128xi32, #tpu.memory_space<hbm>> -> memref<1x128xi32, #tpu.memory_space<hbm>>
        tpu.wait_dma2 semaphore(%dma_wait3A_390 : memref<!tpu.dma_semaphore, #tpu.memory_space<semaphore_mem>>) src(%dma_wait3A_398 : memref<1x128xi32, #tpu.memory_space<hbm>>) dst(%dma_wait3A_394 : memref<1x128xi32, #tpu.memory_space<vmem>>)
        %add3A_399 = arith.constant 2 : i32
        %add3A_400 = arith.addi %while3A_320, %add3A_399 : i32
        %rem3A_401 = arith.constant 3 : i32
        %rem3A_402 = arith.remsi %add3A_400, %rem3A_401 : i32
        %rem3A_403 = arith.constant 3 : i32
        %rem3A_404 = arith.remsi %add3A_400, %rem3A_403 : i32
        %dma_start3A_405 = arith.constant 0 : i32
        %dma_start3A_406 = arith.constant 0 : i32
        %dma_start3A_407 = arith.constant 0 : i32
        %dma_start3A_408 = tpu.memref_slice %arg10[%rem3A_402, %dma_start3A_406, %dma_start3A_407] : memref<3x128x128xf32, #tpu.memory_space<vmem>> -> memref<1x128x128xf32, #tpu.memory_space<vmem>>
        %dma_start3A_409 = tpu.memref_squeeze %dma_start3A_408 : memref<1x128x128xf32, #tpu.memory_space<vmem>> -> memref<128x128xf32, #tpu.memory_space<vmem>>
        %dma_start3A_410 = arith.constant 0 : i32
        %dma_start3A_411 = tpu.memref_slice %arg8[%rem3A_404, %dma_start3A_405, %dma_start3A_410] : memref<3x1x128xi32, #tpu.memory_space<vmem>> -> memref<1x1x128xi32, #tpu.memory_space<vmem>>
        %dma_start3A_412 = tpu.memref_squeeze %dma_start3A_411 : memref<1x1x128xi32, #tpu.memory_space<vmem>> -> memref<128xi32, #tpu.memory_space<vmem>>
        %dma_start3A_413 = arith.constant 0 : i32
        %dma_start3A_414 = arith.constant 0 : i32
        %dma_start3A_415 = tpu.memref_slice %arg4[%dma_start3A_413, %dma_start3A_414] : memref<10000x128xf32, #tpu.memory_space<hbm>> -> memref<10000x128xf32, #tpu.memory_space<hbm>>
        %dma_start3A_416 = tpu.memref_slice %arg13[%rem3A_402] : memref<3x!tpu.dma_semaphore, #tpu.memory_space<semaphore_mem>> -> memref<1x!tpu.dma_semaphore, #tpu.memory_space<semaphore_mem>>
        %dma_start3A_417 = tpu.memref_squeeze %dma_start3A_416 : memref<1x!tpu.dma_semaphore, #tpu.memory_space<semaphore_mem>> -> memref<!tpu.dma_semaphore, #tpu.memory_space<semaphore_mem>>
        tpu.enqueue_indirect_dma source(%dma_start3A_415 : memref<10000x128xf32, #tpu.memory_space<hbm>>) target(%dma_start3A_409 : memref<128x128xf32, #tpu.memory_space<vmem>>) offsets(%dma_start3A_412 : memref<128xi32, #tpu.memory_space<vmem>>) semaphore(%dma_start3A_417 : memref<!tpu.dma_semaphore, #tpu.memory_space<semaphore_mem>>)
      } else {
      }
      %rem3A_324 = arith.constant 3 : i32
      %rem3A_325 = arith.remsi %while3A_320, %rem3A_324 : i32
      %rem3A_326 = arith.constant 3 : i32
      %rem3A_327 = arith.remsi %while3A_320, %rem3A_326 : i32
      %dma_wait3A_328 = arith.constant 0 : i32
      %dma_wait3A_329 = arith.constant 0 : i32
      %dma_wait3A_330 = arith.constant 0 : i32
      %dma_wait3A_331 = tpu.memref_slice %arg10[%rem3A_325, %dma_wait3A_329, %dma_wait3A_330] : memref<3x128x128xf32, #tpu.memory_space<vmem>> -> memref<1x128x128xf32, #tpu.memory_space<vmem>>
      %dma_wait3A_332 = tpu.memref_squeeze %dma_wait3A_331 : memref<1x128x128xf32, #tpu.memory_space<vmem>> -> memref<128x128xf32, #tpu.memory_space<vmem>>
      %dma_wait3A_333 = arith.constant 0 : i32
      %dma_wait3A_334 = tpu.memref_slice %arg8[%rem3A_327, %dma_wait3A_328, %dma_wait3A_333] : memref<3x1x128xi32, #tpu.memory_space<vmem>> -> memref<1x1x128xi32, #tpu.memory_space<vmem>>
      %dma_wait3A_335 = tpu.memref_squeeze %dma_wait3A_334 : memref<1x1x128xi32, #tpu.memory_space<vmem>> -> memref<128xi32, #tpu.memory_space<vmem>>
      %dma_wait3A_336 = arith.constant 0 : i32
      %dma_wait3A_337 = arith.constant 0 : i32
      %dma_wait3A_338 = tpu.memref_slice %arg4[%dma_wait3A_336, %dma_wait3A_337] : memref<10000x128xf32, #tpu.memory_space<hbm>> -> memref<10000x128xf32, #tpu.memory_space<hbm>>
      %dma_wait3A_339 = tpu.memref_slice %arg13[%rem3A_325] : memref<3x!tpu.dma_semaphore, #tpu.memory_space<semaphore_mem>> -> memref<1x!tpu.dma_semaphore, #tpu.memory_space<semaphore_mem>>
      %dma_wait3A_340 = tpu.memref_squeeze %dma_wait3A_339 : memref<1x!tpu.dma_semaphore, #tpu.memory_space<semaphore_mem>> -> memref<!tpu.dma_semaphore, #tpu.memory_space<semaphore_mem>>
      tpu.wait_indirect_dma semaphore(%dma_wait3A_340 : memref<!tpu.dma_semaphore, #tpu.memory_space<semaphore_mem>>) src(%dma_wait3A_338 : memref<10000x128xf32, #tpu.memory_space<hbm>>) dst(%dma_wait3A_332 : memref<128x128xf32, #tpu.memory_space<vmem>>)
      %add3A_341 = arith.constant 3 : i32
      %add3A_342 = arith.addi %while3A_320, %add3A_341 : i32
      %lt3A_343 = arith.cmpi slt, %add3A_342, %select_n3A : i32
      %convert_element_type3A_344 = arith.extui %lt3A_343 : i1 to i32
      %cond3A_345 = arith.constant 0 : i32
      %cond3A_346 = arith.cmpi ne, %convert_element_type3A_344, %cond3A_345 : i32
      scf.if %cond3A_346 {
        %add3A_351 = arith.constant 3 : i32
        %add3A_352 = arith.addi %while3A_320, %add3A_351 : i32
        %add3A_353 = arith.addi %select_n3A_8, %add3A_352 : i32
        %rem3A_354 = arith.constant 3 : i32
        %rem3A_355 = arith.remsi %add3A_352, %rem3A_354 : i32
        %rem3A_356 = arith.constant 3 : i32
        %rem3A_357 = arith.remsi %add3A_352, %rem3A_356 : i32
        %dma_start3A_358 = arith.constant 0 : i32
        %dma_start3A_359 = arith.constant 0 : i32
        %dma_start3A_360 = tpu.memref_slice %arg8[%rem3A_355, %dma_start3A_358, %dma_start3A_359] : memref<3x1x128xi32, #tpu.memory_space<vmem>> -> memref<1x1x128xi32, #tpu.memory_space<vmem>>
        %dma_start3A_361 = tpu.memref_squeeze %dma_start3A_360 : memref<1x1x128xi32, #tpu.memory_space<vmem>> -> memref<1x128xi32, #tpu.memory_space<vmem>>
        %dma_start3A_362 = arith.constant 0 : i32
        %dma_start3A_363 = arith.constant 0 : i32
        %dma_start3A_364 = tpu.memref_slice %arg2[%add3A_353, %dma_start3A_362, %dma_start3A_363] : memref<2560x1x128xi32, #tpu.memory_space<hbm>> -> memref<1x1x128xi32, #tpu.memory_space<hbm>>
        %dma_start3A_365 = tpu.memref_squeeze %dma_start3A_364 : memref<1x1x128xi32, #tpu.memory_space<hbm>> -> memref<1x128xi32, #tpu.memory_space<hbm>>
        %dma_start3A_366 = tpu.memref_slice %arg11[%rem3A_357] : memref<3x!tpu.dma_semaphore, #tpu.memory_space<semaphore_mem>> -> memref<1x!tpu.dma_semaphore, #tpu.memory_space<semaphore_mem>>
        %dma_start3A_367 = tpu.memref_squeeze %dma_start3A_366 : memref<1x!tpu.dma_semaphore, #tpu.memory_space<semaphore_mem>> -> memref<!tpu.dma_semaphore, #tpu.memory_space<semaphore_mem>>
        %dma_start3A_368 = arith.constant 0 : i32
        %dma_start3A_369 = arith.constant 0 : i32
        %dma_start3A_370 = tpu.memref_slice %arg8[%rem3A_355, %dma_start3A_368, %dma_start3A_369] : memref<3x1x128xi32, #tpu.memory_space<vmem>> -> memref<1x1x128xi32, #tpu.memory_space<vmem>>
        %dma_start3A_371 = tpu.memref_squeeze %dma_start3A_370 : memref<1x1x128xi32, #tpu.memory_space<vmem>> -> memref<1x128xi32, #tpu.memory_space<vmem>>
        %dma_start3A_372 = arith.constant 0 : i32
        %dma_start3A_373 = arith.constant 0 : i32
        %dma_start3A_374 = tpu.memref_slice %arg2[%add3A_353, %dma_start3A_372, %dma_start3A_373] : memref<2560x1x128xi32, #tpu.memory_space<hbm>> -> memref<1x1x128xi32, #tpu.memory_space<hbm>>
        %dma_start3A_375 = tpu.memref_squeeze %dma_start3A_374 : memref<1x1x128xi32, #tpu.memory_space<hbm>> -> memref<1x128xi32, #tpu.memory_space<hbm>>
        tpu.enqueue_dma source(%dma_start3A_375 : memref<1x128xi32, #tpu.memory_space<hbm>>) target(%dma_start3A_371 : memref<1x128xi32, #tpu.memory_space<vmem>>) target_semaphore(%dma_start3A_367 : memref<!tpu.dma_semaphore, #tpu.memory_space<semaphore_mem>>)
        %add3A_376 = arith.addi %select_n3A_8, %add3A_352 : i32
        %rem3A_377 = arith.constant 4 : i32
        %rem3A_378 = arith.remsi %add3A_352, %rem3A_377 : i32
        %rem3A_379 = arith.constant 4 : i32
        %rem3A_380 = arith.remsi %add3A_352, %rem3A_379 : i32
        %dma_start3A_381 = arith.constant 0 : i32
        %dma_start3A_382 = arith.constant 0 : i32
        %dma_start3A_383 = tpu.memref_slice %arg9[%rem3A_378, %dma_start3A_381, %dma_start3A_382] : memref<4x1x128xi32, #tpu.memory_space<vmem>> -> memref<1x1x128xi32, #tpu.memory_space<vmem>>
        %dma_start3A_384 = tpu.memref_squeeze %dma_start3A_383 : memref<1x1x128xi32, #tpu.memory_space<vmem>> -> memref<1x128xi32, #tpu.memory_space<vmem>>
        %dma_start3A_385 = arith.constant 0 : i32
        %dma_start3A_386 = arith.constant 0 : i32
        %dma_start3A_387 = tpu.memref_slice %arg3[%add3A_376, %dma_start3A_385, %dma_start3A_386] : memref<2560x1x128xi32, #tpu.memory_space<hbm>> -> memref<1x1x128xi32, #tpu.memory_space<hbm>>
        %dma_start3A_388 = tpu.memref_squeeze %dma_start3A_387 : memref<1x1x128xi32, #tpu.memory_space<hbm>> -> memref<1x128xi32, #tpu.memory_space<hbm>>
        %dma_start3A_389 = tpu.memref_slice %arg12[%rem3A_380] : memref<4x!tpu.dma_semaphore, #tpu.memory_space<semaphore_mem>> -> memref<1x!tpu.dma_semaphore, #tpu.memory_space<semaphore_mem>>
        %dma_start3A_390 = tpu.memref_squeeze %dma_start3A_389 : memref<1x!tpu.dma_semaphore, #tpu.memory_space<semaphore_mem>> -> memref<!tpu.dma_semaphore, #tpu.memory_space<semaphore_mem>>
        %dma_start3A_391 = arith.constant 0 : i32
        %dma_start3A_392 = arith.constant 0 : i32
        %dma_start3A_393 = tpu.memref_slice %arg9[%rem3A_378, %dma_start3A_391, %dma_start3A_392] : memref<4x1x128xi32, #tpu.memory_space<vmem>> -> memref<1x1x128xi32, #tpu.memory_space<vmem>>
        %dma_start3A_394 = tpu.memref_squeeze %dma_start3A_393 : memref<1x1x128xi32, #tpu.memory_space<vmem>> -> memref<1x128xi32, #tpu.memory_space<vmem>>
        %dma_start3A_395 = arith.constant 0 : i32
        %dma_start3A_396 = arith.constant 0 : i32
        %dma_start3A_397 = tpu.memref_slice %arg3[%add3A_376, %dma_start3A_395, %dma_start3A_396] : memref<2560x1x128xi32, #tpu.memory_space<hbm>> -> memref<1x1x128xi32, #tpu.memory_space<hbm>>
        %dma_start3A_398 = tpu.memref_squeeze %dma_start3A_397 : memref<1x1x128xi32, #tpu.memory_space<hbm>> -> memref<1x128xi32, #tpu.memory_space<hbm>>
        tpu.enqueue_dma source(%dma_start3A_398 : memref<1x128xi32, #tpu.memory_space<hbm>>) target(%dma_start3A_394 : memref<1x128xi32, #tpu.memory_space<vmem>>) target_semaphore(%dma_start3A_390 : memref<!tpu.dma_semaphore, #tpu.memory_space<semaphore_mem>>)
      } else {
      }
      %rem3A_347 = arith.constant 3 : i32
      %rem3A_348 = arith.remsi %while3A_320, %rem3A_347 : i32
      %rem3A_349 = arith.constant 4 : i32
      %rem3A_350 = arith.remsi %while3A_320, %rem3A_349 : i32
      %run_scoped3A = arith.constant 0 : i32
      "tpu.region"() ({
        %run_scoped3A_351 = tpu.sem_alloc : memref<!tpu.dma_semaphore, #tpu.memory_space<semaphore_mem>>
        %dma_start3A_352 = arith.constant 0 : i32
        %dma_start3A_353 = arith.constant 0 : i32
        %dma_start3A_354 = tpu.memref_slice %arg10[%rem3A_348, %dma_start3A_352, %dma_start3A_353] : memref<3x128x128xf32, #tpu.memory_space<vmem>> -> memref<1x128x128xf32, #tpu.memory_space<vmem>>
        %dma_start3A_355 = tpu.memref_squeeze %dma_start3A_354 : memref<1x128x128xf32, #tpu.memory_space<vmem>> -> memref<128x128xf32, #tpu.memory_space<vmem>>
        %dma_start3A_356 = arith.constant 0 : i32
        %dma_start3A_357 = tpu.memref_slice %arg9[%rem3A_350, %run_scoped3A, %dma_start3A_356] : memref<4x1x128xi32, #tpu.memory_space<vmem>> -> memref<1x1x128xi32, #tpu.memory_space<vmem>>
        %dma_start3A_358 = tpu.memref_squeeze %dma_start3A_357 : memref<1x1x128xi32, #tpu.memory_space<vmem>> -> memref<128xi32, #tpu.memory_space<vmem>>
        %dma_start3A_359 = arith.constant 0 : i32
        %dma_start3A_360 = arith.constant 0 : i32
        %dma_start3A_361 = tpu.memref_slice %arg7[%dma_start3A_359, %dma_start3A_360] : memref<10112x128xf32, #tpu.memory_space<vmem_shared>> -> memref<10112x128xf32, #tpu.memory_space<vmem_shared>>
        tpu.enqueue_indirect_dma source(%dma_start3A_355 : memref<128x128xf32, #tpu.memory_space<vmem>>) target(%dma_start3A_361 : memref<10112x128xf32, #tpu.memory_space<vmem_shared>>) offsets(%dma_start3A_358 : memref<128xi32, #tpu.memory_space<vmem>>) semaphore(%run_scoped3A_351 : memref<!tpu.dma_semaphore, #tpu.memory_space<semaphore_mem>>) {add = true}
        %dma_wait3A_362 = arith.constant 0 : i32
        %dma_wait3A_363 = arith.constant 0 : i32
        %dma_wait3A_364 = tpu.memref_slice %arg10[%rem3A_348, %dma_wait3A_362, %dma_wait3A_363] : memref<3x128x128xf32, #tpu.memory_space<vmem>> -> memref<1x128x128xf32, #tpu.memory_space<vmem>>
        %dma_wait3A_365 = tpu.memref_squeeze %dma_wait3A_364 : memref<1x128x128xf32, #tpu.memory_space<vmem>> -> memref<128x128xf32, #tpu.memory_space<vmem>>
        %dma_wait3A_366 = arith.constant 0 : i32
        %dma_wait3A_367 = tpu.memref_slice %arg9[%rem3A_350, %run_scoped3A, %dma_wait3A_366] : memref<4x1x128xi32, #tpu.memory_space<vmem>> -> memref<1x1x128xi32, #tpu.memory_space<vmem>>
        %dma_wait3A_368 = tpu.memref_squeeze %dma_wait3A_367 : memref<1x1x128xi32, #tpu.memory_space<vmem>> -> memref<128xi32, #tpu.memory_space<vmem>>
        %dma_wait3A_369 = arith.constant 0 : i32
        %dma_wait3A_370 = arith.constant 0 : i32
        %dma_wait3A_371 = tpu.memref_slice %arg7[%dma_wait3A_369, %dma_wait3A_370] : memref<10112x128xf32, #tpu.memory_space<vmem_shared>> -> memref<10112x128xf32, #tpu.memory_space<vmem_shared>>
        tpu.wait_indirect_dma semaphore(%run_scoped3A_351 : memref<!tpu.dma_semaphore, #tpu.memory_space<semaphore_mem>>) src(%dma_wait3A_365 : memref<128x128xf32, #tpu.memory_space<vmem>>) dst(%dma_wait3A_371 : memref<10112x128xf32, #tpu.memory_space<vmem_shared>>)
        tpu.yield
      }) : () -> ()
    }
    %while3A_314 = arith.constant 1 : i32
    scf.for %while3A_320 = %while3A_312 to %while3A_308 step %while3A_314  : i32 {
      %add3A_321 = arith.constant 2 : i32
      %add3A_322 = arith.addi %while3A_320, %add3A_321 : i32
      %lt3A = arith.cmpi slt, %add3A_322, %select_n3A : i32
      %convert_element_type3A = arith.extui %lt3A : i1 to i32
      %cond3A = arith.constant 0 : i32
      %cond3A_323 = arith.cmpi ne, %convert_element_type3A, %cond3A : i32
      scf.if %cond3A_323 {
        %add3A_351 = arith.constant 2 : i32
        %add3A_352 = arith.addi %while3A_320, %add3A_351 : i32
        %add3A_353 = arith.addi %select_n3A_8, %add3A_352 : i32
        %rem3A_354 = arith.constant 3 : i32
        %rem3A_355 = arith.remsi %add3A_352, %rem3A_354 : i32
        %rem3A_356 = arith.constant 3 : i32
        %rem3A_357 = arith.remsi %add3A_352, %rem3A_356 : i32
        %dma_wait3A_358 = arith.constant 0 : i32
        %dma_wait3A_359 = arith.constant 0 : i32
        %dma_wait3A_360 = tpu.memref_slice %arg8[%rem3A_355, %dma_wait3A_358, %dma_wait3A_359] : memref<3x1x128xi32, #tpu.memory_space<vmem>> -> memref<1x1x128xi32, #tpu.memory_space<vmem>>
        %dma_wait3A_361 = tpu.memref_squeeze %dma_wait3A_360 : memref<1x1x128xi32, #tpu.memory_space<vmem>> -> memref<1x128xi32, #tpu.memory_space<vmem>>
        %dma_wait3A_362 = arith.constant 0 : i32
        %dma_wait3A_363 = arith.constant 0 : i32
        %dma_wait3A_364 = tpu.memref_slice %arg2[%add3A_353, %dma_wait3A_362, %dma_wait3A_363] : memref<2560x1x128xi32, #tpu.memory_space<hbm>> -> memref<1x1x128xi32, #tpu.memory_space<hbm>>
        %dma_wait3A_365 = tpu.memref_squeeze %dma_wait3A_364 : memref<1x1x128xi32, #tpu.memory_space<hbm>> -> memref<1x128xi32, #tpu.memory_space<hbm>>
        %dma_wait3A_366 = tpu.memref_slice %arg11[%rem3A_357] : memref<3x!tpu.dma_semaphore, #tpu.memory_space<semaphore_mem>> -> memref<1x!tpu.dma_semaphore, #tpu.memory_space<semaphore_mem>>
        %dma_wait3A_367 = tpu.memref_squeeze %dma_wait3A_366 : memref<1x!tpu.dma_semaphore, #tpu.memory_space<semaphore_mem>> -> memref<!tpu.dma_semaphore, #tpu.memory_space<semaphore_mem>>
        %dma_wait3A_368 = arith.constant 0 : i32
        %dma_wait3A_369 = arith.constant 0 : i32
        %dma_wait3A_370 = tpu.memref_slice %arg8[%rem3A_355, %dma_wait3A_368, %dma_wait3A_369] : memref<3x1x128xi32, #tpu.memory_space<vmem>> -> memref<1x1x128xi32, #tpu.memory_space<vmem>>
        %dma_wait3A_371 = tpu.memref_squeeze %dma_wait3A_370 : memref<1x1x128xi32, #tpu.memory_space<vmem>> -> memref<1x128xi32, #tpu.memory_space<vmem>>
        %dma_wait3A_372 = arith.constant 0 : i32
        %dma_wait3A_373 = arith.constant 0 : i32
        %dma_wait3A_374 = tpu.memref_slice %arg2[%add3A_353, %dma_wait3A_372, %dma_wait3A_373] : memref<2560x1x128xi32, #tpu.memory_space<hbm>> -> memref<1x1x128xi32, #tpu.memory_space<hbm>>
        %dma_wait3A_375 = tpu.memref_squeeze %dma_wait3A_374 : memref<1x1x128xi32, #tpu.memory_space<hbm>> -> memref<1x128xi32, #tpu.memory_space<hbm>>
        tpu.wait_dma2 semaphore(%dma_wait3A_367 : memref<!tpu.dma_semaphore, #tpu.memory_space<semaphore_mem>>) src(%dma_wait3A_375 : memref<1x128xi32, #tpu.memory_space<hbm>>) dst(%dma_wait3A_371 : memref<1x128xi32, #tpu.memory_space<vmem>>)
        %add3A_376 = arith.addi %select_n3A_8, %add3A_352 : i32
        %rem3A_377 = arith.constant 4 : i32
        %rem3A_378 = arith.remsi %add3A_352, %rem3A_377 : i32
        %rem3A_379 = arith.constant 4 : i32
        %rem3A_380 = arith.remsi %add3A_352, %rem3A_379 : i32
        %dma_wait3A_381 = arith.constant 0 : i32
        %dma_wait3A_382 = arith.constant 0 : i32
        %dma_wait3A_383 = tpu.memref_slice %arg9[%rem3A_378, %dma_wait3A_381, %dma_wait3A_382] : memref<4x1x128xi32, #tpu.memory_space<vmem>> -> memref<1x1x128xi32, #tpu.memory_space<vmem>>
        %dma_wait3A_384 = tpu.memref_squeeze %dma_wait3A_383 : memref<1x1x128xi32, #tpu.memory_space<vmem>> -> memref<1x128xi32, #tpu.memory_space<vmem>>
        %dma_wait3A_385 = arith.constant 0 : i32
        %dma_wait3A_386 = arith.constant 0 : i32
        %dma_wait3A_387 = tpu.memref_slice %arg3[%add3A_376, %dma_wait3A_385, %dma_wait3A_386] : memref<2560x1x128xi32, #tpu.memory_space<hbm>> -> memref<1x1x128xi32, #tpu.memory_space<hbm>>
        %dma_wait3A_388 = tpu.memref_squeeze %dma_wait3A_387 : memref<1x1x128xi32, #tpu.memory_space<hbm>> -> memref<1x128xi32, #tpu.memory_space<hbm>>
        %dma_wait3A_389 = tpu.memref_slice %arg12[%rem3A_380] : memref<4x!tpu.dma_semaphore, #tpu.memory_space<semaphore_mem>> -> memref<1x!tpu.dma_semaphore, #tpu.memory_space<semaphore_mem>>
        %dma_wait3A_390 = tpu.memref_squeeze %dma_wait3A_389 : memref<1x!tpu.dma_semaphore, #tpu.memory_space<semaphore_mem>> -> memref<!tpu.dma_semaphore, #tpu.memory_space<semaphore_mem>>
        %dma_wait3A_391 = arith.constant 0 : i32
        %dma_wait3A_392 = arith.constant 0 : i32
        %dma_wait3A_393 = tpu.memref_slice %arg9[%rem3A_378, %dma_wait3A_391, %dma_wait3A_392] : memref<4x1x128xi32, #tpu.memory_space<vmem>> -> memref<1x1x128xi32, #tpu.memory_space<vmem>>
        %dma_wait3A_394 = tpu.memref_squeeze %dma_wait3A_393 : memref<1x1x128xi32, #tpu.memory_space<vmem>> -> memref<1x128xi32, #tpu.memory_space<vmem>>
        %dma_wait3A_395 = arith.constant 0 : i32
        %dma_wait3A_396 = arith.constant 0 : i32
        %dma_wait3A_397 = tpu.memref_slice %arg3[%add3A_376, %dma_wait3A_395, %dma_wait3A_396] : memref<2560x1x128xi32, #tpu.memory_space<hbm>> -> memref<1x1x128xi32, #tpu.memory_space<hbm>>
        %dma_wait3A_398 = tpu.memref_squeeze %dma_wait3A_397 : memref<1x1x128xi32, #tpu.memory_space<hbm>> -> memref<1x128xi32, #tpu.memory_space<hbm>>
        tpu.wait_dma2 semaphore(%dma_wait3A_390 : memref<!tpu.dma_semaphore, #tpu.memory_space<semaphore_mem>>) src(%dma_wait3A_398 : memref<1x128xi32, #tpu.memory_space<hbm>>) dst(%dma_wait3A_394 : memref<1x128xi32, #tpu.memory_space<vmem>>)
        %add3A_399 = arith.constant 2 : i32
        %add3A_400 = arith.addi %while3A_320, %add3A_399 : i32
        %rem3A_401 = arith.constant 3 : i32
        %rem3A_402 = arith.remsi %add3A_400, %rem3A_401 : i32
        %rem3A_403 = arith.constant 3 : i32
        %rem3A_404 = arith.remsi %add3A_400, %rem3A_403 : i32
        %dma_start3A_405 = arith.constant 0 : i32
        %dma_start3A_406 = arith.constant 0 : i32
        %dma_start3A_407 = arith.constant 0 : i32
        %dma_start3A_408 = tpu.memref_slice %arg10[%rem3A_402, %dma_start3A_406, %dma_start3A_407] : memref<3x128x128xf32, #tpu.memory_space<vmem>> -> memref<1x128x128xf32, #tpu.memory_space<vmem>>
        %dma_start3A_409 = tpu.memref_squeeze %dma_start3A_408 : memref<1x128x128xf32, #tpu.memory_space<vmem>> -> memref<128x128xf32, #tpu.memory_space<vmem>>
        %dma_start3A_410 = arith.constant 0 : i32
        %dma_start3A_411 = tpu.memref_slice %arg8[%rem3A_404, %dma_start3A_405, %dma_start3A_410] : memref<3x1x128xi32, #tpu.memory_space<vmem>> -> memref<1x1x128xi32, #tpu.memory_space<vmem>>
        %dma_start3A_412 = tpu.memref_squeeze %dma_start3A_411 : memref<1x1x128xi32, #tpu.memory_space<vmem>> -> memref<128xi32, #tpu.memory_space<vmem>>
        %dma_start3A_413 = arith.constant 0 : i32
        %dma_start3A_414 = arith.constant 0 : i32
        %dma_start3A_415 = tpu.memref_slice %arg4[%dma_start3A_413, %dma_start3A_414] : memref<10000x128xf32, #tpu.memory_space<hbm>> -> memref<10000x128xf32, #tpu.memory_space<hbm>>
        %dma_start3A_416 = tpu.memref_slice %arg13[%rem3A_402] : memref<3x!tpu.dma_semaphore, #tpu.memory_space<semaphore_mem>> -> memref<1x!tpu.dma_semaphore, #tpu.memory_space<semaphore_mem>>
        %dma_start3A_417 = tpu.memref_squeeze %dma_start3A_416 : memref<1x!tpu.dma_semaphore, #tpu.memory_space<semaphore_mem>> -> memref<!tpu.dma_semaphore, #tpu.memory_space<semaphore_mem>>
        tpu.enqueue_indirect_dma source(%dma_start3A_415 : memref<10000x128xf32, #tpu.memory_space<hbm>>) target(%dma_start3A_409 : memref<128x128xf32, #tpu.memory_space<vmem>>) offsets(%dma_start3A_412 : memref<128xi32, #tpu.memory_space<vmem>>) semaphore(%dma_start3A_417 : memref<!tpu.dma_semaphore, #tpu.memory_space<semaphore_mem>>)
      } else {
      }
      %rem3A_324 = arith.constant 3 : i32
      %rem3A_325 = arith.remsi %while3A_320, %rem3A_324 : i32
      %rem3A_326 = arith.constant 3 : i32
      %rem3A_327 = arith.remsi %while3A_320, %rem3A_326 : i32
      %dma_wait3A_328 = arith.constant 0 : i32
      %dma_wait3A_329 = arith.constant 0 : i32
      %dma_wait3A_330 = arith.constant 0 : i32
      %dma_wait3A_331 = tpu.memref_slice %arg10[%rem3A_325, %dma_wait3A_329, %dma_wait3A_330] : memref<3x128x128xf32, #tpu.memory_space<vmem>> -> memref<1x128x128xf32, #tpu.memory_space<vmem>>
      %dma_wait3A_332 = tpu.memref_squeeze %dma_wait3A_331 : memref<1x128x128xf32, #tpu.memory_space<vmem>> -> memref<128x128xf32, #tpu.memory_space<vmem>>
      %dma_wait3A_333 = arith.constant 0 : i32
      %dma_wait3A_334 = tpu.memref_slice %arg8[%rem3A_327, %dma_wait3A_328, %dma_wait3A_333] : memref<3x1x128xi32, #tpu.memory_space<vmem>> -> memref<1x1x128xi32, #tpu.memory_space<vmem>>
      %dma_wait3A_335 = tpu.memref_squeeze %dma_wait3A_334 : memref<1x1x128xi32, #tpu.memory_space<vmem>> -> memref<128xi32, #tpu.memory_space<vmem>>
      %dma_wait3A_336 = arith.constant 0 : i32
      %dma_wait3A_337 = arith.constant 0 : i32
      %dma_wait3A_338 = tpu.memref_slice %arg4[%dma_wait3A_336, %dma_wait3A_337] : memref<10000x128xf32, #tpu.memory_space<hbm>> -> memref<10000x128xf32, #tpu.memory_space<hbm>>
      %dma_wait3A_339 = tpu.memref_slice %arg13[%rem3A_325] : memref<3x!tpu.dma_semaphore, #tpu.memory_space<semaphore_mem>> -> memref<1x!tpu.dma_semaphore, #tpu.memory_space<semaphore_mem>>
      %dma_wait3A_340 = tpu.memref_squeeze %dma_wait3A_339 : memref<1x!tpu.dma_semaphore, #tpu.memory_space<semaphore_mem>> -> memref<!tpu.dma_semaphore, #tpu.memory_space<semaphore_mem>>
      tpu.wait_indirect_dma semaphore(%dma_wait3A_340 : memref<!tpu.dma_semaphore, #tpu.memory_space<semaphore_mem>>) src(%dma_wait3A_338 : memref<10000x128xf32, #tpu.memory_space<hbm>>) dst(%dma_wait3A_332 : memref<128x128xf32, #tpu.memory_space<vmem>>)
      %add3A_341 = arith.constant 3 : i32
      %add3A_342 = arith.addi %while3A_320, %add3A_341 : i32
      %lt3A_343 = arith.cmpi slt, %add3A_342, %select_n3A : i32
      %convert_element_type3A_344 = arith.extui %lt3A_343 : i1 to i32
      %cond3A_345 = arith.constant 0 : i32
      %cond3A_346 = arith.cmpi ne, %convert_element_type3A_344, %cond3A_345 : i32
      scf.if %cond3A_346 {
        %add3A_351 = arith.constant 3 : i32
        %add3A_352 = arith.addi %while3A_320, %add3A_351 : i32
        %add3A_353 = arith.addi %select_n3A_8, %add3A_352 : i32
        %rem3A_354 = arith.constant 3 : i32
        %rem3A_355 = arith.remsi %add3A_352, %rem3A_354 : i32
        %rem3A_356 = arith.constant 3 : i32
        %rem3A_357 = arith.remsi %add3A_352, %rem3A_356 : i32
        %dma_start3A_358 = arith.constant 0 : i32
        %dma_start3A_359 = arith.constant 0 : i32
        %dma_start3A_360 = tpu.memref_slice %arg8[%rem3A_355, %dma_start3A_358, %dma_start3A_359] : memref<3x1x128xi32, #tpu.memory_space<vmem>> -> memref<1x1x128xi32, #tpu.memory_space<vmem>>
        %dma_start3A_361 = tpu.memref_squeeze %dma_start3A_360 : memref<1x1x128xi32, #tpu.memory_space<vmem>> -> memref<1x128xi32, #tpu.memory_space<vmem>>
        %dma_start3A_362 = arith.constant 0 : i32
        %dma_start3A_363 = arith.constant 0 : i32
        %dma_start3A_364 = tpu.memref_slice %arg2[%add3A_353, %dma_start3A_362, %dma_start3A_363] : memref<2560x1x128xi32, #tpu.memory_space<hbm>> -> memref<1x1x128xi32, #tpu.memory_space<hbm>>
        %dma_start3A_365 = tpu.memref_squeeze %dma_start3A_364 : memref<1x1x128xi32, #tpu.memory_space<hbm>> -> memref<1x128xi32, #tpu.memory_space<hbm>>
        %dma_start3A_366 = tpu.memref_slice %arg11[%rem3A_357] : memref<3x!tpu.dma_semaphore, #tpu.memory_space<semaphore_mem>> -> memref<1x!tpu.dma_semaphore, #tpu.memory_space<semaphore_mem>>
        %dma_start3A_367 = tpu.memref_squeeze %dma_start3A_366 : memref<1x!tpu.dma_semaphore, #tpu.memory_space<semaphore_mem>> -> memref<!tpu.dma_semaphore, #tpu.memory_space<semaphore_mem>>
        %dma_start3A_368 = arith.constant 0 : i32
        %dma_start3A_369 = arith.constant 0 : i32
        %dma_start3A_370 = tpu.memref_slice %arg8[%rem3A_355, %dma_start3A_368, %dma_start3A_369] : memref<3x1x128xi32, #tpu.memory_space<vmem>> -> memref<1x1x128xi32, #tpu.memory_space<vmem>>
        %dma_start3A_371 = tpu.memref_squeeze %dma_start3A_370 : memref<1x1x128xi32, #tpu.memory_space<vmem>> -> memref<1x128xi32, #tpu.memory_space<vmem>>
        %dma_start3A_372 = arith.constant 0 : i32
        %dma_start3A_373 = arith.constant 0 : i32
        %dma_start3A_374 = tpu.memref_slice %arg2[%add3A_353, %dma_start3A_372, %dma_start3A_373] : memref<2560x1x128xi32, #tpu.memory_space<hbm>> -> memref<1x1x128xi32, #tpu.memory_space<hbm>>
        %dma_start3A_375 = tpu.memref_squeeze %dma_start3A_374 : memref<1x1x128xi32, #tpu.memory_space<hbm>> -> memref<1x128xi32, #tpu.memory_space<hbm>>
        tpu.enqueue_dma source(%dma_start3A_375 : memref<1x128xi32, #tpu.memory_space<hbm>>) target(%dma_start3A_371 : memref<1x128xi32, #tpu.memory_space<vmem>>) target_semaphore(%dma_start3A_367 : memref<!tpu.dma_semaphore, #tpu.memory_space<semaphore_mem>>)
        %add3A_376 = arith.addi %select_n3A_8, %add3A_352 : i32
        %rem3A_377 = arith.constant 4 : i32
        %rem3A_378 = arith.remsi %add3A_352, %rem3A_377 : i32
        %rem3A_379 = arith.constant 4 : i32
        %rem3A_380 = arith.remsi %add3A_352, %rem3A_379 : i32
        %dma_start3A_381 = arith.constant 0 : i32
        %dma_start3A_382 = arith.constant 0 : i32
        %dma_start3A_383 = tpu.memref_slice %arg9[%rem3A_378, %dma_start3A_381, %dma_start3A_382] : memref<4x1x128xi32, #tpu.memory_space<vmem>> -> memref<1x1x128xi32, #tpu.memory_space<vmem>>
        %dma_start3A_384 = tpu.memref_squeeze %dma_start3A_383 : memref<1x1x128xi32, #tpu.memory_space<vmem>> -> memref<1x128xi32, #tpu.memory_space<vmem>>
        %dma_start3A_385 = arith.constant 0 : i32
        %dma_start3A_386 = arith.constant 0 : i32
        %dma_start3A_387 = tpu.memref_slice %arg3[%add3A_376, %dma_start3A_385, %dma_start3A_386] : memref<2560x1x128xi32, #tpu.memory_space<hbm>> -> memref<1x1x128xi32, #tpu.memory_space<hbm>>
        %dma_start3A_388 = tpu.memref_squeeze %dma_start3A_387 : memref<1x1x128xi32, #tpu.memory_space<hbm>> -> memref<1x128xi32, #tpu.memory_space<hbm>>
        %dma_start3A_389 = tpu.memref_slice %arg12[%rem3A_380] : memref<4x!tpu.dma_semaphore, #tpu.memory_space<semaphore_mem>> -> memref<1x!tpu.dma_semaphore, #tpu.memory_space<semaphore_mem>>
        %dma_start3A_390 = tpu.memref_squeeze %dma_start3A_389 : memref<1x!tpu.dma_semaphore, #tpu.memory_space<semaphore_mem>> -> memref<!tpu.dma_semaphore, #tpu.memory_space<semaphore_mem>>
        %dma_start3A_391 = arith.constant 0 : i32
        %dma_start3A_392 = arith.constant 0 : i32
        %dma_start3A_393 = tpu.memref_slice %arg9[%rem3A_378, %dma_start3A_391, %dma_start3A_392] : memref<4x1x128xi32, #tpu.memory_space<vmem>> -> memref<1x1x128xi32, #tpu.memory_space<vmem>>
        %dma_start3A_394 = tpu.memref_squeeze %dma_start3A_393 : memref<1x1x128xi32, #tpu.memory_space<vmem>> -> memref<1x128xi32, #tpu.memory_space<vmem>>
        %dma_start3A_395 = arith.constant 0 : i32
        %dma_start3A_396 = arith.constant 0 : i32
        %dma_start3A_397 = tpu.memref_slice %arg3[%add3A_376, %dma_start3A_395, %dma_start3A_396] : memref<2560x1x128xi32, #tpu.memory_space<hbm>> -> memref<1x1x128xi32, #tpu.memory_space<hbm>>
        %dma_start3A_398 = tpu.memref_squeeze %dma_start3A_397 : memref<1x1x128xi32, #tpu.memory_space<hbm>> -> memref<1x128xi32, #tpu.memory_space<hbm>>
        tpu.enqueue_dma source(%dma_start3A_398 : memref<1x128xi32, #tpu.memory_space<hbm>>) target(%dma_start3A_394 : memref<1x128xi32, #tpu.memory_space<vmem>>) target_semaphore(%dma_start3A_390 : memref<!tpu.dma_semaphore, #tpu.memory_space<semaphore_mem>>)
      } else {
      }
      %rem3A_347 = arith.constant 3 : i32
      %rem3A_348 = arith.remsi %while3A_320, %rem3A_347 : i32
      %rem3A_349 = arith.constant 4 : i32
      %rem3A_350 = arith.remsi %while3A_320, %rem3A_349 : i32
      %run_scoped3A = arith.constant 0 : i32
      "tpu.region"() ({
        %run_scoped3A_351 = tpu.sem_alloc : memref<!tpu.dma_semaphore, #tpu.memory_space<semaphore_mem>>
        %dma_start3A_352 = arith.constant 0 : i32
        %dma_start3A_353 = arith.constant 0 : i32
        %dma_start3A_354 = tpu.memref_slice %arg10[%rem3A_348, %dma_start3A_352, %dma_start3A_353] : memref<3x128x128xf32, #tpu.memory_space<vmem>> -> memref<1x128x128xf32, #tpu.memory_space<vmem>>
        %dma_start3A_355 = tpu.memref_squeeze %dma_start3A_354 : memref<1x128x128xf32, #tpu.memory_space<vmem>> -> memref<128x128xf32, #tpu.memory_space<vmem>>
        %dma_start3A_356 = arith.constant 0 : i32
        %dma_start3A_357 = tpu.memref_slice %arg9[%rem3A_350, %run_scoped3A, %dma_start3A_356] : memref<4x1x128xi32, #tpu.memory_space<vmem>> -> memref<1x1x128xi32, #tpu.memory_space<vmem>>
        %dma_start3A_358 = tpu.memref_squeeze %dma_start3A_357 : memref<1x1x128xi32, #tpu.memory_space<vmem>> -> memref<128xi32, #tpu.memory_space<vmem>>
        %dma_start3A_359 = arith.constant 0 : i32
        %dma_start3A_360 = arith.constant 0 : i32
        %dma_start3A_361 = tpu.memref_slice %arg7[%dma_start3A_359, %dma_start3A_360] : memref<10112x128xf32, #tpu.memory_space<vmem_shared>> -> memref<10112x128xf32, #tpu.memory_space<vmem_shared>>
        tpu.enqueue_indirect_dma source(%dma_start3A_355 : memref<128x128xf32, #tpu.memory_space<vmem>>) target(%dma_start3A_361 : memref<10112x128xf32, #tpu.memory_space<vmem_shared>>) offsets(%dma_start3A_358 : memref<128xi32, #tpu.memory_space<vmem>>) semaphore(%run_scoped3A_351 : memref<!tpu.dma_semaphore, #tpu.memory_space<semaphore_mem>>) {add = true}
        %dma_wait3A_362 = arith.constant 0 : i32
        %dma_wait3A_363 = arith.constant 0 : i32
        %dma_wait3A_364 = tpu.memref_slice %arg10[%rem3A_348, %dma_wait3A_362, %dma_wait3A_363] : memref<3x128x128xf32, #tpu.memory_space<vmem>> -> memref<1x128x128xf32, #tpu.memory_space<vmem>>
        %dma_wait3A_365 = tpu.memref_squeeze %dma_wait3A_364 : memref<1x128x128xf32, #tpu.memory_space<vmem>> -> memref<128x128xf32, #tpu.memory_space<vmem>>
        %dma_wait3A_366 = arith.constant 0 : i32
        %dma_wait3A_367 = tpu.memref_slice %arg9[%rem3A_350, %run_scoped3A, %dma_wait3A_366] : memref<4x1x128xi32, #tpu.memory_space<vmem>> -> memref<1x1x128xi32, #tpu.memory_space<vmem>>
        %dma_wait3A_368 = tpu.memref_squeeze %dma_wait3A_367 : memref<1x1x128xi32, #tpu.memory_space<vmem>> -> memref<128xi32, #tpu.memory_space<vmem>>
        %dma_wait3A_369 = arith.constant 0 : i32
        %dma_wait3A_370 = arith.constant 0 : i32
        %dma_wait3A_371 = tpu.memref_slice %arg7[%dma_wait3A_369, %dma_wait3A_370] : memref<10112x128xf32, #tpu.memory_space<vmem_shared>> -> memref<10112x128xf32, #tpu.memory_space<vmem_shared>>
        tpu.wait_indirect_dma semaphore(%run_scoped3A_351 : memref<!tpu.dma_semaphore, #tpu.memory_space<semaphore_mem>>) src(%dma_wait3A_365 : memref<128x128xf32, #tpu.memory_space<vmem>>) dst(%dma_wait3A_371 : memref<10112x128xf32, #tpu.memory_space<vmem_shared>>)
        tpu.yield
      }) : () -> ()
    }
    %barrier3A_315 = arith.constant 0 : index
    tpu.barrier barrier_id(%barrier3A_315)
    %mul3A_316 = arith.constant 632 : i32
    %mul3A_317 = arith.muli %arg1, %mul3A_316 : i32
    %mul3A_318 = arith.constant 632 : i32
    %mul3A_319 = arith.muli %arg1, %mul3A_318 : i32
    "tpu.region"() ({
      %run_scoped3A = tpu.sem_alloc : memref<!tpu.dma_semaphore, #tpu.memory_space<semaphore_mem>>
      %dma_start3A_320 = arith.constant 0 : i32
      %dma_start3A_321 = tpu.memref_slice %arg6[%arg0, %mul3A_319, %dma_start3A_320] : memref<2x10112x128xf32, #tpu.memory_space<hbm>> -> memref<1x632x128xf32, #tpu.memory_space<hbm>>
      %dma_start3A_322 = tpu.memref_squeeze %dma_start3A_321 : memref<1x632x128xf32, #tpu.memory_space<hbm>> -> memref<632x128xf32, #tpu.memory_space<hbm>>
      %dma_start3A_323 = arith.constant 0 : i32
      %dma_start3A_324 = tpu.memref_slice %arg7[%mul3A_317, %dma_start3A_323] : memref<10112x128xf32, #tpu.memory_space<vmem_shared>> -> memref<632x128xf32, #tpu.memory_space<vmem_shared>>
      tpu.enqueue_dma source(%dma_start3A_324 : memref<632x128xf32, #tpu.memory_space<vmem_shared>>) target(%dma_start3A_322 : memref<632x128xf32, #tpu.memory_space<hbm>>) target_semaphore(%run_scoped3A : memref<!tpu.dma_semaphore, #tpu.memory_space<semaphore_mem>>)
      %dma_wait3A_325 = arith.constant 0 : i32
      %dma_wait3A_326 = tpu.memref_slice %arg6[%arg0, %mul3A_319, %dma_wait3A_325] : memref<2x10112x128xf32, #tpu.memory_space<hbm>> -> memref<1x632x128xf32, #tpu.memory_space<hbm>>
      %dma_wait3A_327 = tpu.memref_squeeze %dma_wait3A_326 : memref<1x632x128xf32, #tpu.memory_space<hbm>> -> memref<632x128xf32, #tpu.memory_space<hbm>>
      %dma_wait3A_328 = arith.constant 0 : i32
      %dma_wait3A_329 = tpu.memref_slice %arg7[%mul3A_317, %dma_wait3A_328] : memref<10112x128xf32, #tpu.memory_space<vmem_shared>> -> memref<632x128xf32, #tpu.memory_space<vmem_shared>>
      tpu.wait_dma2 semaphore(%run_scoped3A : memref<!tpu.dma_semaphore, #tpu.memory_space<semaphore_mem>>) src(%dma_wait3A_329 : memref<632x128xf32, #tpu.memory_space<vmem_shared>>) dst(%dma_wait3A_327 : memref<632x128xf32, #tpu.memory_space<hbm>>)
      tpu.yield
    }) : () -> ()
    return
  }
}

#map = affine_map<(d0, d1) -> (0, 0, 0)>
#map1 = affine_map<(d0, d1) -> (0, 0)>
module attributes {stable_mosaic.version = 14 : i64} {
  func.func @agg_kernel(%arg0: i32, %arg1: i32, %arg2: memref<2560x1x128xi32, #tpu.memory_space<hbm>>, %arg3: memref<2560x1x128xi32, #tpu.memory_space<hbm>>, %arg4: memref<10000x128xf32, #tpu.memory_space<hbm>>, %arg5: memref<632x128xf32, #tpu.memory_space<hbm>>, %arg6: memref<2x10112x128xf32, #tpu.memory_space<hbm>>, %arg7: memref<10112x128xf32, #tpu.memory_space<vmem_shared>>, %arg8: memref<3x1x128xi32, #tpu.memory_space<vmem>>, %arg9: memref<4x1x128xi32, #tpu.memory_space<vmem>>, %arg10: memref<3x128x128xf32, #tpu.memory_space<vmem>>, %arg11: memref<3x!tpu.dma_semaphore, #tpu.memory_space<semaphore_mem>>, %arg12: memref<4x!tpu.dma_semaphore, #tpu.memory_space<semaphore_mem>>, %arg13: memref<3x!tpu.dma_semaphore, #tpu.memory_space<semaphore_mem>>) attributes {dimension_semantics = [#tpu.dimension_semantics<core_parallel>, #tpu.dimension_semantics<subcore_parallel>], iteration_bounds = array<i64: 2, 16>, scalar_prefetch = 0 : i64, scratch_operands = 7 : i64, tpu.core_type = #tpu.core_type<sc_vector_subcore>, window_params = [{transform_indices = #map}, {transform_indices = #map}, {transform_indices = #map1}, {transform_indices = #map1}, {transform_indices = #map}]} {
    %eq3A = arith.constant 0 : i32
    %eq3A_0 = arith.cmpi eq, %arg0, %eq3A : i32
    %jit3A = arith.constant 80 : i32
    %jit3A_1 = arith.constant 80 : i32
    %select_n3A = arith.select %eq3A_0, %jit3A, %jit3A_1 : i32
    %eq3A_2 = arith.constant 0 : i32
    %eq3A_3 = arith.cmpi eq, %arg0, %eq3A_2 : i32
    %mul3A = arith.constant 80 : i32
    %mul3A_4 = arith.muli %arg1, %mul3A : i32
    %mul3A_5 = arith.constant 80 : i32
    %mul3A_6 = arith.muli %arg1, %mul3A_5 : i32
    %add3A = arith.constant 1280 : i32
    %add3A_7 = arith.addi %add3A, %mul3A_6 : i32
    %select_n3A_8 = arith.select %eq3A_3, %mul3A_4, %add3A_7 : i32
    %mul3A_9 = arith.constant 632 : i32
    %mul3A_10 = arith.muli %arg1, %mul3A_9 : i32
    "tpu.region"() ({
      %run_scoped3A = tpu.sem_alloc : memref<!tpu.dma_semaphore, #tpu.memory_space<semaphore_mem>>
      %dma_start3A_320 = arith.constant 0 : i32
      %dma_start3A_321 = tpu.memref_slice %arg7[%mul3A_10, %dma_start3A_320] : memref<10112x128xf32, #tpu.memory_space<vmem_shared>> -> memref<632x128xf32, #tpu.memory_space<vmem_shared>>
      tpu.enqueue_dma source(%arg5 : memref<632x128xf32, #tpu.memory_space<hbm>>) target(%dma_start3A_321 : memref<632x128xf32, #tpu.memory_space<vmem_shared>>) target_semaphore(%run_scoped3A : memref<!tpu.dma_semaphore, #tpu.memory_space<semaphore_mem>>)
      %dma_wait3A_322 = arith.constant 0 : i32
      %dma_wait3A_323 = tpu.memref_slice %arg7[%mul3A_10, %dma_wait3A_322] : memref<10112x128xf32, #tpu.memory_space<vmem_shared>> -> memref<632x128xf32, #tpu.memory_space<vmem_shared>>
      tpu.wait_dma2 semaphore(%run_scoped3A : memref<!tpu.dma_semaphore, #tpu.memory_space<semaphore_mem>>) src(%arg5 : memref<632x128xf32, #tpu.memory_space<hbm>>) dst(%dma_wait3A_323 : memref<632x128xf32, #tpu.memory_space<vmem_shared>>)
      tpu.yield
    }) : () -> ()
    %barrier3A = arith.constant 0 : index
    tpu.barrier barrier_id(%barrier3A)
    %add3A_11 = arith.constant 0 : i32
    %add3A_12 = arith.addi %select_n3A_8, %add3A_11 : i32
    %rem3A = arith.constant 0 : i32
    %rem3A_13 = arith.constant 3 : i32
    %rem3A_14 = arith.remsi %rem3A, %rem3A_13 : i32
    %rem3A_15 = arith.constant 0 : i32
    %rem3A_16 = arith.constant 3 : i32
    %rem3A_17 = arith.remsi %rem3A_15, %rem3A_16 : i32
    %dma_start3A = arith.constant 0 : i32
    %dma_start3A_18 = arith.constant 0 : i32
    %dma_start3A_19 = tpu.memref_slice %arg8[%rem3A_14, %dma_start3A, %dma_start3A_18] : memref<3x1x128xi32, #tpu.memory_space<vmem>> -> memref<1x1x128xi32, #tpu.memory_space<vmem>>
    %dma_start3A_20 = tpu.memref_squeeze %dma_start3A_19 : memref<1x1x128xi32, #tpu.memory_space<vmem>> -> memref<1x128xi32, #tpu.memory_space<vmem>>
    %dma_start3A_21 = arith.constant 0 : i32
    %dma_start3A_22 = arith.constant 0 : i32
    %dma_start3A_23 = tpu.memref_slice %arg2[%add3A_12, %dma_start3A_21, %dma_start3A_22] : memref<2560x1x128xi32, #tpu.memory_space<hbm>> -> memref<1x1x128xi32, #tpu.memory_space<hbm>>
    %dma_start3A_24 = tpu.memref_squeeze %dma_start3A_23 : memref<1x1x128xi32, #tpu.memory_space<hbm>> -> memref<1x128xi32, #tpu.memory_space<hbm>>
    %dma_start3A_25 = tpu.memref_slice %arg11[%rem3A_17] : memref<3x!tpu.dma_semaphore, #tpu.memory_space<semaphore_mem>> -> memref<1x!tpu.dma_semaphore, #tpu.memory_space<semaphore_mem>>
    %dma_start3A_26 = tpu.memref_squeeze %dma_start3A_25 : memref<1x!tpu.dma_semaphore, #tpu.memory_space<semaphore_mem>> -> memref<!tpu.dma_semaphore, #tpu.memory_space<semaphore_mem>>
    %dma_start3A_27 = arith.constant 0 : i32
    %dma_start3A_28 = arith.constant 0 : i32
    %dma_start3A_29 = tpu.memref_slice %arg8[%rem3A_14, %dma_start3A_27, %dma_start3A_28] : memref<3x1x128xi32, #tpu.memory_space<vmem>> -> memref<1x1x128xi32, #tpu.memory_space<vmem>>
    %dma_start3A_30 = tpu.memref_squeeze %dma_start3A_29 : memref<1x1x128xi32, #tpu.memory_space<vmem>> -> memref<1x128xi32, #tpu.memory_space<vmem>>
    %dma_start3A_31 = arith.constant 0 : i32
    %dma_start3A_32 = arith.constant 0 : i32
    %dma_start3A_33 = tpu.memref_slice %arg2[%add3A_12, %dma_start3A_31, %dma_start3A_32] : memref<2560x1x128xi32, #tpu.memory_space<hbm>> -> memref<1x1x128xi32, #tpu.memory_space<hbm>>
    %dma_start3A_34 = tpu.memref_squeeze %dma_start3A_33 : memref<1x1x128xi32, #tpu.memory_space<hbm>> -> memref<1x128xi32, #tpu.memory_space<hbm>>
    tpu.enqueue_dma source(%dma_start3A_34 : memref<1x128xi32, #tpu.memory_space<hbm>>) target(%dma_start3A_30 : memref<1x128xi32, #tpu.memory_space<vmem>>) target_semaphore(%dma_start3A_26 : memref<!tpu.dma_semaphore, #tpu.memory_space<semaphore_mem>>)
    %add3A_35 = arith.constant 0 : i32
    %add3A_36 = arith.addi %select_n3A_8, %add3A_35 : i32
    %rem3A_37 = arith.constant 0 : i32
    %rem3A_38 = arith.constant 4 : i32
    %rem3A_39 = arith.remsi %rem3A_37, %rem3A_38 : i32
    %rem3A_40 = arith.constant 0 : i32
    %rem3A_41 = arith.constant 4 : i32
    %rem3A_42 = arith.remsi %rem3A_40, %rem3A_41 : i32
    %dma_start3A_43 = arith.constant 0 : i32
    %dma_start3A_44 = arith.constant 0 : i32
    %dma_start3A_45 = tpu.memref_slice %arg9[%rem3A_39, %dma_start3A_43, %dma_start3A_44] : memref<4x1x128xi32, #tpu.memory_space<vmem>> -> memref<1x1x128xi32, #tpu.memory_space<vmem>>
    %dma_start3A_46 = tpu.memref_squeeze %dma_start3A_45 : memref<1x1x128xi32, #tpu.memory_space<vmem>> -> memref<1x128xi32, #tpu.memory_space<vmem>>
    %dma_start3A_47 = arith.constant 0 : i32
    %dma_start3A_48 = arith.constant 0 : i32
    %dma_start3A_49 = tpu.memref_slice %arg3[%add3A_36, %dma_start3A_47, %dma_start3A_48] : memref<2560x1x128xi32, #tpu.memory_space<hbm>> -> memref<1x1x128xi32, #tpu.memory_space<hbm>>
    %dma_start3A_50 = tpu.memref_squeeze %dma_start3A_49 : memref<1x1x128xi32, #tpu.memory_space<hbm>> -> memref<1x128xi32, #tpu.memory_space<hbm>>
    %dma_start3A_51 = tpu.memref_slice %arg12[%rem3A_42] : memref<4x!tpu.dma_semaphore, #tpu.memory_space<semaphore_mem>> -> memref<1x!tpu.dma_semaphore, #tpu.memory_space<semaphore_mem>>
    %dma_start3A_52 = tpu.memref_squeeze %dma_start3A_51 : memref<1x!tpu.dma_semaphore, #tpu.memory_space<semaphore_mem>> -> memref<!tpu.dma_semaphore, #tpu.memory_space<semaphore_mem>>
    %dma_start3A_53 = arith.constant 0 : i32
    %dma_start3A_54 = arith.constant 0 : i32
    %dma_start3A_55 = tpu.memref_slice %arg9[%rem3A_39, %dma_start3A_53, %dma_start3A_54] : memref<4x1x128xi32, #tpu.memory_space<vmem>> -> memref<1x1x128xi32, #tpu.memory_space<vmem>>
    %dma_start3A_56 = tpu.memref_squeeze %dma_start3A_55 : memref<1x1x128xi32, #tpu.memory_space<vmem>> -> memref<1x128xi32, #tpu.memory_space<vmem>>
    %dma_start3A_57 = arith.constant 0 : i32
    %dma_start3A_58 = arith.constant 0 : i32
    %dma_start3A_59 = tpu.memref_slice %arg3[%add3A_36, %dma_start3A_57, %dma_start3A_58] : memref<2560x1x128xi32, #tpu.memory_space<hbm>> -> memref<1x1x128xi32, #tpu.memory_space<hbm>>
    %dma_start3A_60 = tpu.memref_squeeze %dma_start3A_59 : memref<1x1x128xi32, #tpu.memory_space<hbm>> -> memref<1x128xi32, #tpu.memory_space<hbm>>
    tpu.enqueue_dma source(%dma_start3A_60 : memref<1x128xi32, #tpu.memory_space<hbm>>) target(%dma_start3A_56 : memref<1x128xi32, #tpu.memory_space<vmem>>) target_semaphore(%dma_start3A_52 : memref<!tpu.dma_semaphore, #tpu.memory_space<semaphore_mem>>)
    %add3A_61 = arith.constant 1 : i32
    %add3A_62 = arith.addi %select_n3A_8, %add3A_61 : i32
    %rem3A_63 = arith.constant 1 : i32
    %rem3A_64 = arith.constant 3 : i32
    %rem3A_65 = arith.remsi %rem3A_63, %rem3A_64 : i32
    %rem3A_66 = arith.constant 1 : i32
    %rem3A_67 = arith.constant 3 : i32
    %rem3A_68 = arith.remsi %rem3A_66, %rem3A_67 : i32
    %dma_start3A_69 = arith.constant 0 : i32
    %dma_start3A_70 = arith.constant 0 : i32
    %dma_start3A_71 = tpu.memref_slice %arg8[%rem3A_65, %dma_start3A_69, %dma_start3A_70] : memref<3x1x128xi32, #tpu.memory_space<vmem>> -> memref<1x1x128xi32, #tpu.memory_space<vmem>>
    %dma_start3A_72 = tpu.memref_squeeze %dma_start3A_71 : memref<1x1x128xi32, #tpu.memory_space<vmem>> -> memref<1x128xi32, #tpu.memory_space<vmem>>
    %dma_start3A_73 = arith.constant 0 : i32
    %dma_start3A_74 = arith.constant 0 : i32
    %dma_start3A_75 = tpu.memref_slice %arg2[%add3A_62, %dma_start3A_73, %dma_start3A_74] : memref<2560x1x128xi32, #tpu.memory_space<hbm>> -> memref<1x1x128xi32, #tpu.memory_space<hbm>>
    %dma_start3A_76 = tpu.memref_squeeze %dma_start3A_75 : memref<1x1x128xi32, #tpu.memory_space<hbm>> -> memref<1x128xi32, #tpu.memory_space<hbm>>
    %dma_start3A_77 = tpu.memref_slice %arg11[%rem3A_68] : memref<3x!tpu.dma_semaphore, #tpu.memory_space<semaphore_mem>> -> memref<1x!tpu.dma_semaphore, #tpu.memory_space<semaphore_mem>>
    %dma_start3A_78 = tpu.memref_squeeze %dma_start3A_77 : memref<1x!tpu.dma_semaphore, #tpu.memory_space<semaphore_mem>> -> memref<!tpu.dma_semaphore, #tpu.memory_space<semaphore_mem>>
    %dma_start3A_79 = arith.constant 0 : i32
    %dma_start3A_80 = arith.constant 0 : i32
    %dma_start3A_81 = tpu.memref_slice %arg8[%rem3A_65, %dma_start3A_79, %dma_start3A_80] : memref<3x1x128xi32, #tpu.memory_space<vmem>> -> memref<1x1x128xi32, #tpu.memory_space<vmem>>
    %dma_start3A_82 = tpu.memref_squeeze %dma_start3A_81 : memref<1x1x128xi32, #tpu.memory_space<vmem>> -> memref<1x128xi32, #tpu.memory_space<vmem>>
    %dma_start3A_83 = arith.constant 0 : i32
    %dma_start3A_84 = arith.constant 0 : i32
    %dma_start3A_85 = tpu.memref_slice %arg2[%add3A_62, %dma_start3A_83, %dma_start3A_84] : memref<2560x1x128xi32, #tpu.memory_space<hbm>> -> memref<1x1x128xi32, #tpu.memory_space<hbm>>
    %dma_start3A_86 = tpu.memref_squeeze %dma_start3A_85 : memref<1x1x128xi32, #tpu.memory_space<hbm>> -> memref<1x128xi32, #tpu.memory_space<hbm>>
    tpu.enqueue_dma source(%dma_start3A_86 : memref<1x128xi32, #tpu.memory_space<hbm>>) target(%dma_start3A_82 : memref<1x128xi32, #tpu.memory_space<vmem>>) target_semaphore(%dma_start3A_78 : memref<!tpu.dma_semaphore, #tpu.memory_space<semaphore_mem>>)
    %add3A_87 = arith.constant 1 : i32
    %add3A_88 = arith.addi %select_n3A_8, %add3A_87 : i32
    %rem3A_89 = arith.constant 1 : i32
    %rem3A_90 = arith.constant 4 : i32
    %rem3A_91 = arith.remsi %rem3A_89, %rem3A_90 : i32
    %rem3A_92 = arith.constant 1 : i32
    %rem3A_93 = arith.constant 4 : i32
    %rem3A_94 = arith.remsi %rem3A_92, %rem3A_93 : i32
    %dma_start3A_95 = arith.constant 0 : i32
    %dma_start3A_96 = arith.constant 0 : i32
    %dma_start3A_97 = tpu.memref_slice %arg9[%rem3A_91, %dma_start3A_95, %dma_start3A_96] : memref<4x1x128xi32, #tpu.memory_space<vmem>> -> memref<1x1x128xi32, #tpu.memory_space<vmem>>
    %dma_start3A_98 = tpu.memref_squeeze %dma_start3A_97 : memref<1x1x128xi32, #tpu.memory_space<vmem>> -> memref<1x128xi32, #tpu.memory_space<vmem>>
    %dma_start3A_99 = arith.constant 0 : i32
    %dma_start3A_100 = arith.constant 0 : i32
    %dma_start3A_101 = tpu.memref_slice %arg3[%add3A_88, %dma_start3A_99, %dma_start3A_100] : memref<2560x1x128xi32, #tpu.memory_space<hbm>> -> memref<1x1x128xi32, #tpu.memory_space<hbm>>
    %dma_start3A_102 = tpu.memref_squeeze %dma_start3A_101 : memref<1x1x128xi32, #tpu.memory_space<hbm>> -> memref<1x128xi32, #tpu.memory_space<hbm>>
    %dma_start3A_103 = tpu.memref_slice %arg12[%rem3A_94] : memref<4x!tpu.dma_semaphore, #tpu.memory_space<semaphore_mem>> -> memref<1x!tpu.dma_semaphore, #tpu.memory_space<semaphore_mem>>
    %dma_start3A_104 = tpu.memref_squeeze %dma_start3A_103 : memref<1x!tpu.dma_semaphore, #tpu.memory_space<semaphore_mem>> -> memref<!tpu.dma_semaphore, #tpu.memory_space<semaphore_mem>>
    %dma_start3A_105 = arith.constant 0 : i32
    %dma_start3A_106 = arith.constant 0 : i32
    %dma_start3A_107 = tpu.memref_slice %arg9[%rem3A_91, %dma_start3A_105, %dma_start3A_106] : memref<4x1x128xi32, #tpu.memory_space<vmem>> -> memref<1x1x128xi32, #tpu.memory_space<vmem>>
    %dma_start3A_108 = tpu.memref_squeeze %dma_start3A_107 : memref<1x1x128xi32, #tpu.memory_space<vmem>> -> memref<1x128xi32, #tpu.memory_space<vmem>>
    %dma_start3A_109 = arith.constant 0 : i32
    %dma_start3A_110 = arith.constant 0 : i32
    %dma_start3A_111 = tpu.memref_slice %arg3[%add3A_88, %dma_start3A_109, %dma_start3A_110] : memref<2560x1x128xi32, #tpu.memory_space<hbm>> -> memref<1x1x128xi32, #tpu.memory_space<hbm>>
    %dma_start3A_112 = tpu.memref_squeeze %dma_start3A_111 : memref<1x1x128xi32, #tpu.memory_space<hbm>> -> memref<1x128xi32, #tpu.memory_space<hbm>>
    tpu.enqueue_dma source(%dma_start3A_112 : memref<1x128xi32, #tpu.memory_space<hbm>>) target(%dma_start3A_108 : memref<1x128xi32, #tpu.memory_space<vmem>>) target_semaphore(%dma_start3A_104 : memref<!tpu.dma_semaphore, #tpu.memory_space<semaphore_mem>>)
    %add3A_113 = arith.constant 2 : i32
    %add3A_114 = arith.addi %select_n3A_8, %add3A_113 : i32
    %rem3A_115 = arith.constant 2 : i32
    %rem3A_116 = arith.constant 3 : i32
    %rem3A_117 = arith.remsi %rem3A_115, %rem3A_116 : i32
    %rem3A_118 = arith.constant 2 : i32
    %rem3A_119 = arith.constant 3 : i32
    %rem3A_120 = arith.remsi %rem3A_118, %rem3A_119 : i32
    %dma_start3A_121 = arith.constant 0 : i32
    %dma_start3A_122 = arith.constant 0 : i32
    %dma_start3A_123 = tpu.memref_slice %arg8[%rem3A_117, %dma_start3A_121, %dma_start3A_122] : memref<3x1x128xi32, #tpu.memory_space<vmem>> -> memref<1x1x128xi32, #tpu.memory_space<vmem>>
    %dma_start3A_124 = tpu.memref_squeeze %dma_start3A_123 : memref<1x1x128xi32, #tpu.memory_space<vmem>> -> memref<1x128xi32, #tpu.memory_space<vmem>>
    %dma_start3A_125 = arith.constant 0 : i32
    %dma_start3A_126 = arith.constant 0 : i32
    %dma_start3A_127 = tpu.memref_slice %arg2[%add3A_114, %dma_start3A_125, %dma_start3A_126] : memref<2560x1x128xi32, #tpu.memory_space<hbm>> -> memref<1x1x128xi32, #tpu.memory_space<hbm>>
    %dma_start3A_128 = tpu.memref_squeeze %dma_start3A_127 : memref<1x1x128xi32, #tpu.memory_space<hbm>> -> memref<1x128xi32, #tpu.memory_space<hbm>>
    %dma_start3A_129 = tpu.memref_slice %arg11[%rem3A_120] : memref<3x!tpu.dma_semaphore, #tpu.memory_space<semaphore_mem>> -> memref<1x!tpu.dma_semaphore, #tpu.memory_space<semaphore_mem>>
    %dma_start3A_130 = tpu.memref_squeeze %dma_start3A_129 : memref<1x!tpu.dma_semaphore, #tpu.memory_space<semaphore_mem>> -> memref<!tpu.dma_semaphore, #tpu.memory_space<semaphore_mem>>
    %dma_start3A_131 = arith.constant 0 : i32
    %dma_start3A_132 = arith.constant 0 : i32
    %dma_start3A_133 = tpu.memref_slice %arg8[%rem3A_117, %dma_start3A_131, %dma_start3A_132] : memref<3x1x128xi32, #tpu.memory_space<vmem>> -> memref<1x1x128xi32, #tpu.memory_space<vmem>>
    %dma_start3A_134 = tpu.memref_squeeze %dma_start3A_133 : memref<1x1x128xi32, #tpu.memory_space<vmem>> -> memref<1x128xi32, #tpu.memory_space<vmem>>
    %dma_start3A_135 = arith.constant 0 : i32
    %dma_start3A_136 = arith.constant 0 : i32
    %dma_start3A_137 = tpu.memref_slice %arg2[%add3A_114, %dma_start3A_135, %dma_start3A_136] : memref<2560x1x128xi32, #tpu.memory_space<hbm>> -> memref<1x1x128xi32, #tpu.memory_space<hbm>>
    %dma_start3A_138 = tpu.memref_squeeze %dma_start3A_137 : memref<1x1x128xi32, #tpu.memory_space<hbm>> -> memref<1x128xi32, #tpu.memory_space<hbm>>
    tpu.enqueue_dma source(%dma_start3A_138 : memref<1x128xi32, #tpu.memory_space<hbm>>) target(%dma_start3A_134 : memref<1x128xi32, #tpu.memory_space<vmem>>) target_semaphore(%dma_start3A_130 : memref<!tpu.dma_semaphore, #tpu.memory_space<semaphore_mem>>)
    %add3A_139 = arith.constant 2 : i32
    %add3A_140 = arith.addi %select_n3A_8, %add3A_139 : i32
    %rem3A_141 = arith.constant 2 : i32
    %rem3A_142 = arith.constant 4 : i32
    %rem3A_143 = arith.remsi %rem3A_141, %rem3A_142 : i32
    %rem3A_144 = arith.constant 2 : i32
    %rem3A_145 = arith.constant 4 : i32
    %rem3A_146 = arith.remsi %rem3A_144, %rem3A_145 : i32
    %dma_start3A_147 = arith.constant 0 : i32
    %dma_start3A_148 = arith.constant 0 : i32
    %dma_start3A_149 = tpu.memref_slice %arg9[%rem3A_143, %dma_start3A_147, %dma_start3A_148] : memref<4x1x128xi32, #tpu.memory_space<vmem>> -> memref<1x1x128xi32, #tpu.memory_space<vmem>>
    %dma_start3A_150 = tpu.memref_squeeze %dma_start3A_149 : memref<1x1x128xi32, #tpu.memory_space<vmem>> -> memref<1x128xi32, #tpu.memory_space<vmem>>
    %dma_start3A_151 = arith.constant 0 : i32
    %dma_start3A_152 = arith.constant 0 : i32
    %dma_start3A_153 = tpu.memref_slice %arg3[%add3A_140, %dma_start3A_151, %dma_start3A_152] : memref<2560x1x128xi32, #tpu.memory_space<hbm>> -> memref<1x1x128xi32, #tpu.memory_space<hbm>>
    %dma_start3A_154 = tpu.memref_squeeze %dma_start3A_153 : memref<1x1x128xi32, #tpu.memory_space<hbm>> -> memref<1x128xi32, #tpu.memory_space<hbm>>
    %dma_start3A_155 = tpu.memref_slice %arg12[%rem3A_146] : memref<4x!tpu.dma_semaphore, #tpu.memory_space<semaphore_mem>> -> memref<1x!tpu.dma_semaphore, #tpu.memory_space<semaphore_mem>>
    %dma_start3A_156 = tpu.memref_squeeze %dma_start3A_155 : memref<1x!tpu.dma_semaphore, #tpu.memory_space<semaphore_mem>> -> memref<!tpu.dma_semaphore, #tpu.memory_space<semaphore_mem>>
    %dma_start3A_157 = arith.constant 0 : i32
    %dma_start3A_158 = arith.constant 0 : i32
    %dma_start3A_159 = tpu.memref_slice %arg9[%rem3A_143, %dma_start3A_157, %dma_start3A_158] : memref<4x1x128xi32, #tpu.memory_space<vmem>> -> memref<1x1x128xi32, #tpu.memory_space<vmem>>
    %dma_start3A_160 = tpu.memref_squeeze %dma_start3A_159 : memref<1x1x128xi32, #tpu.memory_space<vmem>> -> memref<1x128xi32, #tpu.memory_space<vmem>>
    %dma_start3A_161 = arith.constant 0 : i32
    %dma_start3A_162 = arith.constant 0 : i32
    %dma_start3A_163 = tpu.memref_slice %arg3[%add3A_140, %dma_start3A_161, %dma_start3A_162] : memref<2560x1x128xi32, #tpu.memory_space<hbm>> -> memref<1x1x128xi32, #tpu.memory_space<hbm>>
    %dma_start3A_164 = tpu.memref_squeeze %dma_start3A_163 : memref<1x1x128xi32, #tpu.memory_space<hbm>> -> memref<1x128xi32, #tpu.memory_space<hbm>>
    tpu.enqueue_dma source(%dma_start3A_164 : memref<1x128xi32, #tpu.memory_space<hbm>>) target(%dma_start3A_160 : memref<1x128xi32, #tpu.memory_space<vmem>>) target_semaphore(%dma_start3A_156 : memref<!tpu.dma_semaphore, #tpu.memory_space<semaphore_mem>>)
    %add3A_165 = arith.constant 0 : i32
    %add3A_166 = arith.addi %select_n3A_8, %add3A_165 : i32
    %rem3A_167 = arith.constant 0 : i32
    %rem3A_168 = arith.constant 3 : i32
    %rem3A_169 = arith.remsi %rem3A_167, %rem3A_168 : i32
    %rem3A_170 = arith.constant 0 : i32
    %rem3A_171 = arith.constant 3 : i32
    %rem3A_172 = arith.remsi %rem3A_170, %rem3A_171 : i32
    %dma_wait3A = arith.constant 0 : i32
    %dma_wait3A_173 = arith.constant 0 : i32
    %dma_wait3A_174 = tpu.memref_slice %arg8[%rem3A_169, %dma_wait3A, %dma_wait3A_173] : memref<3x1x128xi32, #tpu.memory_space<vmem>> -> memref<1x1x128xi32, #tpu.memory_space<vmem>>
    %dma_wait3A_175 = tpu.memref_squeeze %dma_wait3A_174 : memref<1x1x128xi32, #tpu.memory_space<vmem>> -> memref<1x128xi32, #tpu.memory_space<vmem>>
    %dma_wait3A_176 = arith.constant 0 : i32
    %dma_wait3A_177 = arith.constant 0 : i32
    %dma_wait3A_178 = tpu.memref_slice %arg2[%add3A_166, %dma_wait3A_176, %dma_wait3A_177] : memref<2560x1x128xi32, #tpu.memory_space<hbm>> -> memref<1x1x128xi32, #tpu.memory_space<hbm>>
    %dma_wait3A_179 = tpu.memref_squeeze %dma_wait3A_178 : memref<1x1x128xi32, #tpu.memory_space<hbm>> -> memref<1x128xi32, #tpu.memory_space<hbm>>
    %dma_wait3A_180 = tpu.memref_slice %arg11[%rem3A_172] : memref<3x!tpu.dma_semaphore, #tpu.memory_space<semaphore_mem>> -> memref<1x!tpu.dma_semaphore, #tpu.memory_space<semaphore_mem>>
    %dma_wait3A_181 = tpu.memref_squeeze %dma_wait3A_180 : memref<1x!tpu.dma_semaphore, #tpu.memory_space<semaphore_mem>> -> memref<!tpu.dma_semaphore, #tpu.memory_space<semaphore_mem>>
    %dma_wait3A_182 = arith.constant 0 : i32
    %dma_wait3A_183 = arith.constant 0 : i32
    %dma_wait3A_184 = tpu.memref_slice %arg8[%rem3A_169, %dma_wait3A_182, %dma_wait3A_183] : memref<3x1x128xi32, #tpu.memory_space<vmem>> -> memref<1x1x128xi32, #tpu.memory_space<vmem>>
    %dma_wait3A_185 = tpu.memref_squeeze %dma_wait3A_184 : memref<1x1x128xi32, #tpu.memory_space<vmem>> -> memref<1x128xi32, #tpu.memory_space<vmem>>
    %dma_wait3A_186 = arith.constant 0 : i32
    %dma_wait3A_187 = arith.constant 0 : i32
    %dma_wait3A_188 = tpu.memref_slice %arg2[%add3A_166, %dma_wait3A_186, %dma_wait3A_187] : memref<2560x1x128xi32, #tpu.memory_space<hbm>> -> memref<1x1x128xi32, #tpu.memory_space<hbm>>
    %dma_wait3A_189 = tpu.memref_squeeze %dma_wait3A_188 : memref<1x1x128xi32, #tpu.memory_space<hbm>> -> memref<1x128xi32, #tpu.memory_space<hbm>>
    tpu.wait_dma2 semaphore(%dma_wait3A_181 : memref<!tpu.dma_semaphore, #tpu.memory_space<semaphore_mem>>) src(%dma_wait3A_189 : memref<1x128xi32, #tpu.memory_space<hbm>>) dst(%dma_wait3A_185 : memref<1x128xi32, #tpu.memory_space<vmem>>)
    %add3A_190 = arith.constant 0 : i32
    %add3A_191 = arith.addi %select_n3A_8, %add3A_190 : i32
    %rem3A_192 = arith.constant 0 : i32
    %rem3A_193 = arith.constant 4 : i32
    %rem3A_194 = arith.remsi %rem3A_192, %rem3A_193 : i32
    %rem3A_195 = arith.constant 0 : i32
    %rem3A_196 = arith.constant 4 : i32
    %rem3A_197 = arith.remsi %rem3A_195, %rem3A_196 : i32
    %dma_wait3A_198 = arith.constant 0 : i32
    %dma_wait3A_199 = arith.constant 0 : i32
    %dma_wait3A_200 = tpu.memref_slice %arg9[%rem3A_194, %dma_wait3A_198, %dma_wait3A_199] : memref<4x1x128xi32, #tpu.memory_space<vmem>> -> memref<1x1x128xi32, #tpu.memory_space<vmem>>
    %dma_wait3A_201 = tpu.memref_squeeze %dma_wait3A_200 : memref<1x1x128xi32, #tpu.memory_space<vmem>> -> memref<1x128xi32, #tpu.memory_space<vmem>>
    %dma_wait3A_202 = arith.constant 0 : i32
    %dma_wait3A_203 = arith.constant 0 : i32
    %dma_wait3A_204 = tpu.memref_slice %arg3[%add3A_191, %dma_wait3A_202, %dma_wait3A_203] : memref<2560x1x128xi32, #tpu.memory_space<hbm>> -> memref<1x1x128xi32, #tpu.memory_space<hbm>>
    %dma_wait3A_205 = tpu.memref_squeeze %dma_wait3A_204 : memref<1x1x128xi32, #tpu.memory_space<hbm>> -> memref<1x128xi32, #tpu.memory_space<hbm>>
    %dma_wait3A_206 = tpu.memref_slice %arg12[%rem3A_197] : memref<4x!tpu.dma_semaphore, #tpu.memory_space<semaphore_mem>> -> memref<1x!tpu.dma_semaphore, #tpu.memory_space<semaphore_mem>>
    %dma_wait3A_207 = tpu.memref_squeeze %dma_wait3A_206 : memref<1x!tpu.dma_semaphore, #tpu.memory_space<semaphore_mem>> -> memref<!tpu.dma_semaphore, #tpu.memory_space<semaphore_mem>>
    %dma_wait3A_208 = arith.constant 0 : i32
    %dma_wait3A_209 = arith.constant 0 : i32
    %dma_wait3A_210 = tpu.memref_slice %arg9[%rem3A_194, %dma_wait3A_208, %dma_wait3A_209] : memref<4x1x128xi32, #tpu.memory_space<vmem>> -> memref<1x1x128xi32, #tpu.memory_space<vmem>>
    %dma_wait3A_211 = tpu.memref_squeeze %dma_wait3A_210 : memref<1x1x128xi32, #tpu.memory_space<vmem>> -> memref<1x128xi32, #tpu.memory_space<vmem>>
    %dma_wait3A_212 = arith.constant 0 : i32
    %dma_wait3A_213 = arith.constant 0 : i32
    %dma_wait3A_214 = tpu.memref_slice %arg3[%add3A_191, %dma_wait3A_212, %dma_wait3A_213] : memref<2560x1x128xi32, #tpu.memory_space<hbm>> -> memref<1x1x128xi32, #tpu.memory_space<hbm>>
    %dma_wait3A_215 = tpu.memref_squeeze %dma_wait3A_214 : memref<1x1x128xi32, #tpu.memory_space<hbm>> -> memref<1x128xi32, #tpu.memory_space<hbm>>
    tpu.wait_dma2 semaphore(%dma_wait3A_207 : memref<!tpu.dma_semaphore, #tpu.memory_space<semaphore_mem>>) src(%dma_wait3A_215 : memref<1x128xi32, #tpu.memory_space<hbm>>) dst(%dma_wait3A_211 : memref<1x128xi32, #tpu.memory_space<vmem>>)
    %rem3A_216 = arith.constant 0 : i32
    %rem3A_217 = arith.constant 3 : i32
    %rem3A_218 = arith.remsi %rem3A_216, %rem3A_217 : i32
    %rem3A_219 = arith.constant 0 : i32
    %rem3A_220 = arith.constant 3 : i32
    %rem3A_221 = arith.remsi %rem3A_219, %rem3A_220 : i32
    %dma_start3A_222 = arith.constant 0 : i32
    %dma_start3A_223 = arith.constant 0 : i32
    %dma_start3A_224 = arith.constant 0 : i32
    %dma_start3A_225 = tpu.memref_slice %arg10[%rem3A_218, %dma_start3A_223, %dma_start3A_224] : memref<3x128x128xf32, #tpu.memory_space<vmem>> -> memref<1x128x128xf32, #tpu.memory_space<vmem>>
    %dma_start3A_226 = tpu.memref_squeeze %dma_start3A_225 : memref<1x128x128xf32, #tpu.memory_space<vmem>> -> memref<128x128xf32, #tpu.memory_space<vmem>>
    %dma_start3A_227 = arith.constant 0 : i32
    %dma_start3A_228 = tpu.memref_slice %arg8[%rem3A_221, %dma_start3A_222, %dma_start3A_227] : memref<3x1x128xi32, #tpu.memory_space<vmem>> -> memref<1x1x128xi32, #tpu.memory_space<vmem>>
    %dma_start3A_229 = tpu.memref_squeeze %dma_start3A_228 : memref<1x1x128xi32, #tpu.memory_space<vmem>> -> memref<128xi32, #tpu.memory_space<vmem>>
    %dma_start3A_230 = arith.constant 0 : i32
    %dma_start3A_231 = arith.constant 0 : i32
    %dma_start3A_232 = tpu.memref_slice %arg4[%dma_start3A_230, %dma_start3A_231] : memref<10000x128xf32, #tpu.memory_space<hbm>> -> memref<10000x128xf32, #tpu.memory_space<hbm>>
    %dma_start3A_233 = tpu.memref_slice %arg13[%rem3A_218] : memref<3x!tpu.dma_semaphore, #tpu.memory_space<semaphore_mem>> -> memref<1x!tpu.dma_semaphore, #tpu.memory_space<semaphore_mem>>
    %dma_start3A_234 = tpu.memref_squeeze %dma_start3A_233 : memref<1x!tpu.dma_semaphore, #tpu.memory_space<semaphore_mem>> -> memref<!tpu.dma_semaphore, #tpu.memory_space<semaphore_mem>>
    tpu.enqueue_indirect_dma source(%dma_start3A_232 : memref<10000x128xf32, #tpu.memory_space<hbm>>) target(%dma_start3A_226 : memref<128x128xf32, #tpu.memory_space<vmem>>) offsets(%dma_start3A_229 : memref<128xi32, #tpu.memory_space<vmem>>) semaphore(%dma_start3A_234 : memref<!tpu.dma_semaphore, #tpu.memory_space<semaphore_mem>>)
    %add3A_235 = arith.constant 1 : i32
    %add3A_236 = arith.addi %select_n3A_8, %add3A_235 : i32
    %rem3A_237 = arith.constant 1 : i32
    %rem3A_238 = arith.constant 3 : i32
    %rem3A_239 = arith.remsi %rem3A_237, %rem3A_238 : i32
    %rem3A_240 = arith.constant 1 : i32
    %rem3A_241 = arith.constant 3 : i32
    %rem3A_242 = arith.remsi %rem3A_240, %rem3A_241 : i32
    %dma_wait3A_243 = arith.constant 0 : i32
    %dma_wait3A_244 = arith.constant 0 : i32
    %dma_wait3A_245 = tpu.memref_slice %arg8[%rem3A_239, %dma_wait3A_243, %dma_wait3A_244] : memref<3x1x128xi32, #tpu.memory_space<vmem>> -> memref<1x1x128xi32, #tpu.memory_space<vmem>>
    %dma_wait3A_246 = tpu.memref_squeeze %dma_wait3A_245 : memref<1x1x128xi32, #tpu.memory_space<vmem>> -> memref<1x128xi32, #tpu.memory_space<vmem>>
    %dma_wait3A_247 = arith.constant 0 : i32
    %dma_wait3A_248 = arith.constant 0 : i32
    %dma_wait3A_249 = tpu.memref_slice %arg2[%add3A_236, %dma_wait3A_247, %dma_wait3A_248] : memref<2560x1x128xi32, #tpu.memory_space<hbm>> -> memref<1x1x128xi32, #tpu.memory_space<hbm>>
    %dma_wait3A_250 = tpu.memref_squeeze %dma_wait3A_249 : memref<1x1x128xi32, #tpu.memory_space<hbm>> -> memref<1x128xi32, #tpu.memory_space<hbm>>
    %dma_wait3A_251 = tpu.memref_slice %arg11[%rem3A_242] : memref<3x!tpu.dma_semaphore, #tpu.memory_space<semaphore_mem>> -> memref<1x!tpu.dma_semaphore, #tpu.memory_space<semaphore_mem>>
    %dma_wait3A_252 = tpu.memref_squeeze %dma_wait3A_251 : memref<1x!tpu.dma_semaphore, #tpu.memory_space<semaphore_mem>> -> memref<!tpu.dma_semaphore, #tpu.memory_space<semaphore_mem>>
    %dma_wait3A_253 = arith.constant 0 : i32
    %dma_wait3A_254 = arith.constant 0 : i32
    %dma_wait3A_255 = tpu.memref_slice %arg8[%rem3A_239, %dma_wait3A_253, %dma_wait3A_254] : memref<3x1x128xi32, #tpu.memory_space<vmem>> -> memref<1x1x128xi32, #tpu.memory_space<vmem>>
    %dma_wait3A_256 = tpu.memref_squeeze %dma_wait3A_255 : memref<1x1x128xi32, #tpu.memory_space<vmem>> -> memref<1x128xi32, #tpu.memory_space<vmem>>
    %dma_wait3A_257 = arith.constant 0 : i32
    %dma_wait3A_258 = arith.constant 0 : i32
    %dma_wait3A_259 = tpu.memref_slice %arg2[%add3A_236, %dma_wait3A_257, %dma_wait3A_258] : memref<2560x1x128xi32, #tpu.memory_space<hbm>> -> memref<1x1x128xi32, #tpu.memory_space<hbm>>
    %dma_wait3A_260 = tpu.memref_squeeze %dma_wait3A_259 : memref<1x1x128xi32, #tpu.memory_space<hbm>> -> memref<1x128xi32, #tpu.memory_space<hbm>>
    tpu.wait_dma2 semaphore(%dma_wait3A_252 : memref<!tpu.dma_semaphore, #tpu.memory_space<semaphore_mem>>) src(%dma_wait3A_260 : memref<1x128xi32, #tpu.memory_space<hbm>>) dst(%dma_wait3A_256 : memref<1x128xi32, #tpu.memory_space<vmem>>)
    %add3A_261 = arith.constant 1 : i32
    %add3A_262 = arith.addi %select_n3A_8, %add3A_261 : i32
    %rem3A_263 = arith.constant 1 : i32
    %rem3A_264 = arith.constant 4 : i32
    %rem3A_265 = arith.remsi %rem3A_263, %rem3A_264 : i32
    %rem3A_266 = arith.constant 1 : i32
    %rem3A_267 = arith.constant 4 : i32
    %rem3A_268 = arith.remsi %rem3A_266, %rem3A_267 : i32
    %dma_wait3A_269 = arith.constant 0 : i32
    %dma_wait3A_270 = arith.constant 0 : i32
    %dma_wait3A_271 = tpu.memref_slice %arg9[%rem3A_265, %dma_wait3A_269, %dma_wait3A_270] : memref<4x1x128xi32, #tpu.memory_space<vmem>> -> memref<1x1x128xi32, #tpu.memory_space<vmem>>
    %dma_wait3A_272 = tpu.memref_squeeze %dma_wait3A_271 : memref<1x1x128xi32, #tpu.memory_space<vmem>> -> memref<1x128xi32, #tpu.memory_space<vmem>>
    %dma_wait3A_273 = arith.constant 0 : i32
    %dma_wait3A_274 = arith.constant 0 : i32
    %dma_wait3A_275 = tpu.memref_slice %arg3[%add3A_262, %dma_wait3A_273, %dma_wait3A_274] : memref<2560x1x128xi32, #tpu.memory_space<hbm>> -> memref<1x1x128xi32, #tpu.memory_space<hbm>>
    %dma_wait3A_276 = tpu.memref_squeeze %dma_wait3A_275 : memref<1x1x128xi32, #tpu.memory_space<hbm>> -> memref<1x128xi32, #tpu.memory_space<hbm>>
    %dma_wait3A_277 = tpu.memref_slice %arg12[%rem3A_268] : memref<4x!tpu.dma_semaphore, #tpu.memory_space<semaphore_mem>> -> memref<1x!tpu.dma_semaphore, #tpu.memory_space<semaphore_mem>>
    %dma_wait3A_278 = tpu.memref_squeeze %dma_wait3A_277 : memref<1x!tpu.dma_semaphore, #tpu.memory_space<semaphore_mem>> -> memref<!tpu.dma_semaphore, #tpu.memory_space<semaphore_mem>>
    %dma_wait3A_279 = arith.constant 0 : i32
    %dma_wait3A_280 = arith.constant 0 : i32
    %dma_wait3A_281 = tpu.memref_slice %arg9[%rem3A_265, %dma_wait3A_279, %dma_wait3A_280] : memref<4x1x128xi32, #tpu.memory_space<vmem>> -> memref<1x1x128xi32, #tpu.memory_space<vmem>>
    %dma_wait3A_282 = tpu.memref_squeeze %dma_wait3A_281 : memref<1x1x128xi32, #tpu.memory_space<vmem>> -> memref<1x128xi32, #tpu.memory_space<vmem>>
    %dma_wait3A_283 = arith.constant 0 : i32
    %dma_wait3A_284 = arith.constant 0 : i32
    %dma_wait3A_285 = tpu.memref_slice %arg3[%add3A_262, %dma_wait3A_283, %dma_wait3A_284] : memref<2560x1x128xi32, #tpu.memory_space<hbm>> -> memref<1x1x128xi32, #tpu.memory_space<hbm>>
    %dma_wait3A_286 = tpu.memref_squeeze %dma_wait3A_285 : memref<1x1x128xi32, #tpu.memory_space<hbm>> -> memref<1x128xi32, #tpu.memory_space<hbm>>
    tpu.wait_dma2 semaphore(%dma_wait3A_278 : memref<!tpu.dma_semaphore, #tpu.memory_space<semaphore_mem>>) src(%dma_wait3A_286 : memref<1x128xi32, #tpu.memory_space<hbm>>) dst(%dma_wait3A_282 : memref<1x128xi32, #tpu.memory_space<vmem>>)
    %rem3A_287 = arith.constant 1 : i32
    %rem3A_288 = arith.constant 3 : i32
    %rem3A_289 = arith.remsi %rem3A_287, %rem3A_288 : i32
    %rem3A_290 = arith.constant 1 : i32
    %rem3A_291 = arith.constant 3 : i32
    %rem3A_292 = arith.remsi %rem3A_290, %rem3A_291 : i32
    %dma_start3A_293 = arith.constant 0 : i32
    %dma_start3A_294 = arith.constant 0 : i32
    %dma_start3A_295 = arith.constant 0 : i32
    %dma_start3A_296 = tpu.memref_slice %arg10[%rem3A_289, %dma_start3A_294, %dma_start3A_295] : memref<3x128x128xf32, #tpu.memory_space<vmem>> -> memref<1x128x128xf32, #tpu.memory_space<vmem>>
    %dma_start3A_297 = tpu.memref_squeeze %dma_start3A_296 : memref<1x128x128xf32, #tpu.memory_space<vmem>> -> memref<128x128xf32, #tpu.memory_space<vmem>>
    %dma_start3A_298 = arith.constant 0 : i32
    %dma_start3A_299 = tpu.memref_slice %arg8[%rem3A_292, %dma_start3A_293, %dma_start3A_298] : memref<3x1x128xi32, #tpu.memory_space<vmem>> -> memref<1x1x128xi32, #tpu.memory_space<vmem>>
    %dma_start3A_300 = tpu.memref_squeeze %dma_start3A_299 : memref<1x1x128xi32, #tpu.memory_space<vmem>> -> memref<128xi32, #tpu.memory_space<vmem>>
    %dma_start3A_301 = arith.constant 0 : i32
    %dma_start3A_302 = arith.constant 0 : i32
    %dma_start3A_303 = tpu.memref_slice %arg4[%dma_start3A_301, %dma_start3A_302] : memref<10000x128xf32, #tpu.memory_space<hbm>> -> memref<10000x128xf32, #tpu.memory_space<hbm>>
    %dma_start3A_304 = tpu.memref_slice %arg13[%rem3A_289] : memref<3x!tpu.dma_semaphore, #tpu.memory_space<semaphore_mem>> -> memref<1x!tpu.dma_semaphore, #tpu.memory_space<semaphore_mem>>
    %dma_start3A_305 = tpu.memref_squeeze %dma_start3A_304 : memref<1x!tpu.dma_semaphore, #tpu.memory_space<semaphore_mem>> -> memref<!tpu.dma_semaphore, #tpu.memory_space<semaphore_mem>>
    tpu.enqueue_indirect_dma source(%dma_start3A_303 : memref<10000x128xf32, #tpu.memory_space<hbm>>) target(%dma_start3A_297 : memref<128x128xf32, #tpu.memory_space<vmem>>) offsets(%dma_start3A_300 : memref<128xi32, #tpu.memory_space<vmem>>) semaphore(%dma_start3A_305 : memref<!tpu.dma_semaphore, #tpu.memory_space<semaphore_mem>>)
    %while3A = arith.constant 0 : i32
    %while3A_306 = arith.constant 0 : i32
    %while3A_307 = arith.subi %select_n3A, %while3A_306 : i32
    %while3A_308 = arith.addi %while3A_306, %while3A_307 : i32
    %while3A_309 = arith.constant 1 : i32
    %while3A_310 = arith.divsi %while3A_307, %while3A_309 : i32
    %while3A_311 = arith.muli %while3A_310, %while3A_309 : i32
    %while3A_312 = arith.addi %while3A_306, %while3A_311 : i32
    %while3A_313 = arith.constant 1 : i32
    scf.for %while3A_320 = %while3A_306 to %while3A_312 step %while3A_313  : i32 {
      %add3A_321 = arith.constant 2 : i32
      %add3A_322 = arith.addi %while3A_320, %add3A_321 : i32
      %lt3A = arith.cmpi slt, %add3A_322, %select_n3A : i32
      %convert_element_type3A = arith.extui %lt3A : i1 to i32
      %cond3A = arith.constant 0 : i32
      %cond3A_323 = arith.cmpi ne, %convert_element_type3A, %cond3A : i32
      scf.if %cond3A_323 {
        %add3A_351 = arith.constant 2 : i32
        %add3A_352 = arith.addi %while3A_320, %add3A_351 : i32
        %add3A_353 = arith.addi %select_n3A_8, %add3A_352 : i32
        %rem3A_354 = arith.constant 3 : i32
        %rem3A_355 = arith.remsi %add3A_352, %rem3A_354 : i32
        %rem3A_356 = arith.constant 3 : i32
        %rem3A_357 = arith.remsi %add3A_352, %rem3A_356 : i32
        %dma_wait3A_358 = arith.constant 0 : i32
        %dma_wait3A_359 = arith.constant 0 : i32
        %dma_wait3A_360 = tpu.memref_slice %arg8[%rem3A_355, %dma_wait3A_358, %dma_wait3A_359] : memref<3x1x128xi32, #tpu.memory_space<vmem>> -> memref<1x1x128xi32, #tpu.memory_space<vmem>>
        %dma_wait3A_361 = tpu.memref_squeeze %dma_wait3A_360 : memref<1x1x128xi32, #tpu.memory_space<vmem>> -> memref<1x128xi32, #tpu.memory_space<vmem>>
        %dma_wait3A_362 = arith.constant 0 : i32
        %dma_wait3A_363 = arith.constant 0 : i32
        %dma_wait3A_364 = tpu.memref_slice %arg2[%add3A_353, %dma_wait3A_362, %dma_wait3A_363] : memref<2560x1x128xi32, #tpu.memory_space<hbm>> -> memref<1x1x128xi32, #tpu.memory_space<hbm>>
        %dma_wait3A_365 = tpu.memref_squeeze %dma_wait3A_364 : memref<1x1x128xi32, #tpu.memory_space<hbm>> -> memref<1x128xi32, #tpu.memory_space<hbm>>
        %dma_wait3A_366 = tpu.memref_slice %arg11[%rem3A_357] : memref<3x!tpu.dma_semaphore, #tpu.memory_space<semaphore_mem>> -> memref<1x!tpu.dma_semaphore, #tpu.memory_space<semaphore_mem>>
        %dma_wait3A_367 = tpu.memref_squeeze %dma_wait3A_366 : memref<1x!tpu.dma_semaphore, #tpu.memory_space<semaphore_mem>> -> memref<!tpu.dma_semaphore, #tpu.memory_space<semaphore_mem>>
        %dma_wait3A_368 = arith.constant 0 : i32
        %dma_wait3A_369 = arith.constant 0 : i32
        %dma_wait3A_370 = tpu.memref_slice %arg8[%rem3A_355, %dma_wait3A_368, %dma_wait3A_369] : memref<3x1x128xi32, #tpu.memory_space<vmem>> -> memref<1x1x128xi32, #tpu.memory_space<vmem>>
        %dma_wait3A_371 = tpu.memref_squeeze %dma_wait3A_370 : memref<1x1x128xi32, #tpu.memory_space<vmem>> -> memref<1x128xi32, #tpu.memory_space<vmem>>
        %dma_wait3A_372 = arith.constant 0 : i32
        %dma_wait3A_373 = arith.constant 0 : i32
        %dma_wait3A_374 = tpu.memref_slice %arg2[%add3A_353, %dma_wait3A_372, %dma_wait3A_373] : memref<2560x1x128xi32, #tpu.memory_space<hbm>> -> memref<1x1x128xi32, #tpu.memory_space<hbm>>
        %dma_wait3A_375 = tpu.memref_squeeze %dma_wait3A_374 : memref<1x1x128xi32, #tpu.memory_space<hbm>> -> memref<1x128xi32, #tpu.memory_space<hbm>>
        tpu.wait_dma2 semaphore(%dma_wait3A_367 : memref<!tpu.dma_semaphore, #tpu.memory_space<semaphore_mem>>) src(%dma_wait3A_375 : memref<1x128xi32, #tpu.memory_space<hbm>>) dst(%dma_wait3A_371 : memref<1x128xi32, #tpu.memory_space<vmem>>)
        %add3A_376 = arith.addi %select_n3A_8, %add3A_352 : i32
        %rem3A_377 = arith.constant 4 : i32
        %rem3A_378 = arith.remsi %add3A_352, %rem3A_377 : i32
        %rem3A_379 = arith.constant 4 : i32
        %rem3A_380 = arith.remsi %add3A_352, %rem3A_379 : i32
        %dma_wait3A_381 = arith.constant 0 : i32
        %dma_wait3A_382 = arith.constant 0 : i32
        %dma_wait3A_383 = tpu.memref_slice %arg9[%rem3A_378, %dma_wait3A_381, %dma_wait3A_382] : memref<4x1x128xi32, #tpu.memory_space<vmem>> -> memref<1x1x128xi32, #tpu.memory_space<vmem>>
        %dma_wait3A_384 = tpu.memref_squeeze %dma_wait3A_383 : memref<1x1x128xi32, #tpu.memory_space<vmem>> -> memref<1x128xi32, #tpu.memory_space<vmem>>
        %dma_wait3A_385 = arith.constant 0 : i32
        %dma_wait3A_386 = arith.constant 0 : i32
        %dma_wait3A_387 = tpu.memref_slice %arg3[%add3A_376, %dma_wait3A_385, %dma_wait3A_386] : memref<2560x1x128xi32, #tpu.memory_space<hbm>> -> memref<1x1x128xi32, #tpu.memory_space<hbm>>
        %dma_wait3A_388 = tpu.memref_squeeze %dma_wait3A_387 : memref<1x1x128xi32, #tpu.memory_space<hbm>> -> memref<1x128xi32, #tpu.memory_space<hbm>>
        %dma_wait3A_389 = tpu.memref_slice %arg12[%rem3A_380] : memref<4x!tpu.dma_semaphore, #tpu.memory_space<semaphore_mem>> -> memref<1x!tpu.dma_semaphore, #tpu.memory_space<semaphore_mem>>
        %dma_wait3A_390 = tpu.memref_squeeze %dma_wait3A_389 : memref<1x!tpu.dma_semaphore, #tpu.memory_space<semaphore_mem>> -> memref<!tpu.dma_semaphore, #tpu.memory_space<semaphore_mem>>
        %dma_wait3A_391 = arith.constant 0 : i32
        %dma_wait3A_392 = arith.constant 0 : i32
        %dma_wait3A_393 = tpu.memref_slice %arg9[%rem3A_378, %dma_wait3A_391, %dma_wait3A_392] : memref<4x1x128xi32, #tpu.memory_space<vmem>> -> memref<1x1x128xi32, #tpu.memory_space<vmem>>
        %dma_wait3A_394 = tpu.memref_squeeze %dma_wait3A_393 : memref<1x1x128xi32, #tpu.memory_space<vmem>> -> memref<1x128xi32, #tpu.memory_space<vmem>>
        %dma_wait3A_395 = arith.constant 0 : i32
        %dma_wait3A_396 = arith.constant 0 : i32
        %dma_wait3A_397 = tpu.memref_slice %arg3[%add3A_376, %dma_wait3A_395, %dma_wait3A_396] : memref<2560x1x128xi32, #tpu.memory_space<hbm>> -> memref<1x1x128xi32, #tpu.memory_space<hbm>>
        %dma_wait3A_398 = tpu.memref_squeeze %dma_wait3A_397 : memref<1x1x128xi32, #tpu.memory_space<hbm>> -> memref<1x128xi32, #tpu.memory_space<hbm>>
        tpu.wait_dma2 semaphore(%dma_wait3A_390 : memref<!tpu.dma_semaphore, #tpu.memory_space<semaphore_mem>>) src(%dma_wait3A_398 : memref<1x128xi32, #tpu.memory_space<hbm>>) dst(%dma_wait3A_394 : memref<1x128xi32, #tpu.memory_space<vmem>>)
        %add3A_399 = arith.constant 2 : i32
        %add3A_400 = arith.addi %while3A_320, %add3A_399 : i32
        %rem3A_401 = arith.constant 3 : i32
        %rem3A_402 = arith.remsi %add3A_400, %rem3A_401 : i32
        %rem3A_403 = arith.constant 3 : i32
        %rem3A_404 = arith.remsi %add3A_400, %rem3A_403 : i32
        %dma_start3A_405 = arith.constant 0 : i32
        %dma_start3A_406 = arith.constant 0 : i32
        %dma_start3A_407 = arith.constant 0 : i32
        %dma_start3A_408 = tpu.memref_slice %arg10[%rem3A_402, %dma_start3A_406, %dma_start3A_407] : memref<3x128x128xf32, #tpu.memory_space<vmem>> -> memref<1x128x128xf32, #tpu.memory_space<vmem>>
        %dma_start3A_409 = tpu.memref_squeeze %dma_start3A_408 : memref<1x128x128xf32, #tpu.memory_space<vmem>> -> memref<128x128xf32, #tpu.memory_space<vmem>>
        %dma_start3A_410 = arith.constant 0 : i32
        %dma_start3A_411 = tpu.memref_slice %arg8[%rem3A_404, %dma_start3A_405, %dma_start3A_410] : memref<3x1x128xi32, #tpu.memory_space<vmem>> -> memref<1x1x128xi32, #tpu.memory_space<vmem>>
        %dma_start3A_412 = tpu.memref_squeeze %dma_start3A_411 : memref<1x1x128xi32, #tpu.memory_space<vmem>> -> memref<128xi32, #tpu.memory_space<vmem>>
        %dma_start3A_413 = arith.constant 0 : i32
        %dma_start3A_414 = arith.constant 0 : i32
        %dma_start3A_415 = tpu.memref_slice %arg4[%dma_start3A_413, %dma_start3A_414] : memref<10000x128xf32, #tpu.memory_space<hbm>> -> memref<10000x128xf32, #tpu.memory_space<hbm>>
        %dma_start3A_416 = tpu.memref_slice %arg13[%rem3A_402] : memref<3x!tpu.dma_semaphore, #tpu.memory_space<semaphore_mem>> -> memref<1x!tpu.dma_semaphore, #tpu.memory_space<semaphore_mem>>
        %dma_start3A_417 = tpu.memref_squeeze %dma_start3A_416 : memref<1x!tpu.dma_semaphore, #tpu.memory_space<semaphore_mem>> -> memref<!tpu.dma_semaphore, #tpu.memory_space<semaphore_mem>>
        tpu.enqueue_indirect_dma source(%dma_start3A_415 : memref<10000x128xf32, #tpu.memory_space<hbm>>) target(%dma_start3A_409 : memref<128x128xf32, #tpu.memory_space<vmem>>) offsets(%dma_start3A_412 : memref<128xi32, #tpu.memory_space<vmem>>) semaphore(%dma_start3A_417 : memref<!tpu.dma_semaphore, #tpu.memory_space<semaphore_mem>>)
      } else {
      }
      %rem3A_324 = arith.constant 3 : i32
      %rem3A_325 = arith.remsi %while3A_320, %rem3A_324 : i32
      %rem3A_326 = arith.constant 3 : i32
      %rem3A_327 = arith.remsi %while3A_320, %rem3A_326 : i32
      %dma_wait3A_328 = arith.constant 0 : i32
      %dma_wait3A_329 = arith.constant 0 : i32
      %dma_wait3A_330 = arith.constant 0 : i32
      %dma_wait3A_331 = tpu.memref_slice %arg10[%rem3A_325, %dma_wait3A_329, %dma_wait3A_330] : memref<3x128x128xf32, #tpu.memory_space<vmem>> -> memref<1x128x128xf32, #tpu.memory_space<vmem>>
      %dma_wait3A_332 = tpu.memref_squeeze %dma_wait3A_331 : memref<1x128x128xf32, #tpu.memory_space<vmem>> -> memref<128x128xf32, #tpu.memory_space<vmem>>
      %dma_wait3A_333 = arith.constant 0 : i32
      %dma_wait3A_334 = tpu.memref_slice %arg8[%rem3A_327, %dma_wait3A_328, %dma_wait3A_333] : memref<3x1x128xi32, #tpu.memory_space<vmem>> -> memref<1x1x128xi32, #tpu.memory_space<vmem>>
      %dma_wait3A_335 = tpu.memref_squeeze %dma_wait3A_334 : memref<1x1x128xi32, #tpu.memory_space<vmem>> -> memref<128xi32, #tpu.memory_space<vmem>>
      %dma_wait3A_336 = arith.constant 0 : i32
      %dma_wait3A_337 = arith.constant 0 : i32
      %dma_wait3A_338 = tpu.memref_slice %arg4[%dma_wait3A_336, %dma_wait3A_337] : memref<10000x128xf32, #tpu.memory_space<hbm>> -> memref<10000x128xf32, #tpu.memory_space<hbm>>
      %dma_wait3A_339 = tpu.memref_slice %arg13[%rem3A_325] : memref<3x!tpu.dma_semaphore, #tpu.memory_space<semaphore_mem>> -> memref<1x!tpu.dma_semaphore, #tpu.memory_space<semaphore_mem>>
      %dma_wait3A_340 = tpu.memref_squeeze %dma_wait3A_339 : memref<1x!tpu.dma_semaphore, #tpu.memory_space<semaphore_mem>> -> memref<!tpu.dma_semaphore, #tpu.memory_space<semaphore_mem>>
      tpu.wait_indirect_dma semaphore(%dma_wait3A_340 : memref<!tpu.dma_semaphore, #tpu.memory_space<semaphore_mem>>) src(%dma_wait3A_338 : memref<10000x128xf32, #tpu.memory_space<hbm>>) dst(%dma_wait3A_332 : memref<128x128xf32, #tpu.memory_space<vmem>>)
      %add3A_341 = arith.constant 3 : i32
      %add3A_342 = arith.addi %while3A_320, %add3A_341 : i32
      %lt3A_343 = arith.cmpi slt, %add3A_342, %select_n3A : i32
      %convert_element_type3A_344 = arith.extui %lt3A_343 : i1 to i32
      %cond3A_345 = arith.constant 0 : i32
      %cond3A_346 = arith.cmpi ne, %convert_element_type3A_344, %cond3A_345 : i32
      scf.if %cond3A_346 {
        %add3A_351 = arith.constant 3 : i32
        %add3A_352 = arith.addi %while3A_320, %add3A_351 : i32
        %add3A_353 = arith.addi %select_n3A_8, %add3A_352 : i32
        %rem3A_354 = arith.constant 3 : i32
        %rem3A_355 = arith.remsi %add3A_352, %rem3A_354 : i32
        %rem3A_356 = arith.constant 3 : i32
        %rem3A_357 = arith.remsi %add3A_352, %rem3A_356 : i32
        %dma_start3A_358 = arith.constant 0 : i32
        %dma_start3A_359 = arith.constant 0 : i32
        %dma_start3A_360 = tpu.memref_slice %arg8[%rem3A_355, %dma_start3A_358, %dma_start3A_359] : memref<3x1x128xi32, #tpu.memory_space<vmem>> -> memref<1x1x128xi32, #tpu.memory_space<vmem>>
        %dma_start3A_361 = tpu.memref_squeeze %dma_start3A_360 : memref<1x1x128xi32, #tpu.memory_space<vmem>> -> memref<1x128xi32, #tpu.memory_space<vmem>>
        %dma_start3A_362 = arith.constant 0 : i32
        %dma_start3A_363 = arith.constant 0 : i32
        %dma_start3A_364 = tpu.memref_slice %arg2[%add3A_353, %dma_start3A_362, %dma_start3A_363] : memref<2560x1x128xi32, #tpu.memory_space<hbm>> -> memref<1x1x128xi32, #tpu.memory_space<hbm>>
        %dma_start3A_365 = tpu.memref_squeeze %dma_start3A_364 : memref<1x1x128xi32, #tpu.memory_space<hbm>> -> memref<1x128xi32, #tpu.memory_space<hbm>>
        %dma_start3A_366 = tpu.memref_slice %arg11[%rem3A_357] : memref<3x!tpu.dma_semaphore, #tpu.memory_space<semaphore_mem>> -> memref<1x!tpu.dma_semaphore, #tpu.memory_space<semaphore_mem>>
        %dma_start3A_367 = tpu.memref_squeeze %dma_start3A_366 : memref<1x!tpu.dma_semaphore, #tpu.memory_space<semaphore_mem>> -> memref<!tpu.dma_semaphore, #tpu.memory_space<semaphore_mem>>
        %dma_start3A_368 = arith.constant 0 : i32
        %dma_start3A_369 = arith.constant 0 : i32
        %dma_start3A_370 = tpu.memref_slice %arg8[%rem3A_355, %dma_start3A_368, %dma_start3A_369] : memref<3x1x128xi32, #tpu.memory_space<vmem>> -> memref<1x1x128xi32, #tpu.memory_space<vmem>>
        %dma_start3A_371 = tpu.memref_squeeze %dma_start3A_370 : memref<1x1x128xi32, #tpu.memory_space<vmem>> -> memref<1x128xi32, #tpu.memory_space<vmem>>
        %dma_start3A_372 = arith.constant 0 : i32
        %dma_start3A_373 = arith.constant 0 : i32
        %dma_start3A_374 = tpu.memref_slice %arg2[%add3A_353, %dma_start3A_372, %dma_start3A_373] : memref<2560x1x128xi32, #tpu.memory_space<hbm>> -> memref<1x1x128xi32, #tpu.memory_space<hbm>>
        %dma_start3A_375 = tpu.memref_squeeze %dma_start3A_374 : memref<1x1x128xi32, #tpu.memory_space<hbm>> -> memref<1x128xi32, #tpu.memory_space<hbm>>
        tpu.enqueue_dma source(%dma_start3A_375 : memref<1x128xi32, #tpu.memory_space<hbm>>) target(%dma_start3A_371 : memref<1x128xi32, #tpu.memory_space<vmem>>) target_semaphore(%dma_start3A_367 : memref<!tpu.dma_semaphore, #tpu.memory_space<semaphore_mem>>)
        %add3A_376 = arith.addi %select_n3A_8, %add3A_352 : i32
        %rem3A_377 = arith.constant 4 : i32
        %rem3A_378 = arith.remsi %add3A_352, %rem3A_377 : i32
        %rem3A_379 = arith.constant 4 : i32
        %rem3A_380 = arith.remsi %add3A_352, %rem3A_379 : i32
        %dma_start3A_381 = arith.constant 0 : i32
        %dma_start3A_382 = arith.constant 0 : i32
        %dma_start3A_383 = tpu.memref_slice %arg9[%rem3A_378, %dma_start3A_381, %dma_start3A_382] : memref<4x1x128xi32, #tpu.memory_space<vmem>> -> memref<1x1x128xi32, #tpu.memory_space<vmem>>
        %dma_start3A_384 = tpu.memref_squeeze %dma_start3A_383 : memref<1x1x128xi32, #tpu.memory_space<vmem>> -> memref<1x128xi32, #tpu.memory_space<vmem>>
        %dma_start3A_385 = arith.constant 0 : i32
        %dma_start3A_386 = arith.constant 0 : i32
        %dma_start3A_387 = tpu.memref_slice %arg3[%add3A_376, %dma_start3A_385, %dma_start3A_386] : memref<2560x1x128xi32, #tpu.memory_space<hbm>> -> memref<1x1x128xi32, #tpu.memory_space<hbm>>
        %dma_start3A_388 = tpu.memref_squeeze %dma_start3A_387 : memref<1x1x128xi32, #tpu.memory_space<hbm>> -> memref<1x128xi32, #tpu.memory_space<hbm>>
        %dma_start3A_389 = tpu.memref_slice %arg12[%rem3A_380] : memref<4x!tpu.dma_semaphore, #tpu.memory_space<semaphore_mem>> -> memref<1x!tpu.dma_semaphore, #tpu.memory_space<semaphore_mem>>
        %dma_start3A_390 = tpu.memref_squeeze %dma_start3A_389 : memref<1x!tpu.dma_semaphore, #tpu.memory_space<semaphore_mem>> -> memref<!tpu.dma_semaphore, #tpu.memory_space<semaphore_mem>>
        %dma_start3A_391 = arith.constant 0 : i32
        %dma_start3A_392 = arith.constant 0 : i32
        %dma_start3A_393 = tpu.memref_slice %arg9[%rem3A_378, %dma_start3A_391, %dma_start3A_392] : memref<4x1x128xi32, #tpu.memory_space<vmem>> -> memref<1x1x128xi32, #tpu.memory_space<vmem>>
        %dma_start3A_394 = tpu.memref_squeeze %dma_start3A_393 : memref<1x1x128xi32, #tpu.memory_space<vmem>> -> memref<1x128xi32, #tpu.memory_space<vmem>>
        %dma_start3A_395 = arith.constant 0 : i32
        %dma_start3A_396 = arith.constant 0 : i32
        %dma_start3A_397 = tpu.memref_slice %arg3[%add3A_376, %dma_start3A_395, %dma_start3A_396] : memref<2560x1x128xi32, #tpu.memory_space<hbm>> -> memref<1x1x128xi32, #tpu.memory_space<hbm>>
        %dma_start3A_398 = tpu.memref_squeeze %dma_start3A_397 : memref<1x1x128xi32, #tpu.memory_space<hbm>> -> memref<1x128xi32, #tpu.memory_space<hbm>>
        tpu.enqueue_dma source(%dma_start3A_398 : memref<1x128xi32, #tpu.memory_space<hbm>>) target(%dma_start3A_394 : memref<1x128xi32, #tpu.memory_space<vmem>>) target_semaphore(%dma_start3A_390 : memref<!tpu.dma_semaphore, #tpu.memory_space<semaphore_mem>>)
      } else {
      }
      %rem3A_347 = arith.constant 3 : i32
      %rem3A_348 = arith.remsi %while3A_320, %rem3A_347 : i32
      %rem3A_349 = arith.constant 4 : i32
      %rem3A_350 = arith.remsi %while3A_320, %rem3A_349 : i32
      %run_scoped3A = arith.constant 0 : i32
      "tpu.region"() ({
        %run_scoped3A_351 = tpu.sem_alloc : memref<!tpu.dma_semaphore, #tpu.memory_space<semaphore_mem>>
        %dma_start3A_352 = arith.constant 0 : i32
        %dma_start3A_353 = arith.constant 0 : i32
        %dma_start3A_354 = tpu.memref_slice %arg10[%rem3A_348, %dma_start3A_352, %dma_start3A_353] : memref<3x128x128xf32, #tpu.memory_space<vmem>> -> memref<1x128x128xf32, #tpu.memory_space<vmem>>
        %dma_start3A_355 = tpu.memref_squeeze %dma_start3A_354 : memref<1x128x128xf32, #tpu.memory_space<vmem>> -> memref<128x128xf32, #tpu.memory_space<vmem>>
        %dma_start3A_356 = arith.constant 0 : i32
        %dma_start3A_357 = tpu.memref_slice %arg9[%rem3A_350, %run_scoped3A, %dma_start3A_356] : memref<4x1x128xi32, #tpu.memory_space<vmem>> -> memref<1x1x128xi32, #tpu.memory_space<vmem>>
        %dma_start3A_358 = tpu.memref_squeeze %dma_start3A_357 : memref<1x1x128xi32, #tpu.memory_space<vmem>> -> memref<128xi32, #tpu.memory_space<vmem>>
        %dma_start3A_359 = arith.constant 0 : i32
        %dma_start3A_360 = arith.constant 0 : i32
        %dma_start3A_361 = tpu.memref_slice %arg7[%dma_start3A_359, %dma_start3A_360] : memref<10112x128xf32, #tpu.memory_space<vmem_shared>> -> memref<10112x128xf32, #tpu.memory_space<vmem_shared>>
        tpu.enqueue_indirect_dma source(%dma_start3A_355 : memref<128x128xf32, #tpu.memory_space<vmem>>) target(%dma_start3A_361 : memref<10112x128xf32, #tpu.memory_space<vmem_shared>>) offsets(%dma_start3A_358 : memref<128xi32, #tpu.memory_space<vmem>>) semaphore(%run_scoped3A_351 : memref<!tpu.dma_semaphore, #tpu.memory_space<semaphore_mem>>) {add = true}
        %dma_wait3A_362 = arith.constant 0 : i32
        %dma_wait3A_363 = arith.constant 0 : i32
        %dma_wait3A_364 = tpu.memref_slice %arg10[%rem3A_348, %dma_wait3A_362, %dma_wait3A_363] : memref<3x128x128xf32, #tpu.memory_space<vmem>> -> memref<1x128x128xf32, #tpu.memory_space<vmem>>
        %dma_wait3A_365 = tpu.memref_squeeze %dma_wait3A_364 : memref<1x128x128xf32, #tpu.memory_space<vmem>> -> memref<128x128xf32, #tpu.memory_space<vmem>>
        %dma_wait3A_366 = arith.constant 0 : i32
        %dma_wait3A_367 = tpu.memref_slice %arg9[%rem3A_350, %run_scoped3A, %dma_wait3A_366] : memref<4x1x128xi32, #tpu.memory_space<vmem>> -> memref<1x1x128xi32, #tpu.memory_space<vmem>>
        %dma_wait3A_368 = tpu.memref_squeeze %dma_wait3A_367 : memref<1x1x128xi32, #tpu.memory_space<vmem>> -> memref<128xi32, #tpu.memory_space<vmem>>
        %dma_wait3A_369 = arith.constant 0 : i32
        %dma_wait3A_370 = arith.constant 0 : i32
        %dma_wait3A_371 = tpu.memref_slice %arg7[%dma_wait3A_369, %dma_wait3A_370] : memref<10112x128xf32, #tpu.memory_space<vmem_shared>> -> memref<10112x128xf32, #tpu.memory_space<vmem_shared>>
        tpu.wait_indirect_dma semaphore(%run_scoped3A_351 : memref<!tpu.dma_semaphore, #tpu.memory_space<semaphore_mem>>) src(%dma_wait3A_365 : memref<128x128xf32, #tpu.memory_space<vmem>>) dst(%dma_wait3A_371 : memref<10112x128xf32, #tpu.memory_space<vmem_shared>>)
        tpu.yield
      }) : () -> ()
    }
    %while3A_314 = arith.constant 1 : i32
    scf.for %while3A_320 = %while3A_312 to %while3A_308 step %while3A_314  : i32 {
      %add3A_321 = arith.constant 2 : i32
      %add3A_322 = arith.addi %while3A_320, %add3A_321 : i32
      %lt3A = arith.cmpi slt, %add3A_322, %select_n3A : i32
      %convert_element_type3A = arith.extui %lt3A : i1 to i32
      %cond3A = arith.constant 0 : i32
      %cond3A_323 = arith.cmpi ne, %convert_element_type3A, %cond3A : i32
      scf.if %cond3A_323 {
        %add3A_351 = arith.constant 2 : i32
        %add3A_352 = arith.addi %while3A_320, %add3A_351 : i32
        %add3A_353 = arith.addi %select_n3A_8, %add3A_352 : i32
        %rem3A_354 = arith.constant 3 : i32
        %rem3A_355 = arith.remsi %add3A_352, %rem3A_354 : i32
        %rem3A_356 = arith.constant 3 : i32
        %rem3A_357 = arith.remsi %add3A_352, %rem3A_356 : i32
        %dma_wait3A_358 = arith.constant 0 : i32
        %dma_wait3A_359 = arith.constant 0 : i32
        %dma_wait3A_360 = tpu.memref_slice %arg8[%rem3A_355, %dma_wait3A_358, %dma_wait3A_359] : memref<3x1x128xi32, #tpu.memory_space<vmem>> -> memref<1x1x128xi32, #tpu.memory_space<vmem>>
        %dma_wait3A_361 = tpu.memref_squeeze %dma_wait3A_360 : memref<1x1x128xi32, #tpu.memory_space<vmem>> -> memref<1x128xi32, #tpu.memory_space<vmem>>
        %dma_wait3A_362 = arith.constant 0 : i32
        %dma_wait3A_363 = arith.constant 0 : i32
        %dma_wait3A_364 = tpu.memref_slice %arg2[%add3A_353, %dma_wait3A_362, %dma_wait3A_363] : memref<2560x1x128xi32, #tpu.memory_space<hbm>> -> memref<1x1x128xi32, #tpu.memory_space<hbm>>
        %dma_wait3A_365 = tpu.memref_squeeze %dma_wait3A_364 : memref<1x1x128xi32, #tpu.memory_space<hbm>> -> memref<1x128xi32, #tpu.memory_space<hbm>>
        %dma_wait3A_366 = tpu.memref_slice %arg11[%rem3A_357] : memref<3x!tpu.dma_semaphore, #tpu.memory_space<semaphore_mem>> -> memref<1x!tpu.dma_semaphore, #tpu.memory_space<semaphore_mem>>
        %dma_wait3A_367 = tpu.memref_squeeze %dma_wait3A_366 : memref<1x!tpu.dma_semaphore, #tpu.memory_space<semaphore_mem>> -> memref<!tpu.dma_semaphore, #tpu.memory_space<semaphore_mem>>
        %dma_wait3A_368 = arith.constant 0 : i32
        %dma_wait3A_369 = arith.constant 0 : i32
        %dma_wait3A_370 = tpu.memref_slice %arg8[%rem3A_355, %dma_wait3A_368, %dma_wait3A_369] : memref<3x1x128xi32, #tpu.memory_space<vmem>> -> memref<1x1x128xi32, #tpu.memory_space<vmem>>
        %dma_wait3A_371 = tpu.memref_squeeze %dma_wait3A_370 : memref<1x1x128xi32, #tpu.memory_space<vmem>> -> memref<1x128xi32, #tpu.memory_space<vmem>>
        %dma_wait3A_372 = arith.constant 0 : i32
        %dma_wait3A_373 = arith.constant 0 : i32
        %dma_wait3A_374 = tpu.memref_slice %arg2[%add3A_353, %dma_wait3A_372, %dma_wait3A_373] : memref<2560x1x128xi32, #tpu.memory_space<hbm>> -> memref<1x1x128xi32, #tpu.memory_space<hbm>>
        %dma_wait3A_375 = tpu.memref_squeeze %dma_wait3A_374 : memref<1x1x128xi32, #tpu.memory_space<hbm>> -> memref<1x128xi32, #tpu.memory_space<hbm>>
        tpu.wait_dma2 semaphore(%dma_wait3A_367 : memref<!tpu.dma_semaphore, #tpu.memory_space<semaphore_mem>>) src(%dma_wait3A_375 : memref<1x128xi32, #tpu.memory_space<hbm>>) dst(%dma_wait3A_371 : memref<1x128xi32, #tpu.memory_space<vmem>>)
        %add3A_376 = arith.addi %select_n3A_8, %add3A_352 : i32
        %rem3A_377 = arith.constant 4 : i32
        %rem3A_378 = arith.remsi %add3A_352, %rem3A_377 : i32
        %rem3A_379 = arith.constant 4 : i32
        %rem3A_380 = arith.remsi %add3A_352, %rem3A_379 : i32
        %dma_wait3A_381 = arith.constant 0 : i32
        %dma_wait3A_382 = arith.constant 0 : i32
        %dma_wait3A_383 = tpu.memref_slice %arg9[%rem3A_378, %dma_wait3A_381, %dma_wait3A_382] : memref<4x1x128xi32, #tpu.memory_space<vmem>> -> memref<1x1x128xi32, #tpu.memory_space<vmem>>
        %dma_wait3A_384 = tpu.memref_squeeze %dma_wait3A_383 : memref<1x1x128xi32, #tpu.memory_space<vmem>> -> memref<1x128xi32, #tpu.memory_space<vmem>>
        %dma_wait3A_385 = arith.constant 0 : i32
        %dma_wait3A_386 = arith.constant 0 : i32
        %dma_wait3A_387 = tpu.memref_slice %arg3[%add3A_376, %dma_wait3A_385, %dma_wait3A_386] : memref<2560x1x128xi32, #tpu.memory_space<hbm>> -> memref<1x1x128xi32, #tpu.memory_space<hbm>>
        %dma_wait3A_388 = tpu.memref_squeeze %dma_wait3A_387 : memref<1x1x128xi32, #tpu.memory_space<hbm>> -> memref<1x128xi32, #tpu.memory_space<hbm>>
        %dma_wait3A_389 = tpu.memref_slice %arg12[%rem3A_380] : memref<4x!tpu.dma_semaphore, #tpu.memory_space<semaphore_mem>> -> memref<1x!tpu.dma_semaphore, #tpu.memory_space<semaphore_mem>>
        %dma_wait3A_390 = tpu.memref_squeeze %dma_wait3A_389 : memref<1x!tpu.dma_semaphore, #tpu.memory_space<semaphore_mem>> -> memref<!tpu.dma_semaphore, #tpu.memory_space<semaphore_mem>>
        %dma_wait3A_391 = arith.constant 0 : i32
        %dma_wait3A_392 = arith.constant 0 : i32
        %dma_wait3A_393 = tpu.memref_slice %arg9[%rem3A_378, %dma_wait3A_391, %dma_wait3A_392] : memref<4x1x128xi32, #tpu.memory_space<vmem>> -> memref<1x1x128xi32, #tpu.memory_space<vmem>>
        %dma_wait3A_394 = tpu.memref_squeeze %dma_wait3A_393 : memref<1x1x128xi32, #tpu.memory_space<vmem>> -> memref<1x128xi32, #tpu.memory_space<vmem>>
        %dma_wait3A_395 = arith.constant 0 : i32
        %dma_wait3A_396 = arith.constant 0 : i32
        %dma_wait3A_397 = tpu.memref_slice %arg3[%add3A_376, %dma_wait3A_395, %dma_wait3A_396] : memref<2560x1x128xi32, #tpu.memory_space<hbm>> -> memref<1x1x128xi32, #tpu.memory_space<hbm>>
        %dma_wait3A_398 = tpu.memref_squeeze %dma_wait3A_397 : memref<1x1x128xi32, #tpu.memory_space<hbm>> -> memref<1x128xi32, #tpu.memory_space<hbm>>
        tpu.wait_dma2 semaphore(%dma_wait3A_390 : memref<!tpu.dma_semaphore, #tpu.memory_space<semaphore_mem>>) src(%dma_wait3A_398 : memref<1x128xi32, #tpu.memory_space<hbm>>) dst(%dma_wait3A_394 : memref<1x128xi32, #tpu.memory_space<vmem>>)
        %add3A_399 = arith.constant 2 : i32
        %add3A_400 = arith.addi %while3A_320, %add3A_399 : i32
        %rem3A_401 = arith.constant 3 : i32
        %rem3A_402 = arith.remsi %add3A_400, %rem3A_401 : i32
        %rem3A_403 = arith.constant 3 : i32
        %rem3A_404 = arith.remsi %add3A_400, %rem3A_403 : i32
        %dma_start3A_405 = arith.constant 0 : i32
        %dma_start3A_406 = arith.constant 0 : i32
        %dma_start3A_407 = arith.constant 0 : i32
        %dma_start3A_408 = tpu.memref_slice %arg10[%rem3A_402, %dma_start3A_406, %dma_start3A_407] : memref<3x128x128xf32, #tpu.memory_space<vmem>> -> memref<1x128x128xf32, #tpu.memory_space<vmem>>
        %dma_start3A_409 = tpu.memref_squeeze %dma_start3A_408 : memref<1x128x128xf32, #tpu.memory_space<vmem>> -> memref<128x128xf32, #tpu.memory_space<vmem>>
        %dma_start3A_410 = arith.constant 0 : i32
        %dma_start3A_411 = tpu.memref_slice %arg8[%rem3A_404, %dma_start3A_405, %dma_start3A_410] : memref<3x1x128xi32, #tpu.memory_space<vmem>> -> memref<1x1x128xi32, #tpu.memory_space<vmem>>
        %dma_start3A_412 = tpu.memref_squeeze %dma_start3A_411 : memref<1x1x128xi32, #tpu.memory_space<vmem>> -> memref<128xi32, #tpu.memory_space<vmem>>
        %dma_start3A_413 = arith.constant 0 : i32
        %dma_start3A_414 = arith.constant 0 : i32
        %dma_start3A_415 = tpu.memref_slice %arg4[%dma_start3A_413, %dma_start3A_414] : memref<10000x128xf32, #tpu.memory_space<hbm>> -> memref<10000x128xf32, #tpu.memory_space<hbm>>
        %dma_start3A_416 = tpu.memref_slice %arg13[%rem3A_402] : memref<3x!tpu.dma_semaphore, #tpu.memory_space<semaphore_mem>> -> memref<1x!tpu.dma_semaphore, #tpu.memory_space<semaphore_mem>>
        %dma_start3A_417 = tpu.memref_squeeze %dma_start3A_416 : memref<1x!tpu.dma_semaphore, #tpu.memory_space<semaphore_mem>> -> memref<!tpu.dma_semaphore, #tpu.memory_space<semaphore_mem>>
        tpu.enqueue_indirect_dma source(%dma_start3A_415 : memref<10000x128xf32, #tpu.memory_space<hbm>>) target(%dma_start3A_409 : memref<128x128xf32, #tpu.memory_space<vmem>>) offsets(%dma_start3A_412 : memref<128xi32, #tpu.memory_space<vmem>>) semaphore(%dma_start3A_417 : memref<!tpu.dma_semaphore, #tpu.memory_space<semaphore_mem>>)
      } else {
      }
      %rem3A_324 = arith.constant 3 : i32
      %rem3A_325 = arith.remsi %while3A_320, %rem3A_324 : i32
      %rem3A_326 = arith.constant 3 : i32
      %rem3A_327 = arith.remsi %while3A_320, %rem3A_326 : i32
      %dma_wait3A_328 = arith.constant 0 : i32
      %dma_wait3A_329 = arith.constant 0 : i32
      %dma_wait3A_330 = arith.constant 0 : i32
      %dma_wait3A_331 = tpu.memref_slice %arg10[%rem3A_325, %dma_wait3A_329, %dma_wait3A_330] : memref<3x128x128xf32, #tpu.memory_space<vmem>> -> memref<1x128x128xf32, #tpu.memory_space<vmem>>
      %dma_wait3A_332 = tpu.memref_squeeze %dma_wait3A_331 : memref<1x128x128xf32, #tpu.memory_space<vmem>> -> memref<128x128xf32, #tpu.memory_space<vmem>>
      %dma_wait3A_333 = arith.constant 0 : i32
      %dma_wait3A_334 = tpu.memref_slice %arg8[%rem3A_327, %dma_wait3A_328, %dma_wait3A_333] : memref<3x1x128xi32, #tpu.memory_space<vmem>> -> memref<1x1x128xi32, #tpu.memory_space<vmem>>
      %dma_wait3A_335 = tpu.memref_squeeze %dma_wait3A_334 : memref<1x1x128xi32, #tpu.memory_space<vmem>> -> memref<128xi32, #tpu.memory_space<vmem>>
      %dma_wait3A_336 = arith.constant 0 : i32
      %dma_wait3A_337 = arith.constant 0 : i32
      %dma_wait3A_338 = tpu.memref_slice %arg4[%dma_wait3A_336, %dma_wait3A_337] : memref<10000x128xf32, #tpu.memory_space<hbm>> -> memref<10000x128xf32, #tpu.memory_space<hbm>>
      %dma_wait3A_339 = tpu.memref_slice %arg13[%rem3A_325] : memref<3x!tpu.dma_semaphore, #tpu.memory_space<semaphore_mem>> -> memref<1x!tpu.dma_semaphore, #tpu.memory_space<semaphore_mem>>
      %dma_wait3A_340 = tpu.memref_squeeze %dma_wait3A_339 : memref<1x!tpu.dma_semaphore, #tpu.memory_space<semaphore_mem>> -> memref<!tpu.dma_semaphore, #tpu.memory_space<semaphore_mem>>
      tpu.wait_indirect_dma semaphore(%dma_wait3A_340 : memref<!tpu.dma_semaphore, #tpu.memory_space<semaphore_mem>>) src(%dma_wait3A_338 : memref<10000x128xf32, #tpu.memory_space<hbm>>) dst(%dma_wait3A_332 : memref<128x128xf32, #tpu.memory_space<vmem>>)
      %add3A_341 = arith.constant 3 : i32
      %add3A_342 = arith.addi %while3A_320, %add3A_341 : i32
      %lt3A_343 = arith.cmpi slt, %add3A_342, %select_n3A : i32
      %convert_element_type3A_344 = arith.extui %lt3A_343 : i1 to i32
      %cond3A_345 = arith.constant 0 : i32
      %cond3A_346 = arith.cmpi ne, %convert_element_type3A_344, %cond3A_345 : i32
      scf.if %cond3A_346 {
        %add3A_351 = arith.constant 3 : i32
        %add3A_352 = arith.addi %while3A_320, %add3A_351 : i32
        %add3A_353 = arith.addi %select_n3A_8, %add3A_352 : i32
        %rem3A_354 = arith.constant 3 : i32
        %rem3A_355 = arith.remsi %add3A_352, %rem3A_354 : i32
        %rem3A_356 = arith.constant 3 : i32
        %rem3A_357 = arith.remsi %add3A_352, %rem3A_356 : i32
        %dma_start3A_358 = arith.constant 0 : i32
        %dma_start3A_359 = arith.constant 0 : i32
        %dma_start3A_360 = tpu.memref_slice %arg8[%rem3A_355, %dma_start3A_358, %dma_start3A_359] : memref<3x1x128xi32, #tpu.memory_space<vmem>> -> memref<1x1x128xi32, #tpu.memory_space<vmem>>
        %dma_start3A_361 = tpu.memref_squeeze %dma_start3A_360 : memref<1x1x128xi32, #tpu.memory_space<vmem>> -> memref<1x128xi32, #tpu.memory_space<vmem>>
        %dma_start3A_362 = arith.constant 0 : i32
        %dma_start3A_363 = arith.constant 0 : i32
        %dma_start3A_364 = tpu.memref_slice %arg2[%add3A_353, %dma_start3A_362, %dma_start3A_363] : memref<2560x1x128xi32, #tpu.memory_space<hbm>> -> memref<1x1x128xi32, #tpu.memory_space<hbm>>
        %dma_start3A_365 = tpu.memref_squeeze %dma_start3A_364 : memref<1x1x128xi32, #tpu.memory_space<hbm>> -> memref<1x128xi32, #tpu.memory_space<hbm>>
        %dma_start3A_366 = tpu.memref_slice %arg11[%rem3A_357] : memref<3x!tpu.dma_semaphore, #tpu.memory_space<semaphore_mem>> -> memref<1x!tpu.dma_semaphore, #tpu.memory_space<semaphore_mem>>
        %dma_start3A_367 = tpu.memref_squeeze %dma_start3A_366 : memref<1x!tpu.dma_semaphore, #tpu.memory_space<semaphore_mem>> -> memref<!tpu.dma_semaphore, #tpu.memory_space<semaphore_mem>>
        %dma_start3A_368 = arith.constant 0 : i32
        %dma_start3A_369 = arith.constant 0 : i32
        %dma_start3A_370 = tpu.memref_slice %arg8[%rem3A_355, %dma_start3A_368, %dma_start3A_369] : memref<3x1x128xi32, #tpu.memory_space<vmem>> -> memref<1x1x128xi32, #tpu.memory_space<vmem>>
        %dma_start3A_371 = tpu.memref_squeeze %dma_start3A_370 : memref<1x1x128xi32, #tpu.memory_space<vmem>> -> memref<1x128xi32, #tpu.memory_space<vmem>>
        %dma_start3A_372 = arith.constant 0 : i32
        %dma_start3A_373 = arith.constant 0 : i32
        %dma_start3A_374 = tpu.memref_slice %arg2[%add3A_353, %dma_start3A_372, %dma_start3A_373] : memref<2560x1x128xi32, #tpu.memory_space<hbm>> -> memref<1x1x128xi32, #tpu.memory_space<hbm>>
        %dma_start3A_375 = tpu.memref_squeeze %dma_start3A_374 : memref<1x1x128xi32, #tpu.memory_space<hbm>> -> memref<1x128xi32, #tpu.memory_space<hbm>>
        tpu.enqueue_dma source(%dma_start3A_375 : memref<1x128xi32, #tpu.memory_space<hbm>>) target(%dma_start3A_371 : memref<1x128xi32, #tpu.memory_space<vmem>>) target_semaphore(%dma_start3A_367 : memref<!tpu.dma_semaphore, #tpu.memory_space<semaphore_mem>>)
        %add3A_376 = arith.addi %select_n3A_8, %add3A_352 : i32
        %rem3A_377 = arith.constant 4 : i32
        %rem3A_378 = arith.remsi %add3A_352, %rem3A_377 : i32
        %rem3A_379 = arith.constant 4 : i32
        %rem3A_380 = arith.remsi %add3A_352, %rem3A_379 : i32
        %dma_start3A_381 = arith.constant 0 : i32
        %dma_start3A_382 = arith.constant 0 : i32
        %dma_start3A_383 = tpu.memref_slice %arg9[%rem3A_378, %dma_start3A_381, %dma_start3A_382] : memref<4x1x128xi32, #tpu.memory_space<vmem>> -> memref<1x1x128xi32, #tpu.memory_space<vmem>>
        %dma_start3A_384 = tpu.memref_squeeze %dma_start3A_383 : memref<1x1x128xi32, #tpu.memory_space<vmem>> -> memref<1x128xi32, #tpu.memory_space<vmem>>
        %dma_start3A_385 = arith.constant 0 : i32
        %dma_start3A_386 = arith.constant 0 : i32
        %dma_start3A_387 = tpu.memref_slice %arg3[%add3A_376, %dma_start3A_385, %dma_start3A_386] : memref<2560x1x128xi32, #tpu.memory_space<hbm>> -> memref<1x1x128xi32, #tpu.memory_space<hbm>>
        %dma_start3A_388 = tpu.memref_squeeze %dma_start3A_387 : memref<1x1x128xi32, #tpu.memory_space<hbm>> -> memref<1x128xi32, #tpu.memory_space<hbm>>
        %dma_start3A_389 = tpu.memref_slice %arg12[%rem3A_380] : memref<4x!tpu.dma_semaphore, #tpu.memory_space<semaphore_mem>> -> memref<1x!tpu.dma_semaphore, #tpu.memory_space<semaphore_mem>>
        %dma_start3A_390 = tpu.memref_squeeze %dma_start3A_389 : memref<1x!tpu.dma_semaphore, #tpu.memory_space<semaphore_mem>> -> memref<!tpu.dma_semaphore, #tpu.memory_space<semaphore_mem>>
        %dma_start3A_391 = arith.constant 0 : i32
        %dma_start3A_392 = arith.constant 0 : i32
        %dma_start3A_393 = tpu.memref_slice %arg9[%rem3A_378, %dma_start3A_391, %dma_start3A_392] : memref<4x1x128xi32, #tpu.memory_space<vmem>> -> memref<1x1x128xi32, #tpu.memory_space<vmem>>
        %dma_start3A_394 = tpu.memref_squeeze %dma_start3A_393 : memref<1x1x128xi32, #tpu.memory_space<vmem>> -> memref<1x128xi32, #tpu.memory_space<vmem>>
        %dma_start3A_395 = arith.constant 0 : i32
        %dma_start3A_396 = arith.constant 0 : i32
        %dma_start3A_397 = tpu.memref_slice %arg3[%add3A_376, %dma_start3A_395, %dma_start3A_396] : memref<2560x1x128xi32, #tpu.memory_space<hbm>> -> memref<1x1x128xi32, #tpu.memory_space<hbm>>
        %dma_start3A_398 = tpu.memref_squeeze %dma_start3A_397 : memref<1x1x128xi32, #tpu.memory_space<hbm>> -> memref<1x128xi32, #tpu.memory_space<hbm>>
        tpu.enqueue_dma source(%dma_start3A_398 : memref<1x128xi32, #tpu.memory_space<hbm>>) target(%dma_start3A_394 : memref<1x128xi32, #tpu.memory_space<vmem>>) target_semaphore(%dma_start3A_390 : memref<!tpu.dma_semaphore, #tpu.memory_space<semaphore_mem>>)
      } else {
      }
      %rem3A_347 = arith.constant 3 : i32
      %rem3A_348 = arith.remsi %while3A_320, %rem3A_347 : i32
      %rem3A_349 = arith.constant 4 : i32
      %rem3A_350 = arith.remsi %while3A_320, %rem3A_349 : i32
      %run_scoped3A = arith.constant 0 : i32
      "tpu.region"() ({
        %run_scoped3A_351 = tpu.sem_alloc : memref<!tpu.dma_semaphore, #tpu.memory_space<semaphore_mem>>
        %dma_start3A_352 = arith.constant 0 : i32
        %dma_start3A_353 = arith.constant 0 : i32
        %dma_start3A_354 = tpu.memref_slice %arg10[%rem3A_348, %dma_start3A_352, %dma_start3A_353] : memref<3x128x128xf32, #tpu.memory_space<vmem>> -> memref<1x128x128xf32, #tpu.memory_space<vmem>>
        %dma_start3A_355 = tpu.memref_squeeze %dma_start3A_354 : memref<1x128x128xf32, #tpu.memory_space<vmem>> -> memref<128x128xf32, #tpu.memory_space<vmem>>
        %dma_start3A_356 = arith.constant 0 : i32
        %dma_start3A_357 = tpu.memref_slice %arg9[%rem3A_350, %run_scoped3A, %dma_start3A_356] : memref<4x1x128xi32, #tpu.memory_space<vmem>> -> memref<1x1x128xi32, #tpu.memory_space<vmem>>
        %dma_start3A_358 = tpu.memref_squeeze %dma_start3A_357 : memref<1x1x128xi32, #tpu.memory_space<vmem>> -> memref<128xi32, #tpu.memory_space<vmem>>
        %dma_start3A_359 = arith.constant 0 : i32
        %dma_start3A_360 = arith.constant 0 : i32
        %dma_start3A_361 = tpu.memref_slice %arg7[%dma_start3A_359, %dma_start3A_360] : memref<10112x128xf32, #tpu.memory_space<vmem_shared>> -> memref<10112x128xf32, #tpu.memory_space<vmem_shared>>
        tpu.enqueue_indirect_dma source(%dma_start3A_355 : memref<128x128xf32, #tpu.memory_space<vmem>>) target(%dma_start3A_361 : memref<10112x128xf32, #tpu.memory_space<vmem_shared>>) offsets(%dma_start3A_358 : memref<128xi32, #tpu.memory_space<vmem>>) semaphore(%run_scoped3A_351 : memref<!tpu.dma_semaphore, #tpu.memory_space<semaphore_mem>>) {add = true}
        %dma_wait3A_362 = arith.constant 0 : i32
        %dma_wait3A_363 = arith.constant 0 : i32
        %dma_wait3A_364 = tpu.memref_slice %arg10[%rem3A_348, %dma_wait3A_362, %dma_wait3A_363] : memref<3x128x128xf32, #tpu.memory_space<vmem>> -> memref<1x128x128xf32, #tpu.memory_space<vmem>>
        %dma_wait3A_365 = tpu.memref_squeeze %dma_wait3A_364 : memref<1x128x128xf32, #tpu.memory_space<vmem>> -> memref<128x128xf32, #tpu.memory_space<vmem>>
        %dma_wait3A_366 = arith.constant 0 : i32
        %dma_wait3A_367 = tpu.memref_slice %arg9[%rem3A_350, %run_scoped3A, %dma_wait3A_366] : memref<4x1x128xi32, #tpu.memory_space<vmem>> -> memref<1x1x128xi32, #tpu.memory_space<vmem>>
        %dma_wait3A_368 = tpu.memref_squeeze %dma_wait3A_367 : memref<1x1x128xi32, #tpu.memory_space<vmem>> -> memref<128xi32, #tpu.memory_space<vmem>>
        %dma_wait3A_369 = arith.constant 0 : i32
        %dma_wait3A_370 = arith.constant 0 : i32
        %dma_wait3A_371 = tpu.memref_slice %arg7[%dma_wait3A_369, %dma_wait3A_370] : memref<10112x128xf32, #tpu.memory_space<vmem_shared>> -> memref<10112x128xf32, #tpu.memory_space<vmem_shared>>
        tpu.wait_indirect_dma semaphore(%run_scoped3A_351 : memref<!tpu.dma_semaphore, #tpu.memory_space<semaphore_mem>>) src(%dma_wait3A_365 : memref<128x128xf32, #tpu.memory_space<vmem>>) dst(%dma_wait3A_371 : memref<10112x128xf32, #tpu.memory_space<vmem_shared>>)
        tpu.yield
      }) : () -> ()
    }
    %barrier3A_315 = arith.constant 0 : index
    tpu.barrier barrier_id(%barrier3A_315)
    %mul3A_316 = arith.constant 632 : i32
    %mul3A_317 = arith.muli %arg1, %mul3A_316 : i32
    %mul3A_318 = arith.constant 632 : i32
    %mul3A_319 = arith.muli %arg1, %mul3A_318 : i32
    "tpu.region"() ({
      %run_scoped3A = tpu.sem_alloc : memref<!tpu.dma_semaphore, #tpu.memory_space<semaphore_mem>>
      %dma_start3A_320 = arith.constant 0 : i32
      %dma_start3A_321 = tpu.memref_slice %arg6[%arg0, %mul3A_319, %dma_start3A_320] : memref<2x10112x128xf32, #tpu.memory_space<hbm>> -> memref<1x632x128xf32, #tpu.memory_space<hbm>>
      %dma_start3A_322 = tpu.memref_squeeze %dma_start3A_321 : memref<1x632x128xf32, #tpu.memory_space<hbm>> -> memref<632x128xf32, #tpu.memory_space<hbm>>
      %dma_start3A_323 = arith.constant 0 : i32
      %dma_start3A_324 = tpu.memref_slice %arg7[%mul3A_317, %dma_start3A_323] : memref<10112x128xf32, #tpu.memory_space<vmem_shared>> -> memref<632x128xf32, #tpu.memory_space<vmem_shared>>
      tpu.enqueue_dma source(%dma_start3A_324 : memref<632x128xf32, #tpu.memory_space<vmem_shared>>) target(%dma_start3A_322 : memref<632x128xf32, #tpu.memory_space<hbm>>) target_semaphore(%run_scoped3A : memref<!tpu.dma_semaphore, #tpu.memory_space<semaphore_mem>>)
      %dma_wait3A_325 = arith.constant 0 : i32
      %dma_wait3A_326 = tpu.memref_slice %arg6[%arg0, %mul3A_319, %dma_wait3A_325] : memref<2x10112x128xf32, #tpu.memory_space<hbm>> -> memref<1x632x128xf32, #tpu.memory_space<hbm>>
      %dma_wait3A_327 = tpu.memref_squeeze %dma_wait3A_326 : memref<1x632x128xf32, #tpu.memory_space<hbm>> -> memref<632x128xf32, #tpu.memory_space<hbm>>
      %dma_wait3A_328 = arith.constant 0 : i32
      %dma_wait3A_329 = tpu.memref_slice %arg7[%mul3A_317, %dma_wait3A_328] : memref<10112x128xf32, #tpu.memory_space<vmem_shared>> -> memref<632x128xf32, #tpu.memory_space<vmem_shared>>
      tpu.wait_dma2 semaphore(%run_scoped3A : memref<!tpu.dma_semaphore, #tpu.memory_space<semaphore_mem>>) src(%dma_wait3A_329 : memref<632x128xf32, #tpu.memory_space<vmem_shared>>) dst(%dma_wait3A_327 : memref<632x128xf32, #tpu.memory_space<hbm>>)
      tpu.yield
    }) : () -> ()
    return
  }
}

module attributes {stable_mosaic.version = 14 : i64} {
  func.func @_hs1_body(%arg0: memref<10000x128xf32, #tpu.memory_space<vmem>>, %arg1: memref<128x128xf32, #tpu.memory_space<vmem>>, %arg2: memref<10000x1xf32, #tpu.memory_space<vmem>>, %arg3: memref<10000x1xf32, #tpu.memory_space<vmem>>, %arg4: memref<10000x128xf32, #tpu.memory_space<vmem>>) attributes {dimension_semantics = [], scalar_prefetch = 0 : i64, scratch_operands = 0 : i64, tpu.core_type = #tpu.core_type<tc>} {
    %get3A = arith.constant 0 : index
    %get3A_0 = arith.constant 0 : index
    %get3A_1 = vector.load %arg2[%get3A, %get3A_0] : memref<10000x1xf32, #tpu.memory_space<vmem>>, vector<10000x1xf32>
    %get3A_2 = arith.constant 0 : index
    %get3A_3 = arith.constant 0 : index
    %get3A_4 = vector.load %arg3[%get3A_2, %get3A_3] : memref<10000x1xf32, #tpu.memory_space<vmem>>, vector<10000x1xf32>
    %add3A = arith.addf %get3A_1, %get3A_4 : vector<10000x1xf32>
    %add3A_5 = arith.constant 1.000000e+00 : f32
    %add3A_6 = vector.broadcast %add3A_5 : f32 to vector<10000x1xf32>
    %add3A_7 = arith.addf %add3A, %add3A_6 : vector<10000x1xf32>
    %rsqrt3A = math.rsqrt %add3A_7 : vector<10000x1xf32>
    %get3A_8 = arith.constant 0 : index
    %get3A_9 = arith.constant 0 : index
    %get3A_10 = vector.load %arg0[%get3A_8, %get3A_9] : memref<10000x128xf32, #tpu.memory_space<vmem>>, vector<10000x128xf32>
    %get3A_11 = arith.constant 0 : index
    %get3A_12 = arith.constant 0 : index
    %get3A_13 = vector.load %arg1[%get3A_11, %get3A_12] : memref<128x128xf32, #tpu.memory_space<vmem>>, vector<128x128xf32>
    %dot_general3A = arith.constant dense<0.000000e+00> : vector<10000x128xf32>
    %dot_general3A_14 = tpu.matmul %get3A_10, %get3A_13, %dot_general3A {dimension_numbers = #tpu.dot_dimension_numbers<[1], [0], [0], [1], [0, 0, 1, 1], [], []>, transpose_lhs_hint = false} : vector<10000x128xf32>, vector<128x128xf32>, vector<10000x128xf32> -> vector<10000x128xf32>
    %mul3A = vector.broadcast %rsqrt3A : vector<10000x1xf32> to vector<10000x128xf32>
    %mul3A_15 = arith.mulf %mul3A, %dot_general3A_14 : vector<10000x128xf32>
    %swap3A = arith.constant 0 : index
    %swap3A_16 = arith.constant 0 : index
    %swap3A_17 = vector.load %arg4[%swap3A, %swap3A_16] : memref<10000x128xf32, #tpu.memory_space<vmem>>, vector<10000x128xf32>
    tpu.vector_store %arg4[%swap3A, %swap3A_16], %mul3A_15 {strides = array<i32>} : memref<10000x128xf32, #tpu.memory_space<vmem>>, vector<10000x128xf32>,
    return
  }
}

module attributes {stable_mosaic.version = 14 : i64} {
  func.func @_mid_body(%arg0: memref<10000x128xf32, #tpu.memory_space<vmem>>, %arg1: memref<10000x128xf32, #tpu.memory_space<vmem>>, %arg2: memref<10000x128xf32, #tpu.memory_space<vmem>>, %arg3: memref<10000x1xf32, #tpu.memory_space<vmem>>, %arg4: memref<10000x1xf32, #tpu.memory_space<vmem>>, %arg5: memref<1x128xf32, #tpu.memory_space<vmem>>, %arg6: memref<128x128xf32, #tpu.memory_space<vmem>>, %arg7: memref<10000x128xf32, #tpu.memory_space<vmem>>) attributes {dimension_semantics = [], scalar_prefetch = 0 : i64, scratch_operands = 0 : i64, tpu.core_type = #tpu.core_type<tc>} {
    %get3A = arith.constant 0 : index
    %get3A_0 = arith.constant 0 : index
    %get3A_1 = vector.load %arg3[%get3A, %get3A_0] : memref<10000x1xf32, #tpu.memory_space<vmem>>, vector<10000x1xf32>
    %get3A_2 = arith.constant 0 : index
    %get3A_3 = arith.constant 0 : index
    %get3A_4 = vector.load %arg4[%get3A_2, %get3A_3] : memref<10000x1xf32, #tpu.memory_space<vmem>>, vector<10000x1xf32>
    %add3A = arith.addf %get3A_1, %get3A_4 : vector<10000x1xf32>
    %add3A_5 = arith.constant 1.000000e+00 : f32
    %add3A_6 = vector.broadcast %add3A_5 : f32 to vector<10000x1xf32>
    %add3A_7 = arith.addf %add3A, %add3A_6 : vector<10000x1xf32>
    %rsqrt3A = math.rsqrt %add3A_7 : vector<10000x1xf32>
    %get3A_8 = arith.constant 0 : index
    %get3A_9 = arith.constant 0 : index
    %get3A_10 = vector.load %arg2[%get3A_8, %get3A_9] : memref<10000x128xf32, #tpu.memory_space<vmem>>, vector<10000x128xf32>
    %get3A_11 = arith.constant 0 : index
    %get3A_12 = arith.constant 0 : index
    %get3A_13 = vector.load %arg0[%get3A_11, %get3A_12] : memref<10000x128xf32, #tpu.memory_space<vmem>>, vector<10000x128xf32>
    %get3A_14 = arith.constant 0 : index
    %get3A_15 = arith.constant 0 : index
    %get3A_16 = vector.load %arg1[%get3A_14, %get3A_15] : memref<10000x128xf32, #tpu.memory_space<vmem>>, vector<10000x128xf32>
    %add3A_17 = arith.addf %get3A_13, %get3A_16 : vector<10000x128xf32>
    %add3A_18 = arith.addf %add3A_17, %get3A_10 : vector<10000x128xf32>
    %mul3A = vector.broadcast %rsqrt3A : vector<10000x1xf32> to vector<10000x128xf32>
    %mul3A_19 = arith.mulf %mul3A, %add3A_18 : vector<10000x128xf32>
    %get3A_20 = arith.constant 0 : index
    %get3A_21 = arith.constant 0 : index
    %get3A_22 = vector.load %arg5[%get3A_20, %get3A_21] : memref<1x128xf32, #tpu.memory_space<vmem>>, vector<1x128xf32>
    %add3A_23 = vector.broadcast %get3A_22 : vector<1x128xf32> to vector<10000x128xf32>
    %add3A_24 = arith.addf %mul3A_19, %add3A_23 : vector<10000x128xf32>
    %max3A = arith.constant 0.000000e+00 : f32
    %max3A_25 = vector.broadcast %max3A : f32 to vector<10000x128xf32>
    %max3A_26 = arith.maximumf %add3A_24, %max3A_25 : vector<10000x128xf32>
    %get3A_27 = arith.constant 0 : index
    %get3A_28 = arith.constant 0 : index
    %get3A_29 = vector.load %arg6[%get3A_27, %get3A_28] : memref<128x128xf32, #tpu.memory_space<vmem>>, vector<128x128xf32>
    %dot_general3A = arith.constant dense<0.000000e+00> : vector<10000x128xf32>
    %dot_general3A_30 = tpu.matmul %max3A_26, %get3A_29, %dot_general3A {dimension_numbers = #tpu.dot_dimension_numbers<[1], [0], [0], [1], [0, 0, 1, 1], [], []>, transpose_lhs_hint = false} : vector<10000x128xf32>, vector<128x128xf32>, vector<10000x128xf32> -> vector<10000x128xf32>
    %mul3A_31 = vector.broadcast %rsqrt3A : vector<10000x1xf32> to vector<10000x128xf32>
    %mul3A_32 = arith.mulf %mul3A_31, %dot_general3A_30 : vector<10000x128xf32>
    %swap3A = arith.constant 0 : index
    %swap3A_33 = arith.constant 0 : index
    %swap3A_34 = vector.load %arg7[%swap3A, %swap3A_33] : memref<10000x128xf32, #tpu.memory_space<vmem>>, vector<10000x128xf32>
    tpu.vector_store %arg7[%swap3A, %swap3A_33], %mul3A_32 {strides = array<i32>} : memref<10000x128xf32, #tpu.memory_space<vmem>>, vector<10000x128xf32>,
    return
  }
}

module attributes {stable_mosaic.version = 14 : i64} {
  func.func @_out_body(%arg0: memref<10000x128xf32, #tpu.memory_space<vmem>>, %arg1: memref<10000x128xf32, #tpu.memory_space<vmem>>, %arg2: memref<10000x128xf32, #tpu.memory_space<vmem>>, %arg3: memref<10000x1xf32, #tpu.memory_space<vmem>>, %arg4: memref<10000x1xf32, #tpu.memory_space<vmem>>, %arg5: memref<1x128xf32, #tpu.memory_space<vmem>>, %arg6: memref<10000x128xf32, #tpu.memory_space<vmem>>) attributes {dimension_semantics = [], scalar_prefetch = 0 : i64, scratch_operands = 0 : i64, tpu.core_type = #tpu.core_type<tc>} {
    %get3A = arith.constant 0 : index
    %get3A_0 = arith.constant 0 : index
    %get3A_1 = vector.load %arg3[%get3A, %get3A_0] : memref<10000x1xf32, #tpu.memory_space<vmem>>, vector<10000x1xf32>
    %get3A_2 = arith.constant 0 : index
    %get3A_3 = arith.constant 0 : index
    %get3A_4 = vector.load %arg4[%get3A_2, %get3A_3] : memref<10000x1xf32, #tpu.memory_space<vmem>>, vector<10000x1xf32>
    %add3A = arith.addf %get3A_1, %get3A_4 : vector<10000x1xf32>
    %add3A_5 = arith.constant 1.000000e+00 : f32
    %add3A_6 = vector.broadcast %add3A_5 : f32 to vector<10000x1xf32>
    %add3A_7 = arith.addf %add3A, %add3A_6 : vector<10000x1xf32>
    %rsqrt3A = math.rsqrt %add3A_7 : vector<10000x1xf32>
    %get3A_8 = arith.constant 0 : index
    %get3A_9 = arith.constant 0 : index
    %get3A_10 = vector.load %arg0[%get3A_8, %get3A_9] : memref<10000x128xf32, #tpu.memory_space<vmem>>, vector<10000x128xf32>
    %get3A_11 = arith.constant 0 : index
    %get3A_12 = arith.constant 0 : index
    %get3A_13 = vector.load %arg1[%get3A_11, %get3A_12] : memref<10000x128xf32, #tpu.memory_space<vmem>>, vector<10000x128xf32>
    %add3A_14 = arith.addf %get3A_10, %get3A_13 : vector<10000x128xf32>
    %get3A_15 = arith.constant 0 : index
    %get3A_16 = arith.constant 0 : index
    %get3A_17 = vector.load %arg2[%get3A_15, %get3A_16] : memref<10000x128xf32, #tpu.memory_space<vmem>>, vector<10000x128xf32>
    %add3A_18 = arith.addf %add3A_14, %get3A_17 : vector<10000x128xf32>
    %mul3A = vector.broadcast %rsqrt3A : vector<10000x1xf32> to vector<10000x128xf32>
    %mul3A_19 = arith.mulf %mul3A, %add3A_18 : vector<10000x128xf32>
    %get3A_20 = arith.constant 0 : index
    %get3A_21 = arith.constant 0 : index
    %get3A_22 = vector.load %arg5[%get3A_20, %get3A_21] : memref<1x128xf32, #tpu.memory_space<vmem>>, vector<1x128xf32>
    %add3A_23 = vector.broadcast %get3A_22 : vector<1x128xf32> to vector<10000x128xf32>
    %add3A_24 = arith.addf %mul3A_19, %add3A_23 : vector<10000x128xf32>
    %reduce_max3A = arith.constant dense<0xFF800000> : vector<10000xf32>
    %reduce_max3A_25 = vector.multi_reduction <maximumf>, %add3A_24, %reduce_max3A [1] : vector<10000x128xf32> to vector<10000xf32>
    %broadcast_in_dim3A = vector.shape_cast %reduce_max3A_25 : vector<10000xf32> to vector<10000x1xf32>
    %sub3A = vector.broadcast %broadcast_in_dim3A : vector<10000x1xf32> to vector<10000x128xf32>
    %sub3A_26 = arith.subf %add3A_24, %sub3A : vector<10000x128xf32>
    %exp3A = math.exp %sub3A_26 : vector<10000x128xf32>
    %reduce_sum3A = arith.constant dense<0.000000e+00> : vector<10000xf32>
    %reduce_sum3A_27 = vector.multi_reduction <add>, %exp3A, %reduce_sum3A [1] : vector<10000x128xf32> to vector<10000xf32>
    %broadcast_in_dim3A_28 = vector.shape_cast %reduce_sum3A_27 : vector<10000xf32> to vector<10000x1xf32>
    %log3A = math.log %broadcast_in_dim3A_28 : vector<10000x1xf32>
    %sub3A_29 = vector.broadcast %log3A : vector<10000x1xf32> to vector<10000x128xf32>
    %sub3A_30 = arith.subf %sub3A_26, %sub3A_29 : vector<10000x128xf32>
    %swap3A = arith.constant 0 : index
    %swap3A_31 = arith.constant 0 : index
    %swap3A_32 = vector.load %arg6[%swap3A, %swap3A_31] : memref<10000x128xf32, #tpu.memory_space<vmem>>, vector<10000x128xf32>
    tpu.vector_store %arg6[%swap3A, %swap3A_31], %sub3A_30 {strides = array<i32>} : memref<10000x128xf32, #tpu.memory_space<vmem>>, vector<10000x128xf32>,
    return
  }
}

</mosaic_0001>

<sc_bundles>
// kernel: kernel.11.cloned.1.call-start
scs
__scs_entry_jumppad:
0x0: {  	(pc) =	sbr.rel $0x88, $3  }
0x1: {  	(tag) =	ssettag $0x0;
	lr =	simm.s32 $0x1  }
0x2: {  	[smem:$0x3F9B] =	sst lr;
	_ =	strace $0xD0000000  }
0x3: {  	_ = 	snop  }
0x4: {  	_ = 	snop  }
0x5: {  	_ = 	snop  }
0x6: {  	_ = 	snop  }
0x7: {  	_ = 	snop  }
__scs_overlays_trampoline_lowered:
0x8: {  	[smem:$0x3FAA] =	sst s0  }
0x9: {  	[smem:$0x3FAB] =	sst s1  }
0xa: {  	[smem:$0x3FAC] =	sst s2  }
0xb: {  	[smem:$0x3FAD] =	sst s3  }
0xc: {  	[smem:$0x3FAE] =	sst s4  }
0xd: {  	[smem:$0x3FAF] =	sst s5  }
0xe: {  	[smem:$0x3FB0] =	sst s6  }
0xf: {  	[smem:$0x3FB1] =	sst s7  }
0x10: {  	[smem:$0x3FB2] =	sst s8  }
0x11: {  	[smem:$0x3FB3] =	sst s9;
	s0 =	simm.s32 @!p0 $0x0  }
0x12: {  	s1 =	sld [smem:$0x3F99];
	s0 =	simm.s32 @p0 $0x1  }
0x13: {  	[smem:$0x3FB4] =	sst s0;
	s0 =	simm.s32 @!p1 $0x0  }
0x14: {  	s2 =	sld [smem:$0x3F98];
	s0 =	simm.s32 @p1 $0x1  }
0x15: {  	[smem:$0x3FB5] =	sst s0;
	s0 =	simm.s32 @!p2 $0x0  }
0x16: {  	s3 =	sld [smem:$0x3FDB];
	s0 =	simm.s32 @p2 $0x1  }
0x17: {  	s4 =	simm.s32 $0x1BF5;
	[smem:$0x3FB7] =	sst s0  }
0x18: {  	s0 =	sld [smem:$0x3F9A];
	_ =	swait.ge [sflag:s4], $0x0  }
0x19: {  	s7 =	sld [smem:$0x3F9B]  }
0x1a: {  	s8 =	sadd.s32 $0xFFFFE003, lr  }
0x1b: {  	s9 =	sadd.s32 $0xFFFFFEF7, lr;
	s5 =	simm.s32 $0xFFFFFFFF;
	p2 =	slt.u32 s8, $0xFFFFF086  }
0x1c: {  	p1 =	slt.u32 s9, $0xF7A;
	s5 =	simm.s32 @!p2 $0x0  }
0x1d: {  	s5 =	simm.s32 @p1 $0x1;
	p0 =	seq.s32 s7, s2  }
0x1e: {  	s7 =	smul.u32 @!p0 $0xF7A, s2;
	p2 =	seq.s32 @!p0 s5, $0x0  }
0x1f: {  	s9 =	smul.u32 $0xF7A, s1;
	s8 =	simm.s32 @!p0 $0x1BF5;
	p2 =	por !p2, p0  }
0x20: {  	[sflag:s8] =	ssyncset.s32 @!p0 $0xFFFFF086;
	s6 =	sadd.s32 @!p0 s3, s7;
	s7 =	simm.s32 @!p0 $0x108  }
0x21: {  	s3 =	sadd.s32 s3, s9;
	s6 =	sadd.s32 @!p0 $0x88, s6;
	s7 =	simm.s32 @p2 $0x1082  }
0x22: {  	[simem:s7], [sflag:s8] =	dma.local @!p0 [hbm:s6], $0xF7A  }
0x23: {  	s9 =	sor.u32 $0xD0000000, s2;
	s6 =	simm.s32 $0x108;
	_ =	swait.ge @!p0 [sflag:s8], $0x0  }
0x24: {  	s3 =	sadd.s32 $0x88, s3;
	s6 =	simm.s32 @!p1 $0x1082;
	[sflag:s4] =	ssyncset.s32 $0xFFFFF086  }
0x25: {  	[simem:s6], [sflag:s4] =	dma.local [hbm:s3], $0xF7A  }
0x26: {  	[smem:$0x3F9B] =	sst s1;
	(tag) =	ssettag s2;
	_ =	strace s9  }
0x27: {  	s1 =	sld [smem:$0x3FAB]  }
0x28: {  	s2 =	sld [smem:$0x3FAC]  }
0x29: {  	s4 =	sld [smem:$0x3FAE]  }
0x2a: {  	p0 =	seq.s32 s5, $0x0;
	s5 =	sld [smem:$0x3FAF]  }
0x2b: {  	s6 =	sld [smem:$0x3FB0]  }
0x2c: {  	s7 =	sld [smem:$0x3FB1]  }
0x2d: {  	s3 =	simm.s32 $0x108;
	s8 =	sld [smem:$0x3FB2]  }
0x2e: {  	s3 =	simm.s32 @!p0 $0x1082;
	s9 =	sld [smem:$0x3FB3]  }
0x2f: {  	lr =	sadd.s32 s0, s3;
	s0 =	sld [smem:$0x3FAA]  }
0x30: {  	s3 =	sld [smem:$0x3FAD]  }
0x31: {  	[smem:$0x3FB6] =	sst s10  }
0x32: {  	s10 =	sld [smem:$0x3FB4];
	_ =	sdelay $0x3  }
0x33: {  	p0 =	seq.s32 s10, $0x1;
	s10 =	sld [smem:$0x3FB6];
	_ =	sdelay $0x3  }
0x34: {  	[smem:$0x3FB6] =	sst s10  }
0x35: {  	s10 =	sld [smem:$0x3FB5];
	_ =	sdelay $0x3  }
0x36: {  	p1 =	seq.s32 s10, $0x1;
	s10 =	sld [smem:$0x3FB6];
	_ =	sdelay $0x3  }
0x37: {  	[smem:$0x3FB6] =	sst s10  }
0x38: {  	s10 =	sld [smem:$0x3FB7]  }
0x39: {  	_ = 	snop;
	(pc) =	sbr.ind lr, $3  }
0x3a: {  	_ = 	snop  }
0x3b: {  	_ = 	snop  }
0x3c: {  	p2 =	seq.s32 s10, $0x1;
	s10 =	sld [smem:$0x3FB6]  }
0x3d: {  	_ =	shalt  }
0x3e: {  	_ =	shalt  }
0x3f: {  	_ =	shalt  }
0x40: {  	_ =	shalt  }
0x41: {  	_ =	shalt  }
0x42: {  	_ =	shalt  }
0x43: {  	_ =	shalt  }
0x44: {  	_ =	shalt  }
0x45: {  	_ =	shalt  }
0x46: {  	_ =	shalt  }
0x47: {  	_ =	shalt  }
0x48: {  	_ =	shalt  }
0x49: {  	_ =	shalt  }
0x4a: {  	_ =	shalt  }
0x4b: {  	_ =	shalt  }
0x4c: {  	_ =	shalt  }
0x4d: {  	_ =	shalt  }
0x4e: {  	_ =	shalt  }
0x4f: {  	_ =	shalt  }
0x50: {  	_ =	shalt  }
0x51: {  	_ =	shalt  }
0x52: {  	_ =	shalt  }
0x53: {  	_ =	shalt  }
0x54: {  	_ =	shalt  }
0x55: {  	_ =	shalt  }
0x56: {  	_ =	shalt  }
0x57: {  	_ =	shalt  }
0x58: {  	_ =	shalt  }
0x59: {  	_ =	shalt  }
0x5a: {  	_ =	shalt  }
0x5b: {  	_ =	shalt  }
0x5c: {  	_ =	shalt  }
0x5d: {  	_ =	shalt  }
0x5e: {  	_ =	shalt  }
0x5f: {  	_ =	shalt  }
0x60: {  	_ =	shalt  }
0x61: {  	_ =	shalt  }
0x62: {  	_ =	shalt  }
0x63: {  	_ =	shalt  }
0x64: {  	_ =	shalt  }
0x65: {  	_ =	shalt  }
0x66: {  	_ =	shalt  }
0x67: {  	_ =	shalt  }
0x68: {  	_ =	shalt  }
0x69: {  	_ =	shalt  }
0x6a: {  	_ =	shalt  }
0x6b: {  	_ =	shalt  }
0x6c: {  	_ =	shalt  }
0x6d: {  	_ =	shalt  }
0x6e: {  	_ =	shalt  }
0x6f: {  	_ =	shalt  }
0x70: {  	_ =	shalt  }
0x71: {  	_ =	shalt  }
0x72: {  	_ =	shalt  }
0x73: {  	_ =	shalt  }
0x74: {  	_ =	shalt  }
0x75: {  	_ =	shalt  }
0x76: {  	_ =	shalt  }
0x77: {  	_ =	shalt  }
0x78: {  	_ =	shalt  }
0x79: {  	_ =	shalt  }
0x7a: {  	_ =	shalt  }
0x7b: {  	_ =	shalt  }
0x7c: {  	_ =	shalt  }
0x7d: {  	_ =	shalt  }
0x7e: {  	_ =	shalt  }
0x7f: {  	_ =	shalt  }
0x80: {  	_ =	shalt  }
0x81: {  	_ =	shalt  }
0x82: {  	_ =	shalt  }
0x83: {  	_ =	shalt  }
0x84: {  	_ =	shalt  }
0x85: {  	_ =	shalt  }
0x86: {  	_ =	shalt  }
0x87: {  	_ =	shalt  }
.Lfunc_end0:
.L_simem_size_0:
called_computation.1_lowered:
.L_overlay_start_0:
0x88: {  	s2 =	sld [smem:$0x3FD9]  }
0x89: {  	s3 =	sld [smem:$0x3FFE];
	_ =	sdelay $0x1  }
0x8a: {  	s1 =	srdreg.scid  }
0x8b: {  	s0 =	sand.u32 $0x1, s1  }
0x8c: {  	s17 =	sshll.u32 s0, $0xA;
	s2 =	sadd.s32 s3, s2  }
0x8d: {  	s2 =	sadd.s32 s2, s17  }
0x8e: {  	[smem:$0x3FC2] =	sst s2  }
0x8f: {  	_ = 	snop  }
0x90: {  	s2 =	sld [smem:$0x3FD0];
	(tm) =	ssettm $0x1  }
0x91: {  	s18 =	sld [smem:$0x3FFB];
	_ =	sdelay $0x3  }
0x92: {  	_ =	strace s18  }
0x93: {  	s3 =	sld [smem:$0x3FFC];
	_ =	sdelay $0x3  }
0x94: {  	_ =	strace s3  }
0x95: {  	s3 =	sld [smem:$0x3FFD];
	_ =	sdelay $0x3  }
0x96: {  	_ =	strace s3  }
0x97: {  	_ =	strace $0x8FFFFFFF  }
0x98: {  	s19 =	sld [smem:$0x3FDB];
	_ =	sdelay $0x1  }
0x99: {  	s4 =	simm.s32 $_scs_section_size  }
0x9a: {  	s5 =	simm.s32 $_size__tile_overlayer_lowered;
	s6 =	simm.s32 $_tile_overlayer_lowered  }
0x9b: {  	s22 =	simm.s32 $0x1BFF;
	s21 =	sshll.u32 s6, $0x1;
	s3 =	sadd.s32 s4, s19  }
0x9c: {  	s7 =	simm.s32 $0x0;
	s20 =	sshll.u32 s5, $0x1;
	s5 =	sadd.s32 s21, s3  }
0x9d: {  	[timem:s7], [sflag:s22] =	dma.local [hbm:s5], s20  }
0x9e: {  	_ =	swait.ge [sflag:s22], s20  }
0x9f: {  	s4 =	ssub.s32 $0x0, s20;
	[sflag:s22] =	ssyncset.done $0x0  }
0xa0: {  	[sflag:s22] =	ssyncadd.s32 s4;
	_ =	sdelay $0x1  }
0xa1: {  	s23 =	simm.s32 $0x1B8B  }
0xa2: {  	_ =	swait.ge [sflag:s23], $0x1  }
0xa3: {  	[sflag:s23] =	ssyncset.done $0x0  }
0xa4: {  	s25 =	simm.s32 $0x1B8E;
	s24 =	sld [smem:$0x3FFE];
	[sflag:s23] =	ssyncadd.s32 $0xFFFFFFFF  }
0xa5: {  	s26 =	simm.s32 $execute0_lowered;
	[smem:$0x3FD2] =	sst s25  }
0xa6: {  	s5 =	sshll.u32 s26, $0x1;
	_ =	strace $0x80000049;
	[dreg:$0x1] =	wrdreg $0xFFFFFFFF  }
0xa7: {  	s28 =	simm.s32 $_size_execute0_lowered;
	s3 =	sadd.s32 s3, s5;
	[dreg:$0x0] =	wrdreg $0x0  }
0xa8: {  	s5 =	sshll.u32 s28, $0x1;
	[dreg:$0x2] =	wrdreg s3  }
0xa9: {  	[dreg:$0x3] =	wrdreg s5  }
0xaa: {  	[dreg:$0x4] =	wrdreg $0xC0  }
0xab: {  	_ =	task [dreg:s7], $0x5FFFF  }
0xac: {  	[dreg:$0x1] =	wrdreg $0xFFFFFFFF  }
0xad: {  	[dreg:$0x0] =	wrdreg $0x60  }
0xae: {  	[dreg:$0x2] =	wrdreg s24  }
0xaf: {  	[dreg:$0x3] =	wrdreg s2  }
0xb0: {  	[dreg:$0x4] =	wrdreg $0x0  }
0xb1: {  	[dreg:$0x5] =	wrdreg $0x9  }
0xb2: {  	_ =	task.clear_ibuf [dreg:s7], $0x6FFFF;
	_ =	strace $0x90000049  }
0xb3: {  	s29 =	simm.s32 $0x9;
	_ =	strace $0x8000004B  }
0xb4: {  	_ =	swait.ge [sflag:s29], $0x1  }
0xb5: {  	[sflag:s29] =	ssyncadd.s32 $0xFFFFFFFF  }
0xb6: {  	_ =	strace $0x9000004B  }
0xb7: {  	_ =	sfence  }
0xb8: {  	s30 =	sld [smem:$0x0];
	_ =	sdelay $0x2  }
0xb9: {  	s31 =	sshll.u32 s1, $0xD;
	s1 =	sshrl.u32 s1, $0x2  }
0xba: {  	s3 =	sand.u32 $0x4000, s31;
	s1 =	sadd.s32 s1, s30  }
0xbb: {  	s0 =	sor.u32 s3, s0;
	s1 =	sshll.u32 s1, $0x11  }
0xbc: {  	s0 =	sor.u32 s1, s0  }
0xbd: {  	s0 =	sadd.s32 $0x8F2B, s0  }
0xbe: {  	[sflag:s0] =	ssyncadd.remote.s32 $0x1  }
0xbf: {  	_ =	sfence.sel $0xFFFF  }
0xc0: {  	[dreg:$0x0] =	wrdreg $0xFFFFFFFF;
	(pc) =	sbr.abs _section_cstart, $3  }
0xc1: {  	[dreg:$0x1] =	wrdreg $0xFFFFFFFF  }
0xc2: {  	_ =	task.clear_ibuf [dreg:s7], $0x2FFFF;
	_ =	strace $0x9FFFFFFF  }
0xc3: {  	(tm) =	ssettm $0x7FFFFFFF  }
tec
execute0_lowered:
.L_overlay_start_1:
0x0: {  	(tag) =	ssettag $0x1  }
0x1: {  	s0 =	rddreg [dreg:$0x0]  }
0x2: {  	s1 =	rddreg [dreg:$0x1]  }
0x3: {  	s2 =	rddreg [dreg:$0x2];
	s3 =	srdreg.scid;
	s4 =	simm.s32 $0x0  }
0x4: {  	s12 =	stileid.u32;
	s18 =	simm.s32 $0xB;
	s28 =	simm.s32 $0x80  }
0x5: {  	s3 =	sand.u32 $0x1, s3;
	[smem:$0x7FF] =	sst s4;
	s6 =	smul.u32 $0x13C00, s12  }
0x6: {  	s7 =	sadd.s32 $0x3600, s0;
	s8 =	sadd.s32 $0xD600, s0;
	s9 =	smul.u32 $0x50, s12  }
0x7: {  	s10 =	sadd.s32 $0x17600, s0;
	s11 =	smul.u32 $0x4F000, s12;
	s24 =	sshll.u32 s12, $0x6  }
0x8: {  	s5 =	smul.u32 $0x13C000, s3;
	_ =	strace $0x8000004A;
	s20 =	ssub.s32 $0x2, s3  }
0x9: {  	p0 =	seq.s32 s3, $0x0;
	s21 =	sshrl.u32 s20, $0x1;
	s3 =	sadd.s32 $0x500, s9  }
0xa: {  	[dreg:$0x4] =	wrdreg s10;
	s22 =	ssub.s32 s20, s21;
	s3 =	smov.u32 @p0 s9  }
0xb: {  	s23 =	sshrl.u32 s11, $0x2;
	s3 =	sshll.u32 s3, $0x4;
	s30 =	smax.u32 s22, $0x1  }
0xc: {  	s5 =	sadd.s32 s6, s5;
	s26 =	sadd.s32 s8, s3;
	[dreg:$0xc] =	wrdreg s30  }
0xd: {  	s25 =	sadd.s32 s7, s3;
	s29 =	sor.u32 $0x10, s3;
	[dreg:$0x6] =	wrdreg s26  }
0xe: {  	s11 =	sadd.s32 s23, s2;
	s13 =	sadd.s32 s7, s29;
	[dreg:$0x5] =	wrdreg s25  }
0xf: {  	s3 =	sor.u32 $0x20, s3;
	s9 =	sadd.s32 s8, s29;
	[dreg:$0x7] =	wrdreg s13  }
0x10: {  	s5 =	sshrl.u32 s5, $0x3;
	s7 =	sadd.s32 s7, s3;
	[dreg:$0x8] =	wrdreg s9  }
0x11: {  	s0 =	sadd.s32 s5, s0;
	s3 =	sadd.s32 s8, s3;
	[dreg:$0x9] =	wrdreg s7  }
0x12: {  	s6 =	sor.u32 $0x1C0B, s24;
	s0 =	sadd.s32 $0x68200, s0;
	[dreg:$0xa] =	wrdreg s3  }
0x13: {  	s5 =	sshrl.u32 s11, $0x3;
	s31 =	sadd.s32 $0x30, s26;
	[dreg:$0xb] =	wrdreg s0  }
0x14: {  	[dreg:$0xd] =	wrdreg s31;
	s9 =	sadd.s32 $0x30, s25;
	s3 =	simm.s32 $0x0  }
.LBB2_1:
0x15: {  	s0 =	rddreg [dreg:$0x4]  }
0x16: {  	[spmem:s5], [sflag:s6] =	dma.local [hbm:s0], $0x2780  }
0x17: {  	_ =	swait.ge [sflag:s18], $0x2780  }
0x18: {  	[sflag:s18] =	ssyncset.done $0x0  }
0x19: {  	s17 =	smov.u32 s6;
	[sflag:s18] =	ssyncadd.s32 $0xFFFFD880  }
0x1a: {  	s10 =	smov.u32 s5;
	s31 =	simm.s32 $0x13C00;
	[bflag:$0x0] =	sbarrier.arrive $0xFFFF  }
0x1b: {  	s11 =	simm.s32 $0x13D80;
	s13 =	simm.s32 $0x13C80;
	s30 =	rddreg [dreg:$0x5]  }
0x1c: {  	[tilespmem:s31], [sflag:$0x1] =	stream.linear.gather [hbm4b:s30+s4], $0x80, $0x38;
	[tilespmem:$0x1FF80] =	vst v63  }
0x1d: {  	s7 =	simm.s32 $0x13E00;
	s16 =	simm.s32 $0x13D00;
	s8 =	rddreg [dreg:$0x6]  }
0x1e: {  	[tilespmem:s11], [sflag:$0x4] =	stream.linear.gather [hbm4b:s8+s4], $0x80, $0x38;
	[tilespmem:$0x1FF80] =	vst v63  }
0x1f: {  	s20 =	simm.s32 $0x13E80;
	s21 =	simm.s32 $0x1;
	s12 =	rddreg [dreg:$0x7]  }
0x20: {  	[tilespmem:s13], [sflag:$0x2] =	stream.linear.gather [hbm4b:s12+s4], $0x80, $0x38;
	[tilespmem:$0x1FF80] =	vst v63  }
0x21: {  	s22 =	simm.s32 $0x4;
	s23 =	simm.s32 $0x13F80;
	s14 =	rddreg [dreg:$0x8]  }
0x22: {  	[tilespmem:s7], [sflag:$0x5] =	stream.linear.gather [hbm4b:s14+s4], $0x80, $0x38;
	[tilespmem:$0x1FF80] =	vst v63  }
0x23: {  	s24 =	simm.s32 $0x2;
	s25 =	simm.s32 $0x5;
	s15 =	rddreg [dreg:$0x9]  }
0x24: {  	[tilespmem:s16], [sflag:$0x3] =	stream.linear.gather [hbm4b:s15+s4], $0x80, $0x38;
	[tilespmem:$0x1FF80] =	vst v63  }
0x25: {  	s26 =	simm.s32 $0x17F80;
	p1 =	por $0x0, $0x0;
	s19 =	rddreg [dreg:$0xa]  }
0x26: {  	[tilespmem:s20], [sflag:$0x6] =	stream.linear.gather [hbm4b:s19+s4], $0x80, $0x38;
	[tilespmem:$0x1FF80] =	vst v63  }
0x27: {  	p0 =	por $0x0, $0x0;
	s30 =	simm.s32 $0x0;
	_ =	swait.ge [sflag:s21], $0x80  }
0x28: {  	s5 =	simm.s32 @!p1 $0x2;
	s0 =	smul.u32 $0xAB, s30;
	[sflag:s21] =	ssyncset.done $0x0  }
0x29: {  	s8 =	smul.u32 @!p1 $0xAB, s5;
	s11 =	sand.u32 $0x600, s4;
	[sflag:s21] =	ssyncadd.s32 $0xFFFFFF80  }
0x2a: {  	s0 =	sshrl.u32 s0, $0x9;
	s29 =	sshrl.u32 s11, $0x2;
	_ =	swait.ge [sflag:s22], $0x80  }
0x2b: {  	s0 =	sand.u32 $0x7F, s0;
	s8 =	sshrl.u32 @!p1 s8, $0x9;
	[sflag:s22] =	ssyncset.done $0x0  }
0x2c: {  	s0 =	smul.u32 $0x3, s0;
	s8 =	sand.u32 @!p1 $0x7F, s8;
	[sflag:s22] =	ssyncadd.s32 $0xFFFFFF80  }
0x2d: {  	[tilespmem:s23], [sflag:$0x8] =	stream.indirect.gather [hbm4b:s1+s28], $0x80, s31, s28, $0xb8;
	[tilespmem:$0x1FF80] =	vst v63  }
0x2e: {  	s7 =	simm.s32 $0x3;
	s8 =	smul.u32 @!p1 $0x3, s8;
	_ =	swait.ge [sflag:s24], $0x80  }
0x2f: {  	s11 =	sand.u32 @!p1 $0x3, s5;
	s12 =	smul.u32 @!p0 $0xAB, s7;
	[sflag:s24] =	ssyncset.done $0x0  }
0x30: {  	s0 =	ssub.s32 $0x0, s0;
	s15 =	sand.u32 @!p0 $0x3, s7;
	[sflag:s24] =	ssyncadd.s32 $0xFFFFFF80  }
0x31: {  	s7 =	ssub.s32 @!p1 $0x2, s8;
	s16 =	sor.u32 @!p1 $0x4, s11;
	_ =	swait.ge [sflag:s25], $0x80  }
0x32: {  	s11 =	simm.s32 @!p0 $0x0;
	s7 =	sand.u32 @!p1 $0xFF, s7;
	[sflag:s25] =	ssyncset.done $0x0  }
0x33: {  	s14 =	sshll.u32 @!p0 s15, $0x7;
	s20 =	sadd.s32 $0x10, s9;
	[sflag:s25] =	ssyncadd.s32 $0xFFFFFF80  }
0x34: {  	[tilespmem:s26], [sflag:$0x9] =	stream.indirect.gather [hbm4b:s1+s28], $0x80, s13, s28, $0xb8;
	[tilespmem:$0x1FF80] =	vst v63  }
0x35: {  	s19 =	sshll.u32 @!p1 s7, $0xE;
	s13 =	sand.u32 $0xFF, s0;
	s0 =	sshrl.u32 @!p0 s12, $0x9  }
0x36: {  	s19 =	sor.u32 @!p1 $0x13F80, s19;
	s12 =	sadd.s32 @!p1 $0x1, s7;
	s0 =	sand.u32 @!p0 $0x7F, s0  }
0x37: {  	s22 =	simm.s32 $0x4;
	_ =	swait.ge @!p1 [sflag:s12], $0x80;
	s8 =	smul.u32 @!p0 $0x3, s0  }
0x38: {  	s24 =	simm.s32 $0x5;
	s5 =	sor.u32 $0x8, s13;
	[sflag:s12] =	ssyncset.done @!p1 $0x0  }
0x39: {  	s21 =	sshll.u32 s13, $0xE;
	[sflag:s12] =	ssyncadd.s32 @!p1 $0xFFFFFF80;
	s8 =	ssub.s32 @!p0 $0x3, s8  }
0x3a: {  	s31 =	rddreg [dreg:$0xd];
	_ =	swait.ge @!p1 [sflag:s16], $0x80;
	s8 =	sand.u32 @!p0 $0xFF, s8  }
0x3b: {  	s0 =	simm.s32 $0x200;
	[sflag:s16] =	ssyncset.done @!p1 $0x0;
	s13 =	sshll.u32 @!p0 s8, $0x7  }
0x3c: {  	s12 =	sadd.s32 @!p0 $0x1, s8;
	s8 =	sshll.u32 @!p1 s7, $0x7;
	s7 =	sor.u32 @!p1 $0x8, s7  }
0x3d: {  	[sflag:s16] =	ssyncadd.s32 @!p1 $0xFFFFFF80;
	s16 =	simm.s32 @!p1 $0x80;
	s8 =	sor.u32 @!p1 $0x13C00, s8  }
0x3e: {  	[tilespmem:s19], [sflag:s7] =	stream.indirect.gather @!p1 [hbm4b:s1+s16], $0x80, s8, s16, $0xb8;
	[tilespmem:$0x1FF80] =	vst v63  }
0x3f: {  	s23 =	sadd.s32 $0x10, s31;
	s7 =	sor.u32 @!p0 $0x13C00, s13;
	s13 =	simm.s32 $0x1  }
0x40: {  	s19 =	sadd.s32 @!p0 $0x13D80, s14;
	s14 =	sor.u32 $0x13F80, s21;
	s21 =	smul.u32 $0xAB, s13  }
0x41: {  	s8 =	sor.u32 @!p0 $0x4, s15;
	s16 =	smov.u32 s9;
	s15 =	smov.u32 s31  }
.LBB2_2:
0x42: {  	s21 =	sshrl.u32 s21, $0x9;
	_ =	swait.ge [sflag:s5], $0x4000  }
0x43: {  	s25 =	smov.u32 s22;
	s22 =	smov.u32 s24;
	s24 =	sadd.s32 $0x1, s24  }
0x44: {  	p1 =	sne.s32 s24, $0x53;
	s21 =	sand.u32 $0x7F, s21;
	[sflag:s5] =	ssyncset.done $0x0  }
0x45: {  	s26 =	sand.u32 $0x600, s0;
	s21 =	smul.u32 $0x3, s21;
	[sflag:s5] =	ssyncadd.s32 $0xFFFFC000  }
0x46: {  	[tilespmem:s7], [sflag:s12] =	stream.linear.gather @!p0 [hbm4b:s16+s11], $0x80, $0x38;
	[tilespmem:$0x1FF80] =	vst v63  }
0x47: {  	s7 =	sshrl.u32 s26, $0x2;
	s16 =	smov.u32 s20;
	s5 =	ssub.s32 s13, s21  }
0x48: {  	[tilespmem:s19], [sflag:s8] =	stream.linear.gather @!p0 [hbm4b:s15+s11], $0x80, $0x38;
	[tilespmem:$0x1FF80] =	vst v63  }
0x49: {  	p2 =	sgt.u32 s13, $0x4D;
	s8 =	sadd.s32 $0x13D80, s29  }
0x4a: {  	s29 =	smov.u32 s7;
	s15 =	smov.u32 s23;
	p0 =	sgt.u32 s13, $0x4C  }
0x4b: {  	[spmem:s2] =	stream.indirect.scatter.add.f32 [tilespmem:s14], [sflag:$0xB], $0x80, s8, s28, $0xb8;
	[tilespmem:$0x1FF80] =	vst v63  }
0x4c: {  	s7 =	sadd.s32 @!p2 $0xFFFFFFFF, s25;
	s8 =	smul.u32 @!p0 $0xAB, s25;
	_ =	swait.ge [sflag:s18], $0x4000  }
0x4d: {  	s13 =	sand.u32 $0xFF, s5;
	s11 =	smul.u32 @!p2 $0xAB, s7;
	[sflag:s18] =	ssyncset.done $0x0  }
0x4e: {  	s12 =	sand.u32 @!p2 $0x3, s7;
	s5 =	sshrl.u32 @!p0 s8, $0x9;
	[sflag:s18] =	ssyncadd.s32 $0xFFFFC000  }
0x4f: {  	s8 =	sshrl.u32 @!p2 s11, $0x9;
	s11 =	sand.u32 @!p0 $0x7F, s5  }
0x50: {  	s21 =	sand.u32 @!p0 $0x3, s25;
	s8 =	sand.u32 @!p2 $0x7F, s8;
	s11 =	smul.u32 @!p0 $0x3, s11  }
0x51: {  	s5 =	sor.u32 $0x8, s13;
	s8 =	smul.u32 @!p2 $0x3, s8  }
0x52: {  	s0 =	sadd.s32 $0x200, s0;
	s20 =	sadd.s32 $0x10, s20;
	s23 =	sadd.s32 $0x10, s23  }
0x53: {  	s14 =	sshll.u32 @!p0 s21, $0x7;
	s11 =	ssub.s32 @!p0 s25, s11;
	s7 =	ssub.s32 @!p2 s7, s8  }
0x54: {  	s25 =	sor.u32 @!p2 $0x4, s12;
	s8 =	sshll.u32 s13, $0xE;
	s13 =	sand.u32 @!p2 $0xFF, s7  }
0x55: {  	s7 =	sand.u32 @!p0 $0xFF, s11;
	s11 =	simm.s32 @!p0 $0x0;
	s26 =	sadd.s32 @!p2 $0x1, s13  }
0x56: {  	s19 =	sshll.u32 @!p0 s7, $0x7;
	s12 =	sadd.s32 @!p0 $0x1, s7;
	s30 =	sshll.u32 @!p2 s13, $0x7  }
0x57: {  	s7 =	sor.u32 @!p0 $0x13C00, s19;
	s19 =	sadd.s32 @!p0 $0x13D80, s14;
	_ =	swait.ge @!p2 [sflag:s26], $0x80  }
0x58: {  	s31 =	sshll.u32 @!p2 s13, $0xE;
	s14 =	sor.u32 $0x13F80, s8;
	[sflag:s26] =	ssyncset.done @!p2 $0x0  }
.Ltmp0:
0x59: {  	s8 =	sor.u32 @!p0 $0x4, s21;
	[sflag:s26] =	ssyncadd.s32 @!p2 $0xFFFFFF80;
	(pc) =	sbr.rel @p1 .LBB2_2-.Ltmp0, $4  }
0x5a: {  	s6 =	simm.s32 @!p2 $0x80;
	s26 =	sor.u32 @!p2 $0x8, s13;
	_ =	swait.ge @!p2 [sflag:s25], $0x80  }
0x5b: {  	s31 =	sor.u32 @!p2 $0x13F80, s31;
	s13 =	sadd.s32 $0xFFFFFFFD, s22;
	[sflag:s25] =	ssyncset.done @!p2 $0x0  }
0x5c: {  	s30 =	sor.u32 @!p2 $0x13C00, s30;
	s21 =	smul.u32 $0xAB, s13;
	[sflag:s25] =	ssyncadd.s32 @!p2 $0xFFFFFF80  }
0x5d: {  	[tilespmem:s31], [sflag:s26] =	stream.indirect.gather @!p2 [hbm4b:s1+s6], $0x80, s30, s6, $0xb8;
	[tilespmem:$0x1FF80] =	vst v63  }
0x5e: {  	_ =	swait.ge [sflag:s5], $0x4000  }
0x5f: {  	[sflag:s5] =	ssyncset.done $0x0  }
0x60: {  	p1 =	sgt.u32 s13, $0x4D;
	[sflag:s5] =	ssyncadd.s32 $0xFFFFC000  }
0x61: {  	[tilespmem:s7], [sflag:s12] =	stream.linear.gather @!p0 [hbm4b:s16+s11], $0x80, $0x38;
	[tilespmem:$0x1FF80] =	vst v63  }
0x62: {  	s6 =	sshrl.u32 s21, $0x9;
	s5 =	sadd.s32 @!p1 $0xFFFFFFFF, s22  }
0x63: {  	[tilespmem:s19], [sflag:s8] =	stream.linear.gather @!p0 [hbm4b:s15+s11], $0x80, $0x38;
	[tilespmem:$0x1FF80] =	vst v63  }
0x64: {  	s6 =	sand.u32 $0x7F, s6;
	s8 =	smul.u32 @!p1 $0xAB, s5  }
0x65: {  	s6 =	smul.u32 $0x3, s6  }
0x66: {  	s25 =	sadd.s32 $0x13D80, s29;
	s0 =	sand.u32 $0x600, s0;
	s7 =	sshrl.u32 @!p1 s8, $0x9  }
0x67: {  	s0 =	sshrl.u32 s0, $0x2;
	s6 =	ssub.s32 s13, s6;
	s7 =	sand.u32 @!p1 $0x7F, s7  }
0x68: {  	p0 =	sgt.u32 s13, $0x4C;
	s6 =	sand.u32 $0xFF, s6;
	s7 =	smul.u32 @!p1 $0x3, s7  }
0x69: {  	[spmem:s2] =	stream.indirect.scatter.add.f32 [tilespmem:s14], [sflag:$0xB], $0x80, s25, s28, $0xb8;
	[tilespmem:$0x1FF80] =	vst v63  }
0x6a: {  	s8 =	smul.u32 @!p0 $0xAB, s22;
	_ =	swait.ge [sflag:s18], $0x4000;
	s7 =	ssub.s32 @!p1 s5, s7  }
0x6b: {  	s15 =	simm.s32 @!p1 $0x80;
	[sflag:s18] =	ssyncset.done $0x0;
	s7 =	sand.u32 @!p1 $0xFF, s7  }
0x6c: {  	s8 =	sshrl.u32 @!p0 s8, $0x9;
	[sflag:s18] =	ssyncadd.s32 $0xFFFFC000;
	s11 =	sadd.s32 @!p1 $0x1, s7  }
0x6d: {  	s12 =	sand.u32 @!p0 $0x3, s22;
	s8 =	sand.u32 @!p0 $0x7F, s8;
	_ =	swait.ge @!p1 [sflag:s11], $0x80  }
0x6e: {  	s5 =	sand.u32 @!p1 $0x3, s5;
	s8 =	smul.u32 @!p0 $0x3, s8;
	[sflag:s11] =	ssyncset.done @!p1 $0x0  }
0x6f: {  	s26 =	sor.u32 $0x8, s6;
	s5 =	sor.u32 @!p1 $0x4, s5;
	[sflag:s11] =	ssyncadd.s32 @!p1 $0xFFFFFF80  }
0x70: {  	s8 =	ssub.s32 @!p0 s22, s8;
	s14 =	sshll.u32 @!p1 s7, $0xE;
	_ =	swait.ge @!p1 [sflag:s5], $0x80  }
0x71: {  	s14 =	sor.u32 @!p1 $0x13F80, s14;
	s11 =	sshll.u32 @!p1 s7, $0x7;
	[sflag:s5] =	ssyncset.done @!p1 $0x0  }
0x72: {  	s7 =	sor.u32 @!p1 $0x8, s7;
	s11 =	sor.u32 @!p1 $0x13C00, s11;
	[sflag:s5] =	ssyncadd.s32 @!p1 $0xFFFFFF80  }
0x73: {  	[tilespmem:s14], [sflag:s7] =	stream.indirect.gather @!p1 [hbm4b:s1+s15], $0x80, s11, s15, $0xb8;
	[tilespmem:$0x1FF80] =	vst v63  }
0x74: {  	s5 =	sshll.u32 @!p0 s12, $0x7;
	s7 =	sand.u32 @!p0 $0xFF, s8;
	_ =	swait.ge [sflag:s26], $0x4000  }
0x75: {  	s8 =	simm.s32 @!p0 $0x0;
	s11 =	sshll.u32 @!p0 s7, $0x7;
	[sflag:s26] =	ssyncset.done $0x0  }
0x76: {  	s7 =	sadd.s32 @!p0 $0x1, s7;
	s11 =	sor.u32 @!p0 $0x13C00, s11;
	[sflag:s26] =	ssyncadd.s32 $0xFFFFC000  }
0x77: {  	[tilespmem:s11], [sflag:s7] =	stream.linear.gather @!p0 [hbm4b:s20+s8], $0x80, $0x38;
	[tilespmem:$0x1FF80] =	vst v63  }
0x78: {  	s6 =	sshll.u32 s6, $0xE;
	s5 =	sadd.s32 @!p0 $0x13D80, s5;
	s7 =	sor.u32 @!p0 $0x4, s12  }
0x79: {  	[tilespmem:s5], [sflag:s7] =	stream.linear.gather @!p0 [hbm4b:s23+s8], $0x80, $0x38;
	[tilespmem:$0x1FF80] =	vst v63  }
0x7a: {  	s0 =	sadd.s32 $0x13D80, s0;
	s29 =	sor.u32 $0x13F80, s6  }
0x7b: {  	[spmem:s2] =	stream.indirect.scatter.add.f32 [tilespmem:s29], [sflag:$0xB], $0x80, s0, s28, $0xb8;
	[tilespmem:$0x1FF80] =	vst v63  }
0x7c: {  	_ =	swait.ge [sflag:s18], $0x4000  }
0x7d: {  	[sflag:s18] =	ssyncset.done $0x0  }
0x7e: {  	[sflag:s18] =	ssyncadd.s32 $0xFFFFC000  }
0x7f: {  	[bflag:$0x0] =	sbarrier.arrive $0xFFFF  }
0x80: {  	s30 =	rddreg [dreg:$0xb]  }
0x81: {  	[hbm:s30], [sflag:s17] =	dma.local [spmem:s10], $0x2780  }
0x82: {  	_ =	swait.ge [sflag:s18], $0x2780  }
0x83: {  	s3 =	sadd.s32 $0x1, s3;
	s31 =	rddreg [dreg:$0xc]  }
0x84: {  	p0 =	sne.s32 s3, s31  }
.Ltmp1:
0x85: {  	_ = 	snop;
	(pc) =	sbr.rel @p0 .LBB2_1-.Ltmp1, $3  }
0x86: {  	_ =	sdelay $0x1  }
0x87: {  	[sflag:s18] =	ssyncset.done $0x0  }
0x88: {  	s6 =	smov.u32 s17;
	s5 =	smov.u32 s10;
	[sflag:s18] =	ssyncadd.s32 $0xFFFFD880  }
0x89: {  	_ =	sfence.sel $0x180000  }
0x8a: {  	[bflag:$0x0] =	sbarrier.arrive $0xFFFF  }
0x8b: {  	_ =	strace $0x9000004A  }
0x8c: {  	s0 =	stileid.u32;
	[bflag:$0x2] =	sbarrier.arrive $0xFFFF  }
0x8d: {  	p0 =	sne.s32 s0, $0x0;
	s0 =	rddreg [dreg:$0x3]  }
0x8e: {  	s0 =	sadd.s32 @!p0 $0x100000, s0  }
0x8f: {  	[sflag:s0] =	ssyncadd.tile.s32 @!p0 $0x1;
	_ =	shalt  }
.Lfunc_end2:
_tile_overlayer_lowered:
.L_overlay_start_2:
0x90: {  	(tag) =	ssettag $0x2  }
0x91: {  	s0 =	rddreg [dreg:$0x0];
	s2 =	stileid.u32  }
0x92: {  	s1 =	rddreg [dreg:$0x1];
	p0 =	sne.s32 s2, $0x0  }
0x93: {  	s3 =	rddreg [dreg:$0x2];
	[bflag:$0x3] =	sbarrier.arrive $0xFFFF;
	s2 =	simm.s32 @!p0 $0x1C0B  }
0x94: {  	[timem:s3], [sflag:s2] =	dma.local @!p0 [hbm:s0], s1  }
0x95: {  	s0 =	simm.s32 @!p0 $0xB  }
0x96: {  	_ =	swait.ge @!p0 [sflag:s0], s1  }
0x97: {  	s1 =	ssub.s32 @!p0 $0x0, s1;
	[sflag:s0] =	ssyncset.done @!p0 $0x0  }
0x98: {  	[sflag:s0] =	ssyncadd.s32 @!p0 s1  }
0x99: {  	[bflag:$0x3] =	sbarrier.arrive $0xFFFF  }
0x9a: {  	_ =	shalt  }

// kernel: kernel.14.cloned.1.call-start
scs
__scs_entry_jumppad:
0x0: {  	(pc) =	sbr.rel $0x88, $3  }
0x1: {  	(tag) =	ssettag $0x0;
	lr =	simm.s32 $0x1  }
0x2: {  	[smem:$0x3F9B] =	sst lr;
	_ =	strace $0xD0000000  }
0x3: {  	_ = 	snop  }
0x4: {  	_ = 	snop  }
0x5: {  	_ = 	snop  }
0x6: {  	_ = 	snop  }
0x7: {  	_ = 	snop  }
__scs_overlays_trampoline_lowered:
0x8: {  	[smem:$0x3FAA] =	sst s0  }
0x9: {  	[smem:$0x3FAB] =	sst s1  }
0xa: {  	[smem:$0x3FAC] =	sst s2  }
0xb: {  	[smem:$0x3FAD] =	sst s3  }
0xc: {  	[smem:$0x3FAE] =	sst s4  }
0xd: {  	[smem:$0x3FAF] =	sst s5  }
0xe: {  	[smem:$0x3FB0] =	sst s6  }
0xf: {  	[smem:$0x3FB1] =	sst s7  }
0x10: {  	[smem:$0x3FB2] =	sst s8  }
0x11: {  	[smem:$0x3FB3] =	sst s9;
	s0 =	simm.s32 @!p0 $0x0  }
0x12: {  	s1 =	sld [smem:$0x3F99];
	s0 =	simm.s32 @p0 $0x1  }
0x13: {  	[smem:$0x3FB4] =	sst s0;
	s0 =	simm.s32 @!p1 $0x0  }
0x14: {  	s2 =	sld [smem:$0x3F98];
	s0 =	simm.s32 @p1 $0x1  }
0x15: {  	[smem:$0x3FB5] =	sst s0;
	s0 =	simm.s32 @!p2 $0x0  }
0x16: {  	s3 =	sld [smem:$0x3FDB];
	s0 =	simm.s32 @p2 $0x1  }
0x17: {  	s4 =	simm.s32 $0x1BF5;
	[smem:$0x3FB7] =	sst s0  }
0x18: {  	s0 =	sld [smem:$0x3F9A];
	_ =	swait.ge [sflag:s4], $0x0  }
0x19: {  	s7 =	sld [smem:$0x3F9B]  }
0x1a: {  	s8 =	sadd.s32 $0xFFFFE003, lr  }
0x1b: {  	s9 =	sadd.s32 $0xFFFFFEF7, lr;
	s5 =	simm.s32 $0xFFFFFFFF;
	p2 =	slt.u32 s8, $0xFFFFF086  }
0x1c: {  	p1 =	slt.u32 s9, $0xF7A;
	s5 =	simm.s32 @!p2 $0x0  }
0x1d: {  	s5 =	simm.s32 @p1 $0x1;
	p0 =	seq.s32 s7, s2  }
0x1e: {  	s7 =	smul.u32 @!p0 $0xF7A, s2;
	p2 =	seq.s32 @!p0 s5, $0x0  }
0x1f: {  	s9 =	smul.u32 $0xF7A, s1;
	s8 =	simm.s32 @!p0 $0x1BF5;
	p2 =	por !p2, p0  }
0x20: {  	[sflag:s8] =	ssyncset.s32 @!p0 $0xFFFFF086;
	s6 =	sadd.s32 @!p0 s3, s7;
	s7 =	simm.s32 @!p0 $0x108  }
0x21: {  	s3 =	sadd.s32 s3, s9;
	s6 =	sadd.s32 @!p0 $0x88, s6;
	s7 =	simm.s32 @p2 $0x1082  }
0x22: {  	[simem:s7], [sflag:s8] =	dma.local @!p0 [hbm:s6], $0xF7A  }
0x23: {  	s9 =	sor.u32 $0xD0000000, s2;
	s6 =	simm.s32 $0x108;
	_ =	swait.ge @!p0 [sflag:s8], $0x0  }
0x24: {  	s3 =	sadd.s32 $0x88, s3;
	s6 =	simm.s32 @!p1 $0x1082;
	[sflag:s4] =	ssyncset.s32 $0xFFFFF086  }
0x25: {  	[simem:s6], [sflag:s4] =	dma.local [hbm:s3], $0xF7A  }
0x26: {  	[smem:$0x3F9B] =	sst s1;
	(tag) =	ssettag s2;
	_ =	strace s9  }
0x27: {  	s1 =	sld [smem:$0x3FAB]  }
0x28: {  	s2 =	sld [smem:$0x3FAC]  }
0x29: {  	s4 =	sld [smem:$0x3FAE]  }
0x2a: {  	p0 =	seq.s32 s5, $0x0;
	s5 =	sld [smem:$0x3FAF]  }
0x2b: {  	s6 =	sld [smem:$0x3FB0]  }
0x2c: {  	s7 =	sld [smem:$0x3FB1]  }
0x2d: {  	s3 =	simm.s32 $0x108;
	s8 =	sld [smem:$0x3FB2]  }
0x2e: {  	s3 =	simm.s32 @!p0 $0x1082;
	s9 =	sld [smem:$0x3FB3]  }
0x2f: {  	lr =	sadd.s32 s0, s3;
	s0 =	sld [smem:$0x3FAA]  }
0x30: {  	s3 =	sld [smem:$0x3FAD]  }
0x31: {  	[smem:$0x3FB6] =	sst s10  }
0x32: {  	s10 =	sld [smem:$0x3FB4];
	_ =	sdelay $0x3  }
0x33: {  	p0 =	seq.s32 s10, $0x1;
	s10 =	sld [smem:$0x3FB6];
	_ =	sdelay $0x3  }
0x34: {  	[smem:$0x3FB6] =	sst s10  }
0x35: {  	s10 =	sld [smem:$0x3FB5];
	_ =	sdelay $0x3  }
0x36: {  	p1 =	seq.s32 s10, $0x1;
	s10 =	sld [smem:$0x3FB6];
	_ =	sdelay $0x3  }
0x37: {  	[smem:$0x3FB6] =	sst s10  }
0x38: {  	s10 =	sld [smem:$0x3FB7]  }
0x39: {  	_ = 	snop;
	(pc) =	sbr.ind lr, $3  }
0x3a: {  	_ = 	snop  }
0x3b: {  	_ = 	snop  }
0x3c: {  	p2 =	seq.s32 s10, $0x1;
	s10 =	sld [smem:$0x3FB6]  }
0x3d: {  	_ =	shalt  }
0x3e: {  	_ =	shalt  }
0x3f: {  	_ =	shalt  }
0x40: {  	_ =	shalt  }
0x41: {  	_ =	shalt  }
0x42: {  	_ =	shalt  }
0x43: {  	_ =	shalt  }
0x44: {  	_ =	shalt  }
0x45: {  	_ =	shalt  }
0x46: {  	_ =	shalt  }
0x47: {  	_ =	shalt  }
0x48: {  	_ =	shalt  }
0x49: {  	_ =	shalt  }
0x4a: {  	_ =	shalt  }
0x4b: {  	_ =	shalt  }
0x4c: {  	_ =	shalt  }
0x4d: {  	_ =	shalt  }
0x4e: {  	_ =	shalt  }
0x4f: {  	_ =	shalt  }
0x50: {  	_ =	shalt  }
0x51: {  	_ =	shalt  }
0x52: {  	_ =	shalt  }
0x53: {  	_ =	shalt  }
0x54: {  	_ =	shalt  }
0x55: {  	_ =	shalt  }
0x56: {  	_ =	shalt  }
0x57: {  	_ =	shalt  }
0x58: {  	_ =	shalt  }
0x59: {  	_ =	shalt  }
0x5a: {  	_ =	shalt  }
0x5b: {  	_ =	shalt  }
0x5c: {  	_ =	shalt  }
0x5d: {  	_ =	shalt  }
0x5e: {  	_ =	shalt  }
0x5f: {  	_ =	shalt  }
0x60: {  	_ =	shalt  }
0x61: {  	_ =	shalt  }
0x62: {  	_ =	shalt  }
0x63: {  	_ =	shalt  }
0x64: {  	_ =	shalt  }
0x65: {  	_ =	shalt  }
0x66: {  	_ =	shalt  }
0x67: {  	_ =	shalt  }
0x68: {  	_ =	shalt  }
0x69: {  	_ =	shalt  }
0x6a: {  	_ =	shalt  }
0x6b: {  	_ =	shalt  }
0x6c: {  	_ =	shalt  }
0x6d: {  	_ =	shalt  }
0x6e: {  	_ =	shalt  }
0x6f: {  	_ =	shalt  }
0x70: {  	_ =	shalt  }
0x71: {  	_ =	shalt  }
0x72: {  	_ =	shalt  }
0x73: {  	_ =	shalt  }
0x74: {  	_ =	shalt  }
0x75: {  	_ =	shalt  }
0x76: {  	_ =	shalt  }
0x77: {  	_ =	shalt  }
0x78: {  	_ =	shalt  }
0x79: {  	_ =	shalt  }
0x7a: {  	_ =	shalt  }
0x7b: {  	_ =	shalt  }
0x7c: {  	_ =	shalt  }
0x7d: {  	_ =	shalt  }
0x7e: {  	_ =	shalt  }
0x7f: {  	_ =	shalt  }
0x80: {  	_ =	shalt  }
0x81: {  	_ =	shalt  }
0x82: {  	_ =	shalt  }
0x83: {  	_ =	shalt  }
0x84: {  	_ =	shalt  }
0x85: {  	_ =	shalt  }
0x86: {  	_ =	shalt  }
0x87: {  	_ =	shalt  }
.Lfunc_end0:
.L_simem_size_0:
called_computation.2_lowered:
.L_overlay_start_0:
0x88: {  	s2 =	sld [smem:$0x3FD9]  }
0x89: {  	s3 =	sld [smem:$0x3FFE];
	_ =	sdelay $0x1  }
0x8a: {  	s1 =	srdreg.scid  }
0x8b: {  	s0 =	sand.u32 $0x1, s1  }
0x8c: {  	s17 =	sshll.u32 s0, $0xA;
	s2 =	sadd.s32 s3, s2  }
0x8d: {  	s2 =	sadd.s32 s2, s17  }
0x8e: {  	[smem:$0x3FC2] =	sst s2  }
0x8f: {  	_ = 	snop  }
0x90: {  	s2 =	sld [smem:$0x3FD0];
	(tm) =	ssettm $0x1  }
0x91: {  	s18 =	sld [smem:$0x3FFB];
	_ =	sdelay $0x3  }
0x92: {  	_ =	strace s18  }
0x93: {  	s3 =	sld [smem:$0x3FFC];
	_ =	sdelay $0x3  }
0x94: {  	_ =	strace s3  }
0x95: {  	s3 =	sld [smem:$0x3FFD];
	_ =	sdelay $0x3  }
0x96: {  	_ =	strace s3  }
0x97: {  	_ =	strace $0x8FFFFFFF  }
0x98: {  	s19 =	sld [smem:$0x3FDB];
	_ =	sdelay $0x1  }
0x99: {  	s4 =	simm.s32 $_scs_section_size  }
0x9a: {  	s5 =	simm.s32 $_size__tile_overlayer_lowered;
	s6 =	simm.s32 $_tile_overlayer_lowered  }
0x9b: {  	s22 =	simm.s32 $0x1BFF;
	s21 =	sshll.u32 s6, $0x1;
	s3 =	sadd.s32 s4, s19  }
0x9c: {  	s7 =	simm.s32 $0x0;
	s20 =	sshll.u32 s5, $0x1;
	s5 =	sadd.s32 s21, s3  }
0x9d: {  	[timem:s7], [sflag:s22] =	dma.local [hbm:s5], s20  }
0x9e: {  	_ =	swait.ge [sflag:s22], s20  }
0x9f: {  	s4 =	ssub.s32 $0x0, s20;
	[sflag:s22] =	ssyncset.done $0x0  }
0xa0: {  	[sflag:s22] =	ssyncadd.s32 s4;
	_ =	sdelay $0x1  }
0xa1: {  	s23 =	simm.s32 $0x1B8B  }
0xa2: {  	_ =	swait.ge [sflag:s23], $0x1  }
0xa3: {  	[sflag:s23] =	ssyncset.done $0x0  }
0xa4: {  	s25 =	simm.s32 $0x1B8E;
	s24 =	sld [smem:$0x3FFE];
	[sflag:s23] =	ssyncadd.s32 $0xFFFFFFFF  }
0xa5: {  	s26 =	simm.s32 $execute0_lowered;
	[smem:$0x3FD2] =	sst s25  }
0xa6: {  	s5 =	sshll.u32 s26, $0x1;
	_ =	strace $0x8000004C;
	[dreg:$0x1] =	wrdreg $0xFFFFFFFF  }
0xa7: {  	s28 =	simm.s32 $_size_execute0_lowered;
	s3 =	sadd.s32 s3, s5;
	[dreg:$0x0] =	wrdreg $0x0  }
0xa8: {  	s5 =	sshll.u32 s28, $0x1;
	[dreg:$0x2] =	wrdreg s3  }
0xa9: {  	[dreg:$0x3] =	wrdreg s5  }
0xaa: {  	[dreg:$0x4] =	wrdreg $0xC0  }
0xab: {  	_ =	task [dreg:s7], $0x5FFFF  }
0xac: {  	[dreg:$0x1] =	wrdreg $0xFFFFFFFF  }
0xad: {  	[dreg:$0x0] =	wrdreg $0x60  }
0xae: {  	[dreg:$0x2] =	wrdreg s24  }
0xaf: {  	[dreg:$0x3] =	wrdreg s2  }
0xb0: {  	[dreg:$0x4] =	wrdreg $0x0  }
0xb1: {  	[dreg:$0x5] =	wrdreg $0x9  }
0xb2: {  	_ =	task.clear_ibuf [dreg:s7], $0x6FFFF;
	_ =	strace $0x9000004C  }
0xb3: {  	s29 =	simm.s32 $0x9;
	_ =	strace $0x8000004E  }
0xb4: {  	_ =	swait.ge [sflag:s29], $0x1  }
0xb5: {  	[sflag:s29] =	ssyncadd.s32 $0xFFFFFFFF  }
0xb6: {  	_ =	strace $0x9000004E  }
0xb7: {  	_ =	sfence  }
0xb8: {  	s30 =	sld [smem:$0x0];
	_ =	sdelay $0x2  }
0xb9: {  	s31 =	sshll.u32 s1, $0xD;
	s1 =	sshrl.u32 s1, $0x2  }
0xba: {  	s3 =	sand.u32 $0x4000, s31;
	s1 =	sadd.s32 s1, s30  }
0xbb: {  	s0 =	sor.u32 s3, s0;
	s1 =	sshll.u32 s1, $0x11  }
0xbc: {  	s0 =	sor.u32 s1, s0  }
0xbd: {  	s0 =	sadd.s32 $0x8F2B, s0  }
0xbe: {  	[sflag:s0] =	ssyncadd.remote.s32 $0x1  }
0xbf: {  	_ =	sfence.sel $0xFFFF  }
0xc0: {  	[dreg:$0x0] =	wrdreg $0xFFFFFFFF;
	(pc) =	sbr.abs _section_cstart, $3  }
0xc1: {  	[dreg:$0x1] =	wrdreg $0xFFFFFFFF  }
0xc2: {  	_ =	task.clear_ibuf [dreg:s7], $0x2FFFF;
	_ =	strace $0x9FFFFFFF  }
0xc3: {  	(tm) =	ssettm $0x7FFFFFFF  }
tec
execute0_lowered:
.L_overlay_start_1:
0x0: {  	(tag) =	ssettag $0x1  }
0x1: {  	s0 =	rddreg [dreg:$0x0]  }
0x2: {  	s1 =	rddreg [dreg:$0x1]  }
0x3: {  	s2 =	rddreg [dreg:$0x2];
	s3 =	srdreg.scid;
	s4 =	simm.s32 $0x0  }
0x4: {  	s12 =	stileid.u32;
	s18 =	simm.s32 $0xB;
	s28 =	simm.s32 $0x80  }
0x5: {  	s3 =	sand.u32 $0x1, s3;
	[smem:$0x7FF] =	sst s4;
	s6 =	smul.u32 $0x13C00, s12  }
0x6: {  	s7 =	sadd.s32 $0x3600, s0;
	s8 =	sadd.s32 $0xD600, s0;
	s9 =	smul.u32 $0x50, s12  }
0x7: {  	s10 =	sadd.s32 $0x17600, s0;
	s11 =	smul.u32 $0x4F000, s12;
	s24 =	sshll.u32 s12, $0x6  }
0x8: {  	s5 =	smul.u32 $0x13C000, s3;
	_ =	strace $0x8000004D;
	s20 =	ssub.s32 $0x2, s3  }
0x9: {  	p0 =	seq.s32 s3, $0x0;
	s21 =	sshrl.u32 s20, $0x1;
	s3 =	sadd.s32 $0x500, s9  }
0xa: {  	[dreg:$0x4] =	wrdreg s10;
	s22 =	ssub.s32 s20, s21;
	s3 =	smov.u32 @p0 s9  }
0xb: {  	s23 =	sshrl.u32 s11, $0x2;
	s3 =	sshll.u32 s3, $0x4;
	s30 =	smax.u32 s22, $0x1  }
0xc: {  	s5 =	sadd.s32 s6, s5;
	s26 =	sadd.s32 s8, s3;
	[dreg:$0xc] =	wrdreg s30  }
0xd: {  	s25 =	sadd.s32 s7, s3;
	s29 =	sor.u32 $0x10, s3;
	[dreg:$0x6] =	wrdreg s26  }
0xe: {  	s11 =	sadd.s32 s23, s2;
	s13 =	sadd.s32 s7, s29;
	[dreg:$0x5] =	wrdreg s25  }
0xf: {  	s3 =	sor.u32 $0x20, s3;
	s9 =	sadd.s32 s8, s29;
	[dreg:$0x7] =	wrdreg s13  }
0x10: {  	s5 =	sshrl.u32 s5, $0x3;
	s7 =	sadd.s32 s7, s3;
	[dreg:$0x8] =	wrdreg s9  }
0x11: {  	s0 =	sadd.s32 s5, s0;
	s3 =	sadd.s32 s8, s3;
	[dreg:$0x9] =	wrdreg s7  }
0x12: {  	s6 =	sor.u32 $0x1C0B, s24;
	s0 =	sadd.s32 $0x68200, s0;
	[dreg:$0xa] =	wrdreg s3  }
0x13: {  	s5 =	sshrl.u32 s11, $0x3;
	s31 =	sadd.s32 $0x30, s26;
	[dreg:$0xb] =	wrdreg s0  }
0x14: {  	[dreg:$0xd] =	wrdreg s31;
	s9 =	sadd.s32 $0x30, s25;
	s3 =	simm.s32 $0x0  }
.LBB2_1:
0x15: {  	s0 =	rddreg [dreg:$0x4]  }
0x16: {  	[spmem:s5], [sflag:s6] =	dma.local [hbm:s0], $0x2780  }
0x17: {  	_ =	swait.ge [sflag:s18], $0x2780  }
0x18: {  	[sflag:s18] =	ssyncset.done $0x0  }
0x19: {  	s17 =	smov.u32 s6;
	[sflag:s18] =	ssyncadd.s32 $0xFFFFD880  }
0x1a: {  	s10 =	smov.u32 s5;
	s31 =	simm.s32 $0x13C00;
	[bflag:$0x0] =	sbarrier.arrive $0xFFFF  }
0x1b: {  	s11 =	simm.s32 $0x13D80;
	s13 =	simm.s32 $0x13C80;
	s30 =	rddreg [dreg:$0x5]  }
0x1c: {  	[tilespmem:s31], [sflag:$0x1] =	stream.linear.gather [hbm4b:s30+s4], $0x80, $0x38;
	[tilespmem:$0x1FF80] =	vst v63  }
0x1d: {  	s7 =	simm.s32 $0x13E00;
	s16 =	simm.s32 $0x13D00;
	s8 =	rddreg [dreg:$0x6]  }
0x1e: {  	[tilespmem:s11], [sflag:$0x4] =	stream.linear.gather [hbm4b:s8+s4], $0x80, $0x38;
	[tilespmem:$0x1FF80] =	vst v63  }
0x1f: {  	s20 =	simm.s32 $0x13E80;
	s21 =	simm.s32 $0x1;
	s12 =	rddreg [dreg:$0x7]  }
0x20: {  	[tilespmem:s13], [sflag:$0x2] =	stream.linear.gather [hbm4b:s12+s4], $0x80, $0x38;
	[tilespmem:$0x1FF80] =	vst v63  }
0x21: {  	s22 =	simm.s32 $0x4;
	s23 =	simm.s32 $0x13F80;
	s14 =	rddreg [dreg:$0x8]  }
0x22: {  	[tilespmem:s7], [sflag:$0x5] =	stream.linear.gather [hbm4b:s14+s4], $0x80, $0x38;
	[tilespmem:$0x1FF80] =	vst v63  }
0x23: {  	s24 =	simm.s32 $0x2;
	s25 =	simm.s32 $0x5;
	s15 =	rddreg [dreg:$0x9]  }
0x24: {  	[tilespmem:s16], [sflag:$0x3] =	stream.linear.gather [hbm4b:s15+s4], $0x80, $0x38;
	[tilespmem:$0x1FF80] =	vst v63  }
0x25: {  	s26 =	simm.s32 $0x17F80;
	p1 =	por $0x0, $0x0;
	s19 =	rddreg [dreg:$0xa]  }
0x26: {  	[tilespmem:s20], [sflag:$0x6] =	stream.linear.gather [hbm4b:s19+s4], $0x80, $0x38;
	[tilespmem:$0x1FF80] =	vst v63  }
0x27: {  	p0 =	por $0x0, $0x0;
	s30 =	simm.s32 $0x0;
	_ =	swait.ge [sflag:s21], $0x80  }
0x28: {  	s5 =	simm.s32 @!p1 $0x2;
	s0 =	smul.u32 $0xAB, s30;
	[sflag:s21] =	ssyncset.done $0x0  }
0x29: {  	s8 =	smul.u32 @!p1 $0xAB, s5;
	s11 =	sand.u32 $0x600, s4;
	[sflag:s21] =	ssyncadd.s32 $0xFFFFFF80  }
0x2a: {  	s0 =	sshrl.u32 s0, $0x9;
	s29 =	sshrl.u32 s11, $0x2;
	_ =	swait.ge [sflag:s22], $0x80  }
0x2b: {  	s0 =	sand.u32 $0x7F, s0;
	s8 =	sshrl.u32 @!p1 s8, $0x9;
	[sflag:s22] =	ssyncset.done $0x0  }
0x2c: {  	s0 =	smul.u32 $0x3, s0;
	s8 =	sand.u32 @!p1 $0x7F, s8;
	[sflag:s22] =	ssyncadd.s32 $0xFFFFFF80  }
0x2d: {  	[tilespmem:s23], [sflag:$0x8] =	stream.indirect.gather [hbm4b:s1+s28], $0x80, s31, s28, $0xb8;
	[tilespmem:$0x1FF80] =	vst v63  }
0x2e: {  	s7 =	simm.s32 $0x3;
	s8 =	smul.u32 @!p1 $0x3, s8;
	_ =	swait.ge [sflag:s24], $0x80  }
0x2f: {  	s11 =	sand.u32 @!p1 $0x3, s5;
	s12 =	smul.u32 @!p0 $0xAB, s7;
	[sflag:s24] =	ssyncset.done $0x0  }
0x30: {  	s0 =	ssub.s32 $0x0, s0;
	s15 =	sand.u32 @!p0 $0x3, s7;
	[sflag:s24] =	ssyncadd.s32 $0xFFFFFF80  }
0x31: {  	s7 =	ssub.s32 @!p1 $0x2, s8;
	s16 =	sor.u32 @!p1 $0x4, s11;
	_ =	swait.ge [sflag:s25], $0x80  }
0x32: {  	s11 =	simm.s32 @!p0 $0x0;
	s7 =	sand.u32 @!p1 $0xFF, s7;
	[sflag:s25] =	ssyncset.done $0x0  }
0x33: {  	s14 =	sshll.u32 @!p0 s15, $0x7;
	s20 =	sadd.s32 $0x10, s9;
	[sflag:s25] =	ssyncadd.s32 $0xFFFFFF80  }
0x34: {  	[tilespmem:s26], [sflag:$0x9] =	stream.indirect.gather [hbm4b:s1+s28], $0x80, s13, s28, $0xb8;
	[tilespmem:$0x1FF80] =	vst v63  }
0x35: {  	s19 =	sshll.u32 @!p1 s7, $0xE;
	s13 =	sand.u32 $0xFF, s0;
	s0 =	sshrl.u32 @!p0 s12, $0x9  }
0x36: {  	s19 =	sor.u32 @!p1 $0x13F80, s19;
	s12 =	sadd.s32 @!p1 $0x1, s7;
	s0 =	sand.u32 @!p0 $0x7F, s0  }
0x37: {  	s22 =	simm.s32 $0x4;
	_ =	swait.ge @!p1 [sflag:s12], $0x80;
	s8 =	smul.u32 @!p0 $0x3, s0  }
0x38: {  	s24 =	simm.s32 $0x5;
	s5 =	sor.u32 $0x8, s13;
	[sflag:s12] =	ssyncset.done @!p1 $0x0  }
0x39: {  	s21 =	sshll.u32 s13, $0xE;
	[sflag:s12] =	ssyncadd.s32 @!p1 $0xFFFFFF80;
	s8 =	ssub.s32 @!p0 $0x3, s8  }
0x3a: {  	s31 =	rddreg [dreg:$0xd];
	_ =	swait.ge @!p1 [sflag:s16], $0x80;
	s8 =	sand.u32 @!p0 $0xFF, s8  }
0x3b: {  	s0 =	simm.s32 $0x200;
	[sflag:s16] =	ssyncset.done @!p1 $0x0;
	s13 =	sshll.u32 @!p0 s8, $0x7  }
0x3c: {  	s12 =	sadd.s32 @!p0 $0x1, s8;
	s8 =	sshll.u32 @!p1 s7, $0x7;
	s7 =	sor.u32 @!p1 $0x8, s7  }
0x3d: {  	[sflag:s16] =	ssyncadd.s32 @!p1 $0xFFFFFF80;
	s16 =	simm.s32 @!p1 $0x80;
	s8 =	sor.u32 @!p1 $0x13C00, s8  }
0x3e: {  	[tilespmem:s19], [sflag:s7] =	stream.indirect.gather @!p1 [hbm4b:s1+s16], $0x80, s8, s16, $0xb8;
	[tilespmem:$0x1FF80] =	vst v63  }
0x3f: {  	s23 =	sadd.s32 $0x10, s31;
	s7 =	sor.u32 @!p0 $0x13C00, s13;
	s13 =	simm.s32 $0x1  }
0x40: {  	s19 =	sadd.s32 @!p0 $0x13D80, s14;
	s14 =	sor.u32 $0x13F80, s21;
	s21 =	smul.u32 $0xAB, s13  }
0x41: {  	s8 =	sor.u32 @!p0 $0x4, s15;
	s16 =	smov.u32 s9;
	s15 =	smov.u32 s31  }
.LBB2_2:
0x42: {  	s21 =	sshrl.u32 s21, $0x9;
	_ =	swait.ge [sflag:s5], $0x4000  }
0x43: {  	s25 =	smov.u32 s22;
	s22 =	smov.u32 s24;
	s24 =	sadd.s32 $0x1, s24  }
0x44: {  	p1 =	sne.s32 s24, $0x53;
	s21 =	sand.u32 $0x7F, s21;
	[sflag:s5] =	ssyncset.done $0x0  }
0x45: {  	s26 =	sand.u32 $0x600, s0;
	s21 =	smul.u32 $0x3, s21;
	[sflag:s5] =	ssyncadd.s32 $0xFFFFC000  }
0x46: {  	[tilespmem:s7], [sflag:s12] =	stream.linear.gather @!p0 [hbm4b:s16+s11], $0x80, $0x38;
	[tilespmem:$0x1FF80] =	vst v63  }
0x47: {  	s7 =	sshrl.u32 s26, $0x2;
	s16 =	smov.u32 s20;
	s5 =	ssub.s32 s13, s21  }
0x48: {  	[tilespmem:s19], [sflag:s8] =	stream.linear.gather @!p0 [hbm4b:s15+s11], $0x80, $0x38;
	[tilespmem:$0x1FF80] =	vst v63  }
0x49: {  	p2 =	sgt.u32 s13, $0x4D;
	s8 =	sadd.s32 $0x13D80, s29  }
0x4a: {  	s29 =	smov.u32 s7;
	s15 =	smov.u32 s23;
	p0 =	sgt.u32 s13, $0x4C  }
0x4b: {  	[spmem:s2] =	stream.indirect.scatter.add.f32 [tilespmem:s14], [sflag:$0xB], $0x80, s8, s28, $0xb8;
	[tilespmem:$0x1FF80] =	vst v63  }
0x4c: {  	s7 =	sadd.s32 @!p2 $0xFFFFFFFF, s25;
	s8 =	smul.u32 @!p0 $0xAB, s25;
	_ =	swait.ge [sflag:s18], $0x4000  }
0x4d: {  	s13 =	sand.u32 $0xFF, s5;
	s11 =	smul.u32 @!p2 $0xAB, s7;
	[sflag:s18] =	ssyncset.done $0x0  }
0x4e: {  	s12 =	sand.u32 @!p2 $0x3, s7;
	s5 =	sshrl.u32 @!p0 s8, $0x9;
	[sflag:s18] =	ssyncadd.s32 $0xFFFFC000  }
0x4f: {  	s8 =	sshrl.u32 @!p2 s11, $0x9;
	s11 =	sand.u32 @!p0 $0x7F, s5  }
0x50: {  	s21 =	sand.u32 @!p0 $0x3, s25;
	s8 =	sand.u32 @!p2 $0x7F, s8;
	s11 =	smul.u32 @!p0 $0x3, s11  }
0x51: {  	s5 =	sor.u32 $0x8, s13;
	s8 =	smul.u32 @!p2 $0x3, s8  }
0x52: {  	s0 =	sadd.s32 $0x200, s0;
	s20 =	sadd.s32 $0x10, s20;
	s23 =	sadd.s32 $0x10, s23  }
0x53: {  	s14 =	sshll.u32 @!p0 s21, $0x7;
	s11 =	ssub.s32 @!p0 s25, s11;
	s7 =	ssub.s32 @!p2 s7, s8  }
0x54: {  	s25 =	sor.u32 @!p2 $0x4, s12;
	s8 =	sshll.u32 s13, $0xE;
	s13 =	sand.u32 @!p2 $0xFF, s7  }
0x55: {  	s7 =	sand.u32 @!p0 $0xFF, s11;
	s11 =	simm.s32 @!p0 $0x0;
	s26 =	sadd.s32 @!p2 $0x1, s13  }
0x56: {  	s19 =	sshll.u32 @!p0 s7, $0x7;
	s12 =	sadd.s32 @!p0 $0x1, s7;
	s30 =	sshll.u32 @!p2 s13, $0x7  }
0x57: {  	s7 =	sor.u32 @!p0 $0x13C00, s19;
	s19 =	sadd.s32 @!p0 $0x13D80, s14;
	_ =	swait.ge @!p2 [sflag:s26], $0x80  }
0x58: {  	s31 =	sshll.u32 @!p2 s13, $0xE;
	s14 =	sor.u32 $0x13F80, s8;
	[sflag:s26] =	ssyncset.done @!p2 $0x0  }
.Ltmp0:
0x59: {  	s8 =	sor.u32 @!p0 $0x4, s21;
	[sflag:s26] =	ssyncadd.s32 @!p2 $0xFFFFFF80;
	(pc) =	sbr.rel @p1 .LBB2_2-.Ltmp0, $4  }
0x5a: {  	s6 =	simm.s32 @!p2 $0x80;
	s26 =	sor.u32 @!p2 $0x8, s13;
	_ =	swait.ge @!p2 [sflag:s25], $0x80  }
0x5b: {  	s31 =	sor.u32 @!p2 $0x13F80, s31;
	s13 =	sadd.s32 $0xFFFFFFFD, s22;
	[sflag:s25] =	ssyncset.done @!p2 $0x0  }
0x5c: {  	s30 =	sor.u32 @!p2 $0x13C00, s30;
	s21 =	smul.u32 $0xAB, s13;
	[sflag:s25] =	ssyncadd.s32 @!p2 $0xFFFFFF80  }
0x5d: {  	[tilespmem:s31], [sflag:s26] =	stream.indirect.gather @!p2 [hbm4b:s1+s6], $0x80, s30, s6, $0xb8;
	[tilespmem:$0x1FF80] =	vst v63  }
0x5e: {  	_ =	swait.ge [sflag:s5], $0x4000  }
0x5f: {  	[sflag:s5] =	ssyncset.done $0x0  }
0x60: {  	p1 =	sgt.u32 s13, $0x4D;
	[sflag:s5] =	ssyncadd.s32 $0xFFFFC000  }
0x61: {  	[tilespmem:s7], [sflag:s12] =	stream.linear.gather @!p0 [hbm4b:s16+s11], $0x80, $0x38;
	[tilespmem:$0x1FF80] =	vst v63  }
0x62: {  	s6 =	sshrl.u32 s21, $0x9;
	s5 =	sadd.s32 @!p1 $0xFFFFFFFF, s22  }
0x63: {  	[tilespmem:s19], [sflag:s8] =	stream.linear.gather @!p0 [hbm4b:s15+s11], $0x80, $0x38;
	[tilespmem:$0x1FF80] =	vst v63  }
0x64: {  	s6 =	sand.u32 $0x7F, s6;
	s8 =	smul.u32 @!p1 $0xAB, s5  }
0x65: {  	s6 =	smul.u32 $0x3, s6  }
0x66: {  	s25 =	sadd.s32 $0x13D80, s29;
	s0 =	sand.u32 $0x600, s0;
	s7 =	sshrl.u32 @!p1 s8, $0x9  }
0x67: {  	s0 =	sshrl.u32 s0, $0x2;
	s6 =	ssub.s32 s13, s6;
	s7 =	sand.u32 @!p1 $0x7F, s7  }
0x68: {  	p0 =	sgt.u32 s13, $0x4C;
	s6 =	sand.u32 $0xFF, s6;
	s7 =	smul.u32 @!p1 $0x3, s7  }
0x69: {  	[spmem:s2] =	stream.indirect.scatter.add.f32 [tilespmem:s14], [sflag:$0xB], $0x80, s25, s28, $0xb8;
	[tilespmem:$0x1FF80] =	vst v63  }
0x6a: {  	s8 =	smul.u32 @!p0 $0xAB, s22;
	_ =	swait.ge [sflag:s18], $0x4000;
	s7 =	ssub.s32 @!p1 s5, s7  }
0x6b: {  	s15 =	simm.s32 @!p1 $0x80;
	[sflag:s18] =	ssyncset.done $0x0;
	s7 =	sand.u32 @!p1 $0xFF, s7  }
0x6c: {  	s8 =	sshrl.u32 @!p0 s8, $0x9;
	[sflag:s18] =	ssyncadd.s32 $0xFFFFC000;
	s11 =	sadd.s32 @!p1 $0x1, s7  }
0x6d: {  	s12 =	sand.u32 @!p0 $0x3, s22;
	s8 =	sand.u32 @!p0 $0x7F, s8;
	_ =	swait.ge @!p1 [sflag:s11], $0x80  }
0x6e: {  	s5 =	sand.u32 @!p1 $0x3, s5;
	s8 =	smul.u32 @!p0 $0x3, s8;
	[sflag:s11] =	ssyncset.done @!p1 $0x0  }
0x6f: {  	s26 =	sor.u32 $0x8, s6;
	s5 =	sor.u32 @!p1 $0x4, s5;
	[sflag:s11] =	ssyncadd.s32 @!p1 $0xFFFFFF80  }
0x70: {  	s8 =	ssub.s32 @!p0 s22, s8;
	s14 =	sshll.u32 @!p1 s7, $0xE;
	_ =	swait.ge @!p1 [sflag:s5], $0x80  }
0x71: {  	s14 =	sor.u32 @!p1 $0x13F80, s14;
	s11 =	sshll.u32 @!p1 s7, $0x7;
	[sflag:s5] =	ssyncset.done @!p1 $0x0  }
0x72: {  	s7 =	sor.u32 @!p1 $0x8, s7;
	s11 =	sor.u32 @!p1 $0x13C00, s11;
	[sflag:s5] =	ssyncadd.s32 @!p1 $0xFFFFFF80  }
0x73: {  	[tilespmem:s14], [sflag:s7] =	stream.indirect.gather @!p1 [hbm4b:s1+s15], $0x80, s11, s15, $0xb8;
	[tilespmem:$0x1FF80] =	vst v63  }
0x74: {  	s5 =	sshll.u32 @!p0 s12, $0x7;
	s7 =	sand.u32 @!p0 $0xFF, s8;
	_ =	swait.ge [sflag:s26], $0x4000  }
0x75: {  	s8 =	simm.s32 @!p0 $0x0;
	s11 =	sshll.u32 @!p0 s7, $0x7;
	[sflag:s26] =	ssyncset.done $0x0  }
0x76: {  	s7 =	sadd.s32 @!p0 $0x1, s7;
	s11 =	sor.u32 @!p0 $0x13C00, s11;
	[sflag:s26] =	ssyncadd.s32 $0xFFFFC000  }
0x77: {  	[tilespmem:s11], [sflag:s7] =	stream.linear.gather @!p0 [hbm4b:s20+s8], $0x80, $0x38;
	[tilespmem:$0x1FF80] =	vst v63  }
0x78: {  	s6 =	sshll.u32 s6, $0xE;
	s5 =	sadd.s32 @!p0 $0x13D80, s5;
	s7 =	sor.u32 @!p0 $0x4, s12  }
0x79: {  	[tilespmem:s5], [sflag:s7] =	stream.linear.gather @!p0 [hbm4b:s23+s8], $0x80, $0x38;
	[tilespmem:$0x1FF80] =	vst v63  }
0x7a: {  	s0 =	sadd.s32 $0x13D80, s0;
	s29 =	sor.u32 $0x13F80, s6  }
0x7b: {  	[spmem:s2] =	stream.indirect.scatter.add.f32 [tilespmem:s29], [sflag:$0xB], $0x80, s0, s28, $0xb8;
	[tilespmem:$0x1FF80] =	vst v63  }
0x7c: {  	_ =	swait.ge [sflag:s18], $0x4000  }
0x7d: {  	[sflag:s18] =	ssyncset.done $0x0  }
0x7e: {  	[sflag:s18] =	ssyncadd.s32 $0xFFFFC000  }
0x7f: {  	[bflag:$0x0] =	sbarrier.arrive $0xFFFF  }
0x80: {  	s30 =	rddreg [dreg:$0xb]  }
0x81: {  	[hbm:s30], [sflag:s17] =	dma.local [spmem:s10], $0x2780  }
0x82: {  	_ =	swait.ge [sflag:s18], $0x2780  }
0x83: {  	s3 =	sadd.s32 $0x1, s3;
	s31 =	rddreg [dreg:$0xc]  }
0x84: {  	p0 =	sne.s32 s3, s31  }
.Ltmp1:
0x85: {  	_ = 	snop;
	(pc) =	sbr.rel @p0 .LBB2_1-.Ltmp1, $3  }
0x86: {  	_ =	sdelay $0x1  }
0x87: {  	[sflag:s18] =	ssyncset.done $0x0  }
0x88: {  	s6 =	smov.u32 s17;
	s5 =	smov.u32 s10;
	[sflag:s18] =	ssyncadd.s32 $0xFFFFD880  }
0x89: {  	_ =	sfence.sel $0x180000  }
0x8a: {  	[bflag:$0x0] =	sbarrier.arrive $0xFFFF  }
0x8b: {  	_ =	strace $0x9000004D  }
0x8c: {  	s0 =	stileid.u32;
	[bflag:$0x2] =	sbarrier.arrive $0xFFFF  }
0x8d: {  	p0 =	sne.s32 s0, $0x0;
	s0 =	rddreg [dreg:$0x3]  }
0x8e: {  	s0 =	sadd.s32 @!p0 $0x100000, s0  }
0x8f: {  	[sflag:s0] =	ssyncadd.tile.s32 @!p0 $0x1;
	_ =	shalt  }
.Lfunc_end2:
_tile_overlayer_lowered:
.L_overlay_start_2:
0x90: {  	(tag) =	ssettag $0x2  }
0x91: {  	s0 =	rddreg [dreg:$0x0];
	s2 =	stileid.u32  }
0x92: {  	s1 =	rddreg [dreg:$0x1];
	p0 =	sne.s32 s2, $0x0  }
0x93: {  	s3 =	rddreg [dreg:$0x2];
	[bflag:$0x3] =	sbarrier.arrive $0xFFFF;
	s2 =	simm.s32 @!p0 $0x1C0B  }
0x94: {  	[timem:s3], [sflag:s2] =	dma.local @!p0 [hbm:s0], s1  }
0x95: {  	s0 =	simm.s32 @!p0 $0xB  }
0x96: {  	_ =	swait.ge @!p0 [sflag:s0], s1  }
0x97: {  	s1 =	ssub.s32 @!p0 $0x0, s1;
	[sflag:s0] =	ssyncset.done @!p0 $0x0  }
0x98: {  	[sflag:s0] =	ssyncadd.s32 @!p0 s1  }
0x99: {  	[bflag:$0x3] =	sbarrier.arrive $0xFFFF  }
0x9a: {  	_ =	shalt  }

// kernel: kernel.8.cloned.1.call-start
scs
__scs_entry_jumppad:
0x0: {  	(pc) =	sbr.rel $0x88, $3  }
0x1: {  	(tag) =	ssettag $0x0;
	lr =	simm.s32 $0x1  }
0x2: {  	[smem:$0x3F9B] =	sst lr;
	_ =	strace $0xD0000000  }
0x3: {  	_ = 	snop  }
0x4: {  	_ = 	snop  }
0x5: {  	_ = 	snop  }
0x6: {  	_ = 	snop  }
0x7: {  	_ = 	snop  }
__scs_overlays_trampoline_lowered:
0x8: {  	[smem:$0x3FAA] =	sst s0  }
0x9: {  	[smem:$0x3FAB] =	sst s1  }
0xa: {  	[smem:$0x3FAC] =	sst s2  }
0xb: {  	[smem:$0x3FAD] =	sst s3  }
0xc: {  	[smem:$0x3FAE] =	sst s4  }
0xd: {  	[smem:$0x3FAF] =	sst s5  }
0xe: {  	[smem:$0x3FB0] =	sst s6  }
0xf: {  	[smem:$0x3FB1] =	sst s7  }
0x10: {  	[smem:$0x3FB2] =	sst s8  }
0x11: {  	[smem:$0x3FB3] =	sst s9;
	s0 =	simm.s32 @!p0 $0x0  }
0x12: {  	s1 =	sld [smem:$0x3F99];
	s0 =	simm.s32 @p0 $0x1  }
0x13: {  	[smem:$0x3FB4] =	sst s0;
	s0 =	simm.s32 @!p1 $0x0  }
0x14: {  	s2 =	sld [smem:$0x3F98];
	s0 =	simm.s32 @p1 $0x1  }
0x15: {  	[smem:$0x3FB5] =	sst s0;
	s0 =	simm.s32 @!p2 $0x0  }
0x16: {  	s3 =	sld [smem:$0x3FDB];
	s0 =	simm.s32 @p2 $0x1  }
0x17: {  	s4 =	simm.s32 $0x1BF5;
	[smem:$0x3FB7] =	sst s0  }
0x18: {  	s0 =	sld [smem:$0x3F9A];
	_ =	swait.ge [sflag:s4], $0x0  }
0x19: {  	s7 =	sld [smem:$0x3F9B]  }
0x1a: {  	s8 =	sadd.s32 $0xFFFFE003, lr  }
0x1b: {  	s9 =	sadd.s32 $0xFFFFFEF7, lr;
	s5 =	simm.s32 $0xFFFFFFFF;
	p2 =	slt.u32 s8, $0xFFFFF086  }
0x1c: {  	p1 =	slt.u32 s9, $0xF7A;
	s5 =	simm.s32 @!p2 $0x0  }
0x1d: {  	s5 =	simm.s32 @p1 $0x1;
	p0 =	seq.s32 s7, s2  }
0x1e: {  	s7 =	smul.u32 @!p0 $0xF7A, s2;
	p2 =	seq.s32 @!p0 s5, $0x0  }
0x1f: {  	s9 =	smul.u32 $0xF7A, s1;
	s8 =	simm.s32 @!p0 $0x1BF5;
	p2 =	por !p2, p0  }
0x20: {  	[sflag:s8] =	ssyncset.s32 @!p0 $0xFFFFF086;
	s6 =	sadd.s32 @!p0 s3, s7;
	s7 =	simm.s32 @!p0 $0x108  }
0x21: {  	s3 =	sadd.s32 s3, s9;
	s6 =	sadd.s32 @!p0 $0x88, s6;
	s7 =	simm.s32 @p2 $0x1082  }
0x22: {  	[simem:s7], [sflag:s8] =	dma.local @!p0 [hbm:s6], $0xF7A  }
0x23: {  	s9 =	sor.u32 $0xD0000000, s2;
	s6 =	simm.s32 $0x108;
	_ =	swait.ge @!p0 [sflag:s8], $0x0  }
0x24: {  	s3 =	sadd.s32 $0x88, s3;
	s6 =	simm.s32 @!p1 $0x1082;
	[sflag:s4] =	ssyncset.s32 $0xFFFFF086  }
0x25: {  	[simem:s6], [sflag:s4] =	dma.local [hbm:s3], $0xF7A  }
0x26: {  	[smem:$0x3F9B] =	sst s1;
	(tag) =	ssettag s2;
	_ =	strace s9  }
0x27: {  	s1 =	sld [smem:$0x3FAB]  }
0x28: {  	s2 =	sld [smem:$0x3FAC]  }
0x29: {  	s4 =	sld [smem:$0x3FAE]  }
0x2a: {  	p0 =	seq.s32 s5, $0x0;
	s5 =	sld [smem:$0x3FAF]  }
0x2b: {  	s6 =	sld [smem:$0x3FB0]  }
0x2c: {  	s7 =	sld [smem:$0x3FB1]  }
0x2d: {  	s3 =	simm.s32 $0x108;
	s8 =	sld [smem:$0x3FB2]  }
0x2e: {  	s3 =	simm.s32 @!p0 $0x1082;
	s9 =	sld [smem:$0x3FB3]  }
0x2f: {  	lr =	sadd.s32 s0, s3;
	s0 =	sld [smem:$0x3FAA]  }
0x30: {  	s3 =	sld [smem:$0x3FAD]  }
0x31: {  	[smem:$0x3FB6] =	sst s10  }
0x32: {  	s10 =	sld [smem:$0x3FB4];
	_ =	sdelay $0x3  }
0x33: {  	p0 =	seq.s32 s10, $0x1;
	s10 =	sld [smem:$0x3FB6];
	_ =	sdelay $0x3  }
0x34: {  	[smem:$0x3FB6] =	sst s10  }
0x35: {  	s10 =	sld [smem:$0x3FB5];
	_ =	sdelay $0x3  }
0x36: {  	p1 =	seq.s32 s10, $0x1;
	s10 =	sld [smem:$0x3FB6];
	_ =	sdelay $0x3  }
0x37: {  	[smem:$0x3FB6] =	sst s10  }
0x38: {  	s10 =	sld [smem:$0x3FB7]  }
0x39: {  	_ = 	snop;
	(pc) =	sbr.ind lr, $3  }
0x3a: {  	_ = 	snop  }
0x3b: {  	_ = 	snop  }
0x3c: {  	p2 =	seq.s32 s10, $0x1;
	s10 =	sld [smem:$0x3FB6]  }
0x3d: {  	_ =	shalt  }
0x3e: {  	_ =	shalt  }
0x3f: {  	_ =	shalt  }
0x40: {  	_ =	shalt  }
0x41: {  	_ =	shalt  }
0x42: {  	_ =	shalt  }
0x43: {  	_ =	shalt  }
0x44: {  	_ =	shalt  }
0x45: {  	_ =	shalt  }
0x46: {  	_ =	shalt  }
0x47: {  	_ =	shalt  }
0x48: {  	_ =	shalt  }
0x49: {  	_ =	shalt  }
0x4a: {  	_ =	shalt  }
0x4b: {  	_ =	shalt  }
0x4c: {  	_ =	shalt  }
0x4d: {  	_ =	shalt  }
0x4e: {  	_ =	shalt  }
0x4f: {  	_ =	shalt  }
0x50: {  	_ =	shalt  }
0x51: {  	_ =	shalt  }
0x52: {  	_ =	shalt  }
0x53: {  	_ =	shalt  }
0x54: {  	_ =	shalt  }
0x55: {  	_ =	shalt  }
0x56: {  	_ =	shalt  }
0x57: {  	_ =	shalt  }
0x58: {  	_ =	shalt  }
0x59: {  	_ =	shalt  }
0x5a: {  	_ =	shalt  }
0x5b: {  	_ =	shalt  }
0x5c: {  	_ =	shalt  }
0x5d: {  	_ =	shalt  }
0x5e: {  	_ =	shalt  }
0x5f: {  	_ =	shalt  }
0x60: {  	_ =	shalt  }
0x61: {  	_ =	shalt  }
0x62: {  	_ =	shalt  }
0x63: {  	_ =	shalt  }
0x64: {  	_ =	shalt  }
0x65: {  	_ =	shalt  }
0x66: {  	_ =	shalt  }
0x67: {  	_ =	shalt  }
0x68: {  	_ =	shalt  }
0x69: {  	_ =	shalt  }
0x6a: {  	_ =	shalt  }
0x6b: {  	_ =	shalt  }
0x6c: {  	_ =	shalt  }
0x6d: {  	_ =	shalt  }
0x6e: {  	_ =	shalt  }
0x6f: {  	_ =	shalt  }
0x70: {  	_ =	shalt  }
0x71: {  	_ =	shalt  }
0x72: {  	_ =	shalt  }
0x73: {  	_ =	shalt  }
0x74: {  	_ =	shalt  }
0x75: {  	_ =	shalt  }
0x76: {  	_ =	shalt  }
0x77: {  	_ =	shalt  }
0x78: {  	_ =	shalt  }
0x79: {  	_ =	shalt  }
0x7a: {  	_ =	shalt  }
0x7b: {  	_ =	shalt  }
0x7c: {  	_ =	shalt  }
0x7d: {  	_ =	shalt  }
0x7e: {  	_ =	shalt  }
0x7f: {  	_ =	shalt  }
0x80: {  	_ =	shalt  }
0x81: {  	_ =	shalt  }
0x82: {  	_ =	shalt  }
0x83: {  	_ =	shalt  }
0x84: {  	_ =	shalt  }
0x85: {  	_ =	shalt  }
0x86: {  	_ =	shalt  }
0x87: {  	_ =	shalt  }
.Lfunc_end0:
.L_simem_size_0:
called_computation_lowered:
.L_overlay_start_0:
0x88: {  	s2 =	sld [smem:$0x3FD9]  }
0x89: {  	s3 =	sld [smem:$0x3FFE];
	_ =	sdelay $0x1  }
0x8a: {  	s1 =	srdreg.scid  }
0x8b: {  	s0 =	sand.u32 $0x1, s1  }
0x8c: {  	s17 =	sshll.u32 s0, $0xA;
	s2 =	sadd.s32 s3, s2  }
0x8d: {  	s2 =	sadd.s32 s2, s17  }
0x8e: {  	[smem:$0x3FC2] =	sst s2  }
0x8f: {  	_ = 	snop  }
0x90: {  	s2 =	sld [smem:$0x3FD0];
	(tm) =	ssettm $0x1  }
0x91: {  	s18 =	sld [smem:$0x3FFB];
	_ =	sdelay $0x3  }
0x92: {  	_ =	strace s18  }
0x93: {  	s3 =	sld [smem:$0x3FFC];
	_ =	sdelay $0x3  }
0x94: {  	_ =	strace s3  }
0x95: {  	s3 =	sld [smem:$0x3FFD];
	_ =	sdelay $0x3  }
0x96: {  	_ =	strace s3  }
0x97: {  	_ =	strace $0x8FFFFFFF  }
0x98: {  	s19 =	sld [smem:$0x3FDB];
	_ =	sdelay $0x1  }
0x99: {  	s4 =	simm.s32 $_scs_section_size  }
0x9a: {  	s5 =	simm.s32 $_size__tile_overlayer_lowered;
	s6 =	simm.s32 $_tile_overlayer_lowered  }
0x9b: {  	s22 =	simm.s32 $0x1BFF;
	s21 =	sshll.u32 s6, $0x1;
	s3 =	sadd.s32 s4, s19  }
0x9c: {  	s7 =	simm.s32 $0x0;
	s20 =	sshll.u32 s5, $0x1;
	s5 =	sadd.s32 s21, s3  }
0x9d: {  	[timem:s7], [sflag:s22] =	dma.local [hbm:s5], s20  }
0x9e: {  	_ =	swait.ge [sflag:s22], s20  }
0x9f: {  	s4 =	ssub.s32 $0x0, s20;
	[sflag:s22] =	ssyncset.done $0x0  }
0xa0: {  	[sflag:s22] =	ssyncadd.s32 s4;
	_ =	sdelay $0x1  }
0xa1: {  	s23 =	simm.s32 $0x1B8B  }
0xa2: {  	_ =	swait.ge [sflag:s23], $0x1  }
0xa3: {  	[sflag:s23] =	ssyncset.done $0x0  }
0xa4: {  	s25 =	simm.s32 $0x1B8E;
	s24 =	sld [smem:$0x3FFE];
	[sflag:s23] =	ssyncadd.s32 $0xFFFFFFFF  }
0xa5: {  	s26 =	simm.s32 $execute0_lowered;
	[smem:$0x3FD2] =	sst s25  }
0xa6: {  	s5 =	sshll.u32 s26, $0x1;
	_ =	strace $0x80000046;
	[dreg:$0x1] =	wrdreg $0xFFFFFFFF  }
0xa7: {  	s28 =	simm.s32 $_size_execute0_lowered;
	s3 =	sadd.s32 s3, s5;
	[dreg:$0x0] =	wrdreg $0x0  }
0xa8: {  	s5 =	sshll.u32 s28, $0x1;
	[dreg:$0x2] =	wrdreg s3  }
0xa9: {  	[dreg:$0x3] =	wrdreg s5  }
0xaa: {  	[dreg:$0x4] =	wrdreg $0xC0  }
0xab: {  	_ =	task [dreg:s7], $0x5FFFF  }
0xac: {  	[dreg:$0x1] =	wrdreg $0xFFFFFFFF  }
0xad: {  	[dreg:$0x0] =	wrdreg $0x60  }
0xae: {  	[dreg:$0x2] =	wrdreg s24  }
0xaf: {  	[dreg:$0x3] =	wrdreg s2  }
0xb0: {  	[dreg:$0x4] =	wrdreg $0x0  }
0xb1: {  	[dreg:$0x5] =	wrdreg $0x9  }
0xb2: {  	_ =	task.clear_ibuf [dreg:s7], $0x6FFFF;
	_ =	strace $0x90000046  }
0xb3: {  	s29 =	simm.s32 $0x9;
	_ =	strace $0x80000048  }
0xb4: {  	_ =	swait.ge [sflag:s29], $0x1  }
0xb5: {  	[sflag:s29] =	ssyncadd.s32 $0xFFFFFFFF  }
0xb6: {  	_ =	strace $0x90000048  }
0xb7: {  	_ =	sfence  }
0xb8: {  	s30 =	sld [smem:$0x0];
	_ =	sdelay $0x2  }
0xb9: {  	s31 =	sshll.u32 s1, $0xD;
	s1 =	sshrl.u32 s1, $0x2  }
0xba: {  	s3 =	sand.u32 $0x4000, s31;
	s1 =	sadd.s32 s1, s30  }
0xbb: {  	s0 =	sor.u32 s3, s0;
	s1 =	sshll.u32 s1, $0x11  }
0xbc: {  	s0 =	sor.u32 s1, s0  }
0xbd: {  	s0 =	sadd.s32 $0x8F2B, s0  }
0xbe: {  	[sflag:s0] =	ssyncadd.remote.s32 $0x1  }
0xbf: {  	_ =	sfence.sel $0xFFFF  }
0xc0: {  	[dreg:$0x0] =	wrdreg $0xFFFFFFFF;
	(pc) =	sbr.abs _section_cstart, $3  }
0xc1: {  	[dreg:$0x1] =	wrdreg $0xFFFFFFFF  }
0xc2: {  	_ =	task.clear_ibuf [dreg:s7], $0x2FFFF;
	_ =	strace $0x9FFFFFFF  }
0xc3: {  	(tm) =	ssettm $0x7FFFFFFF  }
tec
execute0_lowered:
.L_overlay_start_1:
0x0: {  	(tag) =	ssettag $0x1  }
0x1: {  	s6 =	rddreg [dreg:$0x0]  }
0x2: {  	s1 =	srdreg.scid;
	s2 =	rddreg [dreg:$0x1]  }
0x3: {  	s0 =	stileid.u32;
	s3 =	rddreg [dreg:$0x2]  }
0x4: {  	s4 =	simm.s32 $0x0;
	s12 =	simm.s32 $0x16400;
	s13 =	simm.s32 $0x13C00  }
0x5: {  	s14 =	simm.s32 $0x80;
	s15 =	simm.s32 $0x13C80;
	s16 =	simm.s32 $0x13D00  }
0x6: {  	s17 =	simm.s32 $0x13D80;
	s18 =	simm.s32 $0x1;
	s19 =	simm.s32 $0x2  }
0x7: {  	s20 =	simm.s32 $0x3;
	s21 =	simm.s32 $0x4;
	s22 =	simm.s32 $0x0  }
0x8: {  	s5 =	sand.u32 $0x1, s1;
	s26 =	sshll.u32 s0, $0x1;
	s9 =	smul.u32 $0x13C00, s0  }
0x9: {  	[smem:$0x7FF] =	sst s4;
	s10 =	smul.u32 $0x4F000, s0;
	s31 =	sshll.u32 s0, $0x6  }
0xa: {  	s1 =	sor.u32 s5, s26;
	s8 =	smul.u32 $0x13C000, s5;
	s28 =	ssub.s32 $0x2, s5  }
0xb: {  	s5 =	sadd.s32 $0x17600, s6;
	s7 =	smul.u32 $0x500, s1;
	s1 =	rddreg [dreg:$0x3]  }
0xc: {  	_ =	strace $0x80000047;
	s29 =	sshrl.u32 s28, $0x1;
	s30 =	sshrl.u32 s10, $0x2  }
0xd: {  	s8 =	sadd.s32 s9, s8;
	s9 =	ssub.s32 s28, s29;
	s11 =	sadd.s32 s30, s3  }
0xe: {  	s7 =	sadd.s32 s7, s6;
	s8 =	sshrl.u32 s8, $0x3;
	s9 =	smax.u32 s9, $0x1  }
0xf: {  	s10 =	sshrl.u32 s11, $0x3;
	s11 =	simm.s32 $0x5;
	s8 =	sadd.s32 s8, s6  }
0x10: {  	s6 =	sor.u32 $0x1C05, s31;
	s7 =	sadd.s32 $0xD600, s7;
	s8 =	sadd.s32 $0x19E00, s8  }
.LBB2_1:
0x11: {  	[spmem:s10], [sflag:s6] =	dma.local [hbm:s5], $0x2780  }
0x12: {  	_ =	swait.ge [sflag:s11], $0x2780  }
0x13: {  	[sflag:s11] =	ssyncset.done $0x0  }
0x14: {  	[sflag:s11] =	ssyncadd.s32 $0xFFFFD880  }
0x15: {  	[tilespmem:s12], [sflag:$0x5] =	stream.linear.gather [hbm4b:s2+s4], $0x4000, $0x38;
	[tilespmem:$0x1A400] =	vst v63  }
0x16: {  	_ =	swait.ge [sflag:s11], $0x4000  }
0x17: {  	[sflag:s11] =	ssyncset.done $0x0  }
0x18: {  	[sflag:s11] =	ssyncadd.s32 $0xFFFFC000  }
0x19: {  	[tilespmem:s13], [sflag:$0x5] =	stream.linear.gather [hbm4b:s7+s4], $0x2800, $0x38;
	[tilespmem:$0x1A400] =	vst v63  }
0x1a: {  	_ =	swait.ge [sflag:s11], $0x2800  }
0x1b: {  	[sflag:s11] =	ssyncset.done $0x0  }
0x1c: {  	[sflag:s11] =	ssyncadd.s32 $0xFFFFD800  }
0x1d: {  	[bflag:$0x0] =	sbarrier.arrive $0xFFFF  }
0x1e: {  	[spmem:s3] =	stream.indirect.scatter.add.f32 [tilespmem:s12], [sflag:$0x1], $0x80, s13, s14, $0xb8;
	[tilespmem:$0x1A400] =	vst v63  }
0x1f: {  	_ = 	snop  }
0x20: {  	[spmem:s3] =	stream.indirect.scatter.add.f32 [tilespmem:s12], [sflag:$0x2], $0x80, s15, s14, $0xb8;
	[tilespmem:$0x1A400] =	vst v63  }
0x21: {  	s23 =	sand.u32 $0x3, s21  }
0x22: {  	[spmem:s3] =	stream.indirect.scatter.add.f32 [tilespmem:s12], [sflag:$0x3], $0x80, s16, s14, $0xb8;
	[tilespmem:$0x1A400] =	vst v63  }
0x23: {  	s24 =	sadd.s32 $0x1, s23  }
0x24: {  	[spmem:s3] =	stream.indirect.scatter.add.f32 [tilespmem:s12], [sflag:$0x4], $0x80, s17, s14, $0xb8;
	[tilespmem:$0x1A400] =	vst v63  }
0x25: {  	_ =	swait.ge [sflag:s24], $0x4000  }
0x26: {  	s25 =	simm.s32 $0x5;
	[sflag:s24] =	ssyncset.done $0x0  }
0x27: {  	s23 =	simm.s32 $0x13E00;
	s25 =	sand.u32 $0x3, s25;
	[sflag:s24] =	ssyncadd.s32 $0xFFFFC000  }
0x28: {  	[spmem:s3] =	stream.indirect.scatter.add.f32 [tilespmem:s12], [sflag:s24], $0x80, s23, s14, $0xb8;
	[tilespmem:$0x1A400] =	vst v63  }
0x29: {  	s24 =	sadd.s32 $0x1, s25  }
0x2a: {  	s25 =	simm.s32 $0x6;
	_ =	swait.ge [sflag:s24], $0x4000  }
.LBB2_2:
0x2b: {  	s26 =	sand.u32 $0x3, s25  }
0x2c: {  	[sflag:s24] =	ssyncset.done $0x0;
	s23 =	sadd.s32 $0x80, s23;
	p0 =	sne.s32 s25, $0x4F  }
.Ltmp0:
0x2d: {  	s26 =	sadd.s32 $0x1, s26;
	[sflag:s24] =	ssyncadd.s32 $0xFFFFC000;
	(pc) =	sbr.rel @p0 .LBB2_2-.Ltmp0, $3  }
0x2e: {  	[spmem:s3] =	stream.indirect.scatter.add.f32 [tilespmem:s12], [sflag:s24], $0x80, s23, s14, $0xb8;
	[tilespmem:$0x1A400] =	vst v63  }
0x2f: {  	s24 =	smov.u32 s26;
	_ =	swait.ge [sflag:s26], $0x4000;
	_ =	sdelay $0x1  }
0x30: {  	s25 =	sadd.s32 $0x1, s25  }
0x31: {  	[sflag:s24] =	ssyncset.done $0x0  }
0x32: {  	s23 =	sadd.s32 $0x80, s23;
	[sflag:s24] =	ssyncadd.s32 $0xFFFFC000  }
0x33: {  	[spmem:s3] =	stream.indirect.scatter.add.f32 [tilespmem:s12], [sflag:s24], $0x80, s23, s14, $0xb8;
	[tilespmem:$0x1A400] =	vst v63  }
0x34: {  	_ =	swait.ge [sflag:s18], $0x4000  }
0x35: {  	[sflag:s18] =	ssyncset.done $0x0  }
0x36: {  	[sflag:s18] =	ssyncadd.s32 $0xFFFFC000  }
0x37: {  	_ =	swait.ge [sflag:s19], $0x4000  }
0x38: {  	[sflag:s19] =	ssyncset.done $0x0  }
0x39: {  	[sflag:s19] =	ssyncadd.s32 $0xFFFFC000  }
0x3a: {  	_ =	swait.ge [sflag:s20], $0x4000  }
0x3b: {  	[sflag:s20] =	ssyncset.done $0x0  }
0x3c: {  	[sflag:s20] =	ssyncadd.s32 $0xFFFFC000  }
0x3d: {  	_ =	swait.ge [sflag:s21], $0x4000  }
0x3e: {  	s22 =	sadd.s32 $0x1, s22;
	[sflag:s21] =	ssyncset.done $0x0  }
0x3f: {  	p0 =	sne.s32 s22, s9;
	[sflag:s21] =	ssyncadd.s32 $0xFFFFC000  }
.Ltmp1:
0x40: {  	[bflag:$0x0] =	sbarrier.arrive $0xFFFF;
	(pc) =	sbr.rel @p0 .LBB2_1-.Ltmp1, $4  }
0x41: {  	[hbm:s8], [sflag:s6] =	dma.local [spmem:s10], $0x2780  }
0x42: {  	_ =	swait.ge [sflag:s11], $0x2780  }
0x43: {  	[sflag:s11] =	ssyncset.done $0x0  }
0x44: {  	[sflag:s11] =	ssyncadd.s32 $0xFFFFD880  }
0x45: {  	_ =	sfence.sel $0x180000  }
0x46: {  	[bflag:$0x0] =	sbarrier.arrive $0xFFFF  }
0x47: {  	p0 =	sne.s32 s0, $0x0;
	_ =	strace $0x90000047  }
0x48: {  	s0 =	sadd.s32 @!p0 $0x100000, s1;
	[bflag:$0x2] =	sbarrier.arrive $0xFFFF  }
0x49: {  	[sflag:s0] =	ssyncadd.tile.s32 @!p0 $0x1;
	_ =	shalt  }
.Lfunc_end2:
_tile_overlayer_lowered:
.L_overlay_start_2:
0x4a: {  	(tag) =	ssettag $0x2  }
0x4b: {  	s0 =	rddreg [dreg:$0x0];
	s2 =	stileid.u32  }
0x4c: {  	s1 =	rddreg [dreg:$0x1];
	p0 =	sne.s32 s2, $0x0  }
0x4d: {  	s3 =	rddreg [dreg:$0x2];
	[bflag:$0x3] =	sbarrier.arrive $0xFFFF;
	s2 =	simm.s32 @!p0 $0x1C05  }
0x4e: {  	[timem:s3], [sflag:s2] =	dma.local @!p0 [hbm:s0], s1  }
0x4f: {  	s0 =	simm.s32 @!p0 $0x5  }
0x50: {  	_ =	swait.ge @!p0 [sflag:s0], s1  }
0x51: {  	s1 =	ssub.s32 @!p0 $0x0, s1;
	[sflag:s0] =	ssyncset.done @!p0 $0x0  }
0x52: {  	[sflag:s0] =	ssyncadd.s32 @!p0 s1  }
0x53: {  	[bflag:$0x3] =	sbarrier.arrive $0xFFFF  }
0x54: {  	_ =	shalt  }

</sc_bundles>
